<compile_context>
chip_gen: v7x
topology: tpu7x:2x2x1
jax: 0.10.2.dev20260603
libtpu: 0.0.44.dev20260713+nightly
codegen_flags: <defaults>
</compile_context>

<pallas_src>
import functools

import jax
import jax.numpy as jnp
from jax import lax
from jax.experimental import pallas as pl
from jax.experimental.pallas import tpu as pltpu
from jax.experimental.pallas import tpu_sc as plsc

N = 10000
NP = 10240
D = 128
G = 64
E = 320000
NTILES = 32
CHUNK = 128
NCHUNKS = 80
EPT = NCHUNKS * CHUNK
ROWS_PER_TILE = NP // 16
NBLK = 10
BLK = NP // NBLK

_mesh = plsc.VectorSubcoreMesh(core_axis_name="c", subcore_axis_name="s")


def _zero_rows(buf, nrows):
    zeros16 = jnp.zeros((16,), jnp.float32)

    def body(r, _):
        for j in range(buf.shape[1] // 16):
            buf[r, pl.ds(j * 16, 16)] = zeros16
        return 0

    lax.fori_loop(0, nrows, body, 0)


@functools.partial(
    pl.kernel,
    out_type=jax.ShapeDtypeStruct((2, NP, 16), jnp.float32),
    mesh=_mesh,
    scratch_types=[
        pltpu.VMEM((NCHUNKS, CHUNK), jnp.int32),
        pltpu.VMEM((CHUNK, 16), jnp.float32),
        pltpu.VMEM_SHARED((NP, 16), jnp.float32),
        pltpu.SemaphoreType.DMA,
    ],
)
def _deg_kernel(dst_hbm, degp_hbm, idx_v, ones_v, deg_sh, sem):
    cid = lax.axis_index("c")
    sid = lax.axis_index("s")
    wid = cid * 16 + sid

    ones16 = jnp.ones((16,), jnp.float32)

    def fill(r, _):
        ones_v[r, :] = ones16
        return 0

    lax.fori_loop(0, CHUNK, fill, 0)

    def zslice(t, _):
        pltpu.sync_copy(
            ones_v,
            deg_sh.at[pl.ds(sid * ROWS_PER_TILE + t * CHUNK, CHUNK)],
        )
        return 0

    _zero_rows(ones_v, CHUNK)
    lax.fori_loop(0, ROWS_PER_TILE // CHUNK, zslice, 0)
    lax.fori_loop(0, CHUNK, fill, 0)
    plsc.subcore_barrier()

    pltpu.sync_copy(dst_hbm.at[wid], idx_v)

    def step(j, _):
        pltpu.sync_copy(ones_v, deg_sh.at[idx_v.at[j]], add=True)
        return 0

    lax.fori_loop(0, NCHUNKS, step, 0)
    plsc.subcore_barrier()

    pltpu.sync_copy(
        deg_sh.at[pl.ds(sid * ROWS_PER_TILE, ROWS_PER_TILE)],
        degp_hbm.at[cid, pl.ds(sid * ROWS_PER_TILE, ROWS_PER_TILE)],
    )


@functools.partial(
    pl.kernel,
    out_type=jax.ShapeDtypeStruct((2, NP, D), jnp.float32),
    mesh=_mesh,
    scratch_types=[
        pltpu.VMEM((NCHUNKS, CHUNK), jnp.int32),
        pltpu.VMEM((NCHUNKS, CHUNK), jnp.int32),
        pltpu.VMEM((CHUNK, D), jnp.float32),
        pltpu.VMEM_SHARED((NP, D), jnp.float32),
    ],
)
def _segsum_kernel(y_hbm, src_hbm, dst_hbm, zp_hbm, src_v, dst_v, buf, z_sh):
    cid = lax.axis_index("c")
    sid = lax.axis_index("s")
    wid = cid * 16 + sid

    _zero_rows(buf, CHUNK)

    def zslice(t, _):
        pltpu.sync_copy(
            buf,
            z_sh.at[pl.ds(sid * ROWS_PER_TILE + t * CHUNK, CHUNK)],
        )
        return 0

    lax.fori_loop(0, ROWS_PER_TILE // CHUNK, zslice, 0)
    plsc.subcore_barrier()

    pltpu.sync_copy(src_hbm.at[wid], src_v)
    pltpu.sync_copy(dst_hbm.at[wid], dst_v)

    def step(j, _):
        pltpu.sync_copy(y_hbm.at[src_v.at[j]], buf)
        pltpu.sync_copy(buf, z_sh.at[dst_v.at[j]], add=True)
        return 0

    lax.fori_loop(0, NCHUNKS, step, 0)
    plsc.subcore_barrier()

    pltpu.sync_copy(
        z_sh.at[pl.ds(sid * ROWS_PER_TILE, ROWS_PER_TILE)],
        zp_hbm.at[cid, pl.ds(sid * ROWS_PER_TILE, ROWS_PER_TILE)],
    )


def _tc_first_body(fts_b, w_b, degp_b, y_b, dinv_b):
    i = pl.program_id(0)
    deg = degp_b[0, :, :1] + degp_b[1, :, :1] + 1.0
    rows = i * BLK + lax.broadcasted_iota(jnp.int32, (BLK, 1), 0)
    dinv = jnp.where(rows < N, lax.rsqrt(deg), 0.0)
    dinv_b[...] = dinv
    y_b[...] = jnp.dot(fts_b[...], w_b[...], preferred_element_type=jnp.float32) * dinv


def _tc_first(fts_p, W1, degp):
    return pl.pallas_call(
        _tc_first_body,
        grid=(NBLK,),
        in_specs=[
            pl.BlockSpec((BLK, D), lambda i: (i, 0)),
            pl.BlockSpec((D, D), lambda i: (0, 0)),
            pl.BlockSpec((2, BLK, 16), lambda i: (0, i, 0)),
        ],
        out_specs=[
            pl.BlockSpec((BLK, D), lambda i: (i, 0)),
            pl.BlockSpec((BLK, 1), lambda i: (i, 0)),
        ],
        out_shape=[
            jax.ShapeDtypeStruct((NP, D), jnp.float32),
            jax.ShapeDtypeStruct((NP, 1), jnp.float32),
        ],
    )(fts_p, W1, degp)


def _tc_mid_body(z_b, y_b, dinv_b, b_b, w_b, out_b):
    h = (z_b[0] + z_b[1] + y_b[...]) * dinv_b[...] + b_b[...]
    h = jnp.maximum(h, 0.0)
    out_b[...] = jnp.dot(h, w_b[...], preferred_element_type=jnp.float32) * dinv_b[...]


def _tc_mid(z, y, dinv, b, Wn):
    return pl.pallas_call(
        _tc_mid_body,
        grid=(NBLK,),
        in_specs=[
            pl.BlockSpec((2, BLK, D), lambda i: (0, i, 0)),
            pl.BlockSpec((BLK, D), lambda i: (i, 0)),
            pl.BlockSpec((BLK, 1), lambda i: (i, 0)),
            pl.BlockSpec((1, D), lambda i: (0, 0)),
            pl.BlockSpec((D, D), lambda i: (0, 0)),
        ],
        out_specs=pl.BlockSpec((BLK, D), lambda i: (i, 0)),
        out_shape=jax.ShapeDtypeStruct((NP, D), jnp.float32),
    )(z, y, dinv, b.reshape(1, D), Wn)


def _tc_final_body(z_b, y_b, dinv_b, b_b, batch_b, fw_b, fb_b, out_b, sums, cnt):
    i = pl.program_id(0)

    @pl.when(i == 0)
    def _():
        sums[...] = jnp.zeros_like(sums)
        cnt[...] = jnp.zeros_like(cnt)

    h = (z_b[0] + z_b[1] + y_b[...]) * dinv_b[...] + b_b[...]
    onehot = (batch_b[...] == lax.broadcasted_iota(jnp.int32, (BLK, G), 1)
              ).astype(jnp.float32)
    sums[...] += lax.dot_general(
        onehot, h, (((0,), (0,)), ((), ())), preferred_element_type=jnp.float32)
    cnt[...] += jnp.broadcast_to(jnp.sum(onehot, axis=0)[:, None], (G, D))

    @pl.when(i == NBLK - 1)
    def _():
        pooled = sums[...] / jnp.maximum(cnt[...], 1.0)
        out_b[...] = jnp.dot(pooled, fw_b[...],
                             preferred_element_type=jnp.float32) + fb_b[...]


def _tc_final(z, y, dinv, b5, batch_p, fW, fb):
    return pl.pallas_call(
        _tc_final_body,
        grid=(NBLK,),
        in_specs=[
            pl.BlockSpec((2, BLK, D), lambda i: (0, i, 0)),
            pl.BlockSpec((BLK, D), lambda i: (i, 0)),
            pl.BlockSpec((BLK, 1), lambda i: (i, 0)),
            pl.BlockSpec((1, D), lambda i: (0, 0)),
            pl.BlockSpec((BLK, 1), lambda i: (i, 0)),
            pl.BlockSpec((D, D), lambda i: (0, 0)),
            pl.BlockSpec((1, D), lambda i: (0, 0)),
        ],
        out_specs=pl.BlockSpec((G, D), lambda i: (0, 0)),
        out_shape=jax.ShapeDtypeStruct((G, D), jnp.float32),
        scratch_shapes=[
            pltpu.VMEM((G, D), jnp.float32),
            pltpu.VMEM((G, D), jnp.float32),
        ],
    )(z, y, dinv, b5.reshape(1, D), batch_p, fW, fb.reshape(1, D))


def kernel(fts, adj, batch, W1, b1, W2, b2, W3, b3, W4, b4, W5, b5, fW, fb):
    pad_e = NTILES * EPT - E
    src_t = jnp.concatenate(
        [adj[0], jnp.full((pad_e,), N, jnp.int32)]).reshape(NTILES, NCHUNKS, CHUNK)
    dst_t = jnp.concatenate(
        [adj[1], jnp.full((pad_e,), N, jnp.int32)]).reshape(NTILES, NCHUNKS, CHUNK)
    fts_p = jnp.concatenate([fts, jnp.zeros((NP - N, D), jnp.float32)])
    batch_p = jnp.concatenate(
        [batch, jnp.full((NP - N,), G, jnp.int32)]).reshape(NP, 1)

    degp = _deg_kernel(dst_t)
    y, dinv = _tc_first(fts_p, W1, degp)
    Ws = [W2, W3, W4, W5]
    bs = [b1, b2, b3, b4]
    for i in range(4):
        z = _segsum_kernel(y, src_t, dst_t)
        y = _tc_mid(z, y, dinv, bs[i], Ws[i])
    z = _segsum_kernel(y, src_t, dst_t)
    return _tc_final(z, y, dinv, b5, batch_p, fW, fb)

# --- scband reference (transcript-rebuilt; emitter-appended) ---
"""Pipeline reference for scband-graph-classification-model-44813688766961 (READ-ONLY COPY).

The authoritative reference and input builder live on the scoring server;
editing this copy changes nothing except your own understanding.
"""

import jax, jax.numpy as jnp
import numpy as np

N = 10000
E = 320000
DIN = 128
DH = 128
DOUT = 128
G = 64
NUM_LAYERS = 5


def setup_inputs(seed: int = 0) -> dict:
    key = jax.random.key(seed)
    ks = jax.random.split(key, 20)
    inp = {}
    inp['fts'] = jax.random.normal(ks[0], (N, DIN), dtype=jnp.float32)
    inp['adj'] = jax.random.randint(ks[1], (2, E), 0, N, dtype=jnp.int32)
    inp['batch'] = jnp.sort(jax.random.randint(ks[2], (N,), 0, G, dtype=jnp.int32))
    for i in range(NUM_LAYERS):
        din = DIN if i == 0 else DH
        inp[f'W{i + 1}'] = jax.random.normal(ks[3 + i], (din, DH), dtype=jnp.float32) * (1.0 / np.sqrt(din))
        inp[f'b{i + 1}'] = jnp.zeros((DH,), dtype=jnp.float32)
    inp['fW'] = jax.random.normal(ks[10], (DH, DOUT), dtype=jnp.float32) * (1.0 / np.sqrt(DH))
    inp['fb'] = jnp.zeros((DOUT,), dtype=jnp.float32)
    return inp


def _gcn_conv(x, src, dst, dinv, W, b):
    # GCNConv: out = D^{-1/2} (A + I) D^{-1/2} X W + b
    xw = x @ W
    norm = (dinv[src] * dinv[dst])[:, None]
    msgs = jnp.take(xw, src, axis=0) * norm
    out = jax.ops.segment_sum(msgs, dst, num_segments=N)
    return out + b


def reference(fts, adj, batch, W1, b1, W2, b2, W3, b3, W4, b4, W5, b5, fW, fb):
    loops = jnp.arange(N, dtype=adj.dtype)
    src = jnp.concatenate([adj[0], loops])
    dst = jnp.concatenate([adj[1], loops])
    deg = jax.ops.segment_sum(jnp.ones((src.shape[0],), jnp.float32), dst, num_segments=N)
    dinv = jnp.where(deg > 0, 1.0 / jnp.sqrt(deg), 0.0)
    Ws = [W1, W2, W3, W4, W5]
    bs = [b1, b2, b3, b4, b5]
    h = fts
    for i in range(NUM_LAYERS):
        h = _gcn_conv(h, src, dst, dinv, Ws[i], bs[i])
        if i < NUM_LAYERS - 1:
            h = jax.nn.relu(h)
    # global_mean_pool over graph ids
    sums = jax.ops.segment_sum(h, batch, num_segments=G)
    cnt = jax.ops.segment_sum(jnp.ones((N,), jnp.float32), batch, num_segments=G)
    pooled = sums / jnp.clip(cnt, 1.0)[:, None]
    return pooled @ fW + fb

if __name__ == "__main__":
    import jax
    _d = setup_inputs()
    print(jax.jit(kernel)(*tuple(_d.values())))

</pallas_src>

<mosaic_0001>
#map = affine_map<(d0, d1) -> (0, 0)>
#map1 = affine_map<(d0, d1) -> (0, 0, 0)>
module attributes {stable_mosaic.version = 14 : i64} {
  func.func @_segsum_kernel(%arg0: i32, %arg1: i32, %arg2: memref<10240x128xf32, #tpu.memory_space<hbm>>, %arg3: memref<32x80x128xi32, #tpu.memory_space<hbm>>, %arg4: memref<32x80x128xi32, #tpu.memory_space<hbm>>, %arg5: memref<2x10240x128xf32, #tpu.memory_space<hbm>>, %arg6: memref<80x128xi32, #tpu.memory_space<vmem>>, %arg7: memref<80x128xi32, #tpu.memory_space<vmem>>, %arg8: memref<128x128xf32, #tpu.memory_space<vmem>>, %arg9: memref<10240x128xf32, #tpu.memory_space<vmem_shared>>) attributes {dimension_semantics = [#tpu.dimension_semantics<core_parallel>, #tpu.dimension_semantics<subcore_parallel>], iteration_bounds = array<i64: 2, 16>, scalar_prefetch = 0 : i64, scratch_operands = 4 : i64, tpu.core_type = #tpu.core_type<sc_vector_subcore>, window_params = [{transform_indices = #map}, {transform_indices = #map1}, {transform_indices = #map1}, {transform_indices = #map1}]} {
    %mul3A = arith.constant 16 : i32
    %mul3A_0 = arith.muli %arg0, %mul3A : i32
    %add3A = arith.addi %mul3A_0, %arg1 : i32
    %broadcast_in_dim3A = arith.constant 0.000000e+00 : f32
    %broadcast_in_dim3A_1 = vector.broadcast %broadcast_in_dim3A : f32 to vector<16xf32>
    %scan3A = arith.constant 0 : i32
    %scan3A_2 = arith.constant 0 : i32
    %scan3A_3 = arith.constant 128 : i32
    %scan3A_4 = arith.addi %scan3A_2, %scan3A_3 : i32
    %scan3A_5 = arith.constant 1 : i32
    %scan3A_6 = scf.for %scan3A_27 = %scan3A_2 to %scan3A_4 step %scan3A_5 iter_args(%scan3A_28 = %scan3A) -> (i32)  : i32 {
      %swap3A = arith.index_cast %scan3A_27 : i32 to index
      %swap3A_29 = arith.constant 0 : index
      %swap3A_30 = tpu.vector_load %arg8[%swap3A, %swap3A_29] {strides = array<i32>} : memref<128x128xf32, #tpu.memory_space<vmem>>, vector<1x16xf32>,
      %swap3A_31 = vector.shape_cast %swap3A_30 : vector<1x16xf32> to vector<16xf32>
      %swap3A_32 = vector.shape_cast %broadcast_in_dim3A_1 : vector<16xf32> to vector<1x16xf32>
      tpu.vector_store %arg8[%swap3A, %swap3A_29], %swap3A_32 {strides = array<i32>} : memref<128x128xf32, #tpu.memory_space<vmem>>, vector<1x16xf32>,
      %swap3A_33 = arith.index_cast %scan3A_27 : i32 to index
      %swap3A_34 = arith.constant 16 : index
      %swap3A_35 = tpu.vector_load %arg8[%swap3A_33, %swap3A_34] {strides = array<i32>} : memref<128x128xf32, #tpu.memory_space<vmem>>, vector<1x16xf32>,
      %swap3A_36 = vector.shape_cast %swap3A_35 : vector<1x16xf32> to vector<16xf32>
      %swap3A_37 = vector.shape_cast %broadcast_in_dim3A_1 : vector<16xf32> to vector<1x16xf32>
      tpu.vector_store %arg8[%swap3A_33, %swap3A_34], %swap3A_37 {strides = array<i32>} : memref<128x128xf32, #tpu.memory_space<vmem>>, vector<1x16xf32>,
      %swap3A_38 = arith.index_cast %scan3A_27 : i32 to index
      %swap3A_39 = arith.constant 32 : index
      %swap3A_40 = tpu.vector_load %arg8[%swap3A_38, %swap3A_39] {strides = array<i32>} : memref<128x128xf32, #tpu.memory_space<vmem>>, vector<1x16xf32>,
      %swap3A_41 = vector.shape_cast %swap3A_40 : vector<1x16xf32> to vector<16xf32>
      %swap3A_42 = vector.shape_cast %broadcast_in_dim3A_1 : vector<16xf32> to vector<1x16xf32>
      tpu.vector_store %arg8[%swap3A_38, %swap3A_39], %swap3A_42 {strides = array<i32>} : memref<128x128xf32, #tpu.memory_space<vmem>>, vector<1x16xf32>,
      %swap3A_43 = arith.index_cast %scan3A_27 : i32 to index
      %swap3A_44 = arith.constant 48 : index
      %swap3A_45 = tpu.vector_load %arg8[%swap3A_43, %swap3A_44] {strides = array<i32>} : memref<128x128xf32, #tpu.memory_space<vmem>>, vector<1x16xf32>,
      %swap3A_46 = vector.shape_cast %swap3A_45 : vector<1x16xf32> to vector<16xf32>
      %swap3A_47 = vector.shape_cast %broadcast_in_dim3A_1 : vector<16xf32> to vector<1x16xf32>
      tpu.vector_store %arg8[%swap3A_43, %swap3A_44], %swap3A_47 {strides = array<i32>} : memref<128x128xf32, #tpu.memory_space<vmem>>, vector<1x16xf32>,
      %swap3A_48 = arith.index_cast %scan3A_27 : i32 to index
      %swap3A_49 = arith.constant 64 : index
      %swap3A_50 = tpu.vector_load %arg8[%swap3A_48, %swap3A_49] {strides = array<i32>} : memref<128x128xf32, #tpu.memory_space<vmem>>, vector<1x16xf32>,
      %swap3A_51 = vector.shape_cast %swap3A_50 : vector<1x16xf32> to vector<16xf32>
      %swap3A_52 = vector.shape_cast %broadcast_in_dim3A_1 : vector<16xf32> to vector<1x16xf32>
      tpu.vector_store %arg8[%swap3A_48, %swap3A_49], %swap3A_52 {strides = array<i32>} : memref<128x128xf32, #tpu.memory_space<vmem>>, vector<1x16xf32>,
      %swap3A_53 = arith.index_cast %scan3A_27 : i32 to index
      %swap3A_54 = arith.constant 80 : index
      %swap3A_55 = tpu.vector_load %arg8[%swap3A_53, %swap3A_54] {strides = array<i32>} : memref<128x128xf32, #tpu.memory_space<vmem>>, vector<1x16xf32>,
      %swap3A_56 = vector.shape_cast %swap3A_55 : vector<1x16xf32> to vector<16xf32>
      %swap3A_57 = vector.shape_cast %broadcast_in_dim3A_1 : vector<16xf32> to vector<1x16xf32>
      tpu.vector_store %arg8[%swap3A_53, %swap3A_54], %swap3A_57 {strides = array<i32>} : memref<128x128xf32, #tpu.memory_space<vmem>>, vector<1x16xf32>,
      %swap3A_58 = arith.index_cast %scan3A_27 : i32 to index
      %swap3A_59 = arith.constant 96 : index
      %swap3A_60 = tpu.vector_load %arg8[%swap3A_58, %swap3A_59] {strides = array<i32>} : memref<128x128xf32, #tpu.memory_space<vmem>>, vector<1x16xf32>,
      %swap3A_61 = vector.shape_cast %swap3A_60 : vector<1x16xf32> to vector<16xf32>
      %swap3A_62 = vector.shape_cast %broadcast_in_dim3A_1 : vector<16xf32> to vector<1x16xf32>
      tpu.vector_store %arg8[%swap3A_58, %swap3A_59], %swap3A_62 {strides = array<i32>} : memref<128x128xf32, #tpu.memory_space<vmem>>, vector<1x16xf32>,
      %swap3A_63 = arith.index_cast %scan3A_27 : i32 to index
      %swap3A_64 = arith.constant 112 : index
      %swap3A_65 = tpu.vector_load %arg8[%swap3A_63, %swap3A_64] {strides = array<i32>} : memref<128x128xf32, #tpu.memory_space<vmem>>, vector<1x16xf32>,
      %swap3A_66 = vector.shape_cast %swap3A_65 : vector<1x16xf32> to vector<16xf32>
      %swap3A_67 = vector.shape_cast %broadcast_in_dim3A_1 : vector<16xf32> to vector<1x16xf32>
      tpu.vector_store %arg8[%swap3A_63, %swap3A_64], %swap3A_67 {strides = array<i32>} : memref<128x128xf32, #tpu.memory_space<vmem>>, vector<1x16xf32>,
      %scan3A_68 = arith.constant 0 : i32
      scf.yield %scan3A_68 : i32
    }
    %scan3A_7 = arith.constant 128 : i32
    %scan3A_8 = arith.constant 0 : i32
    %scan3A_9 = arith.constant 0 : i32
    %scan3A_10 = arith.constant 5 : i32
    %scan3A_11 = arith.addi %scan3A_9, %scan3A_10 : i32
    %scan3A_12 = arith.constant 1 : i32
    %scan3A_13 = scf.for %scan3A_27 = %scan3A_9 to %scan3A_11 step %scan3A_12 iter_args(%scan3A_28 = %scan3A_8) -> (i32)  : i32 {
      %mul3A_29 = arith.constant 640 : i32
      %mul3A_30 = arith.muli %arg1, %mul3A_29 : i32
      %mul3A_31 = arith.constant 128 : i32
      %mul3A_32 = arith.muli %scan3A_27, %mul3A_31 : i32
      %add3A_33 = arith.addi %mul3A_30, %mul3A_32 : i32
      "tpu.region"() ({
        %run_scoped3A = tpu.sem_alloc : memref<!tpu.dma_semaphore, #tpu.memory_space<semaphore_mem>>
        %dma_start3A = arith.constant 0 : i32
        %dma_start3A_35 = tpu.memref_slice %arg9[%add3A_33, %dma_start3A] : memref<10240x128xf32, #tpu.memory_space<vmem_shared>> -> memref<128x128xf32, #tpu.memory_space<vmem_shared>>
        %dma_start3A_36 = arith.constant 0 : i32
        %dma_start3A_37 = tpu.memref_slice %arg9[%add3A_33, %dma_start3A_36] : memref<10240x128xf32, #tpu.memory_space<vmem_shared>> -> memref<128x128xf32, #tpu.memory_space<vmem_shared>>
        tpu.enqueue_dma source(%arg8 : memref<128x128xf32, #tpu.memory_space<vmem>>) target(%dma_start3A_37 : memref<128x128xf32, #tpu.memory_space<vmem_shared>>) target_semaphore(%run_scoped3A : memref<!tpu.dma_semaphore, #tpu.memory_space<semaphore_mem>>)
        %dma_wait3A = arith.constant 0 : i32
        %dma_wait3A_38 = tpu.memref_slice %arg9[%add3A_33, %dma_wait3A] : memref<10240x128xf32, #tpu.memory_space<vmem_shared>> -> memref<128x128xf32, #tpu.memory_space<vmem_shared>>
        %dma_wait3A_39 = arith.constant 0 : i32
        %dma_wait3A_40 = tpu.memref_slice %arg9[%add3A_33, %dma_wait3A_39] : memref<10240x128xf32, #tpu.memory_space<vmem_shared>> -> memref<128x128xf32, #tpu.memory_space<vmem_shared>>
        tpu.wait_dma2 semaphore(%run_scoped3A : memref<!tpu.dma_semaphore, #tpu.memory_space<semaphore_mem>>) src(%arg8 : memref<128x128xf32, #tpu.memory_space<vmem>>) dst(%dma_wait3A_40 : memref<128x128xf32, #tpu.memory_space<vmem_shared>>)
        tpu.yield
      }) : () -> ()
      %scan3A_34 = arith.constant 0 : i32
      scf.yield %scan3A_34 : i32
    }
    %scan3A_14 = arith.constant 5 : i32
    %barrier3A = arith.constant 0 : index
    tpu.barrier barrier_id(%barrier3A)
    "tpu.region"() ({
      %run_scoped3A = tpu.sem_alloc : memref<!tpu.dma_semaphore, #tpu.memory_space<semaphore_mem>>
      %dma_start3A = arith.constant 0 : i32
      %dma_start3A_27 = arith.constant 0 : i32
      %dma_start3A_28 = tpu.memref_slice %arg3[%add3A, %dma_start3A, %dma_start3A_27] : memref<32x80x128xi32, #tpu.memory_space<hbm>> -> memref<1x80x128xi32, #tpu.memory_space<hbm>>
      %dma_start3A_29 = tpu.memref_squeeze %dma_start3A_28 : memref<1x80x128xi32, #tpu.memory_space<hbm>> -> memref<80x128xi32, #tpu.memory_space<hbm>>
      %dma_start3A_30 = arith.constant 0 : i32
      %dma_start3A_31 = arith.constant 0 : i32
      %dma_start3A_32 = tpu.memref_slice %arg3[%add3A, %dma_start3A_30, %dma_start3A_31] : memref<32x80x128xi32, #tpu.memory_space<hbm>> -> memref<1x80x128xi32, #tpu.memory_space<hbm>>
      %dma_start3A_33 = tpu.memref_squeeze %dma_start3A_32 : memref<1x80x128xi32, #tpu.memory_space<hbm>> -> memref<80x128xi32, #tpu.memory_space<hbm>>
      tpu.enqueue_dma source(%dma_start3A_33 : memref<80x128xi32, #tpu.memory_space<hbm>>) target(%arg6 : memref<80x128xi32, #tpu.memory_space<vmem>>) target_semaphore(%run_scoped3A : memref<!tpu.dma_semaphore, #tpu.memory_space<semaphore_mem>>)
      %dma_wait3A = arith.constant 0 : i32
      %dma_wait3A_34 = arith.constant 0 : i32
      %dma_wait3A_35 = tpu.memref_slice %arg3[%add3A, %dma_wait3A, %dma_wait3A_34] : memref<32x80x128xi32, #tpu.memory_space<hbm>> -> memref<1x80x128xi32, #tpu.memory_space<hbm>>
      %dma_wait3A_36 = tpu.memref_squeeze %dma_wait3A_35 : memref<1x80x128xi32, #tpu.memory_space<hbm>> -> memref<80x128xi32, #tpu.memory_space<hbm>>
      %dma_wait3A_37 = arith.constant 0 : i32
      %dma_wait3A_38 = arith.constant 0 : i32
      %dma_wait3A_39 = tpu.memref_slice %arg3[%add3A, %dma_wait3A_37, %dma_wait3A_38] : memref<32x80x128xi32, #tpu.memory_space<hbm>> -> memref<1x80x128xi32, #tpu.memory_space<hbm>>
      %dma_wait3A_40 = tpu.memref_squeeze %dma_wait3A_39 : memref<1x80x128xi32, #tpu.memory_space<hbm>> -> memref<80x128xi32, #tpu.memory_space<hbm>>
      tpu.wait_dma2 semaphore(%run_scoped3A : memref<!tpu.dma_semaphore, #tpu.memory_space<semaphore_mem>>) src(%dma_wait3A_40 : memref<80x128xi32, #tpu.memory_space<hbm>>) dst(%arg6 : memref<80x128xi32, #tpu.memory_space<vmem>>)
      tpu.yield
    }) : () -> ()
    "tpu.region"() ({
      %run_scoped3A = tpu.sem_alloc : memref<!tpu.dma_semaphore, #tpu.memory_space<semaphore_mem>>
      %dma_start3A = arith.constant 0 : i32
      %dma_start3A_27 = arith.constant 0 : i32
      %dma_start3A_28 = tpu.memref_slice %arg4[%add3A, %dma_start3A, %dma_start3A_27] : memref<32x80x128xi32, #tpu.memory_space<hbm>> -> memref<1x80x128xi32, #tpu.memory_space<hbm>>
      %dma_start3A_29 = tpu.memref_squeeze %dma_start3A_28 : memref<1x80x128xi32, #tpu.memory_space<hbm>> -> memref<80x128xi32, #tpu.memory_space<hbm>>
      %dma_start3A_30 = arith.constant 0 : i32
      %dma_start3A_31 = arith.constant 0 : i32
      %dma_start3A_32 = tpu.memref_slice %arg4[%add3A, %dma_start3A_30, %dma_start3A_31] : memref<32x80x128xi32, #tpu.memory_space<hbm>> -> memref<1x80x128xi32, #tpu.memory_space<hbm>>
      %dma_start3A_33 = tpu.memref_squeeze %dma_start3A_32 : memref<1x80x128xi32, #tpu.memory_space<hbm>> -> memref<80x128xi32, #tpu.memory_space<hbm>>
      tpu.enqueue_dma source(%dma_start3A_33 : memref<80x128xi32, #tpu.memory_space<hbm>>) target(%arg7 : memref<80x128xi32, #tpu.memory_space<vmem>>) target_semaphore(%run_scoped3A : memref<!tpu.dma_semaphore, #tpu.memory_space<semaphore_mem>>)
      %dma_wait3A = arith.constant 0 : i32
      %dma_wait3A_34 = arith.constant 0 : i32
      %dma_wait3A_35 = tpu.memref_slice %arg4[%add3A, %dma_wait3A, %dma_wait3A_34] : memref<32x80x128xi32, #tpu.memory_space<hbm>> -> memref<1x80x128xi32, #tpu.memory_space<hbm>>
      %dma_wait3A_36 = tpu.memref_squeeze %dma_wait3A_35 : memref<1x80x128xi32, #tpu.memory_space<hbm>> -> memref<80x128xi32, #tpu.memory_space<hbm>>
      %dma_wait3A_37 = arith.constant 0 : i32
      %dma_wait3A_38 = arith.constant 0 : i32
      %dma_wait3A_39 = tpu.memref_slice %arg4[%add3A, %dma_wait3A_37, %dma_wait3A_38] : memref<32x80x128xi32, #tpu.memory_space<hbm>> -> memref<1x80x128xi32, #tpu.memory_space<hbm>>
      %dma_wait3A_40 = tpu.memref_squeeze %dma_wait3A_39 : memref<1x80x128xi32, #tpu.memory_space<hbm>> -> memref<80x128xi32, #tpu.memory_space<hbm>>
      tpu.wait_dma2 semaphore(%run_scoped3A : memref<!tpu.dma_semaphore, #tpu.memory_space<semaphore_mem>>) src(%dma_wait3A_40 : memref<80x128xi32, #tpu.memory_space<hbm>>) dst(%arg7 : memref<80x128xi32, #tpu.memory_space<vmem>>)
      tpu.yield
    }) : () -> ()
    %scan3A_15 = arith.constant 0 : i32
    %scan3A_16 = arith.constant 0 : i32
    %scan3A_17 = arith.constant 80 : i32
    %scan3A_18 = arith.addi %scan3A_16, %scan3A_17 : i32
    %scan3A_19 = arith.constant 1 : i32
    %scan3A_20 = scf.for %scan3A_27 = %scan3A_16 to %scan3A_18 step %scan3A_19 iter_args(%scan3A_28 = %scan3A_15) -> (i32)  : i32 {
      "tpu.region"() ({
        %run_scoped3A = tpu.sem_alloc : memref<!tpu.dma_semaphore, #tpu.memory_space<semaphore_mem>>
        %dma_start3A = arith.constant 0 : i32
        %dma_start3A_30 = tpu.memref_slice %arg6[%scan3A_27, %dma_start3A] : memref<80x128xi32, #tpu.memory_space<vmem>> -> memref<1x128xi32, #tpu.memory_space<vmem>>
        %dma_start3A_31 = tpu.memref_squeeze %dma_start3A_30 : memref<1x128xi32, #tpu.memory_space<vmem>> -> memref<128xi32, #tpu.memory_space<vmem>>
        %dma_start3A_32 = arith.constant 0 : i32
        %dma_start3A_33 = arith.constant 0 : i32
        %dma_start3A_34 = tpu.memref_slice %arg2[%dma_start3A_32, %dma_start3A_33] : memref<10240x128xf32, #tpu.memory_space<hbm>> -> memref<10240x128xf32, #tpu.memory_space<hbm>>
        tpu.enqueue_indirect_dma source(%dma_start3A_34 : memref<10240x128xf32, #tpu.memory_space<hbm>>) target(%arg8 : memref<128x128xf32, #tpu.memory_space<vmem>>) offsets(%dma_start3A_31 : memref<128xi32, #tpu.memory_space<vmem>>) semaphore(%run_scoped3A : memref<!tpu.dma_semaphore, #tpu.memory_space<semaphore_mem>>)
        %dma_wait3A = arith.constant 0 : i32
        %dma_wait3A_35 = tpu.memref_slice %arg6[%scan3A_27, %dma_wait3A] : memref<80x128xi32, #tpu.memory_space<vmem>> -> memref<1x128xi32, #tpu.memory_space<vmem>>
        %dma_wait3A_36 = tpu.memref_squeeze %dma_wait3A_35 : memref<1x128xi32, #tpu.memory_space<vmem>> -> memref<128xi32, #tpu.memory_space<vmem>>
        %dma_wait3A_37 = arith.constant 0 : i32
        %dma_wait3A_38 = arith.constant 0 : i32
        %dma_wait3A_39 = tpu.memref_slice %arg2[%dma_wait3A_37, %dma_wait3A_38] : memref<10240x128xf32, #tpu.memory_space<hbm>> -> memref<10240x128xf32, #tpu.memory_space<hbm>>
        tpu.wait_indirect_dma semaphore(%run_scoped3A : memref<!tpu.dma_semaphore, #tpu.memory_space<semaphore_mem>>) src(%dma_wait3A_39 : memref<10240x128xf32, #tpu.memory_space<hbm>>) dst(%arg8 : memref<128x128xf32, #tpu.memory_space<vmem>>)
        tpu.yield
      }) : () -> ()
      "tpu.region"() ({
        %run_scoped3A = tpu.sem_alloc : memref<!tpu.dma_semaphore, #tpu.memory_space<semaphore_mem>>
        %dma_start3A = arith.constant 0 : i32
        %dma_start3A_30 = tpu.memref_slice %arg7[%scan3A_27, %dma_start3A] : memref<80x128xi32, #tpu.memory_space<vmem>> -> memref<1x128xi32, #tpu.memory_space<vmem>>
        %dma_start3A_31 = tpu.memref_squeeze %dma_start3A_30 : memref<1x128xi32, #tpu.memory_space<vmem>> -> memref<128xi32, #tpu.memory_space<vmem>>
        %dma_start3A_32 = arith.constant 0 : i32
        %dma_start3A_33 = arith.constant 0 : i32
        %dma_start3A_34 = tpu.memref_slice %arg9[%dma_start3A_32, %dma_start3A_33] : memref<10240x128xf32, #tpu.memory_space<vmem_shared>> -> memref<10240x128xf32, #tpu.memory_space<vmem_shared>>
        tpu.enqueue_indirect_dma source(%arg8 : memref<128x128xf32, #tpu.memory_space<vmem>>) target(%dma_start3A_34 : memref<10240x128xf32, #tpu.memory_space<vmem_shared>>) offsets(%dma_start3A_31 : memref<128xi32, #tpu.memory_space<vmem>>) semaphore(%run_scoped3A : memref<!tpu.dma_semaphore, #tpu.memory_space<semaphore_mem>>) {add = true}
        %dma_wait3A = arith.constant 0 : i32
        %dma_wait3A_35 = tpu.memref_slice %arg7[%scan3A_27, %dma_wait3A] : memref<80x128xi32, #tpu.memory_space<vmem>> -> memref<1x128xi32, #tpu.memory_space<vmem>>
        %dma_wait3A_36 = tpu.memref_squeeze %dma_wait3A_35 : memref<1x128xi32, #tpu.memory_space<vmem>> -> memref<128xi32, #tpu.memory_space<vmem>>
        %dma_wait3A_37 = arith.constant 0 : i32
        %dma_wait3A_38 = arith.constant 0 : i32
        %dma_wait3A_39 = tpu.memref_slice %arg9[%dma_wait3A_37, %dma_wait3A_38] : memref<10240x128xf32, #tpu.memory_space<vmem_shared>> -> memref<10240x128xf32, #tpu.memory_space<vmem_shared>>
        tpu.wait_indirect_dma semaphore(%run_scoped3A : memref<!tpu.dma_semaphore, #tpu.memory_space<semaphore_mem>>) src(%arg8 : memref<128x128xf32, #tpu.memory_space<vmem>>) dst(%dma_wait3A_39 : memref<10240x128xf32, #tpu.memory_space<vmem_shared>>)
        tpu.yield
      }) : () -> ()
      %scan3A_29 = arith.constant 0 : i32
      scf.yield %scan3A_29 : i32
    }
    %scan3A_21 = arith.constant 80 : i32
    %barrier3A_22 = arith.constant 0 : index
    tpu.barrier barrier_id(%barrier3A_22)
    %mul3A_23 = arith.constant 640 : i32
    %mul3A_24 = arith.muli %arg1, %mul3A_23 : i32
    %mul3A_25 = arith.constant 640 : i32
    %mul3A_26 = arith.muli %arg1, %mul3A_25 : i32
    "tpu.region"() ({
      %run_scoped3A = tpu.sem_alloc : memref<!tpu.dma_semaphore, #tpu.memory_space<semaphore_mem>>
      %dma_start3A = arith.constant 0 : i32
      %dma_start3A_27 = tpu.memref_slice %arg5[%arg0, %mul3A_26, %dma_start3A] : memref<2x10240x128xf32, #tpu.memory_space<hbm>> -> memref<1x640x128xf32, #tpu.memory_space<hbm>>
      %dma_start3A_28 = tpu.memref_squeeze %dma_start3A_27 : memref<1x640x128xf32, #tpu.memory_space<hbm>> -> memref<640x128xf32, #tpu.memory_space<hbm>>
      %dma_start3A_29 = arith.constant 0 : i32
      %dma_start3A_30 = tpu.memref_slice %arg9[%mul3A_24, %dma_start3A_29] : memref<10240x128xf32, #tpu.memory_space<vmem_shared>> -> memref<640x128xf32, #tpu.memory_space<vmem_shared>>
      tpu.enqueue_dma source(%dma_start3A_30 : memref<640x128xf32, #tpu.memory_space<vmem_shared>>) target(%dma_start3A_28 : memref<640x128xf32, #tpu.memory_space<hbm>>) target_semaphore(%run_scoped3A : memref<!tpu.dma_semaphore, #tpu.memory_space<semaphore_mem>>)
      %dma_wait3A = arith.constant 0 : i32
      %dma_wait3A_31 = tpu.memref_slice %arg5[%arg0, %mul3A_26, %dma_wait3A] : memref<2x10240x128xf32, #tpu.memory_space<hbm>> -> memref<1x640x128xf32, #tpu.memory_space<hbm>>
      %dma_wait3A_32 = tpu.memref_squeeze %dma_wait3A_31 : memref<1x640x128xf32, #tpu.memory_space<hbm>> -> memref<640x128xf32, #tpu.memory_space<hbm>>
      %dma_wait3A_33 = arith.constant 0 : i32
      %dma_wait3A_34 = tpu.memref_slice %arg9[%mul3A_24, %dma_wait3A_33] : memref<10240x128xf32, #tpu.memory_space<vmem_shared>> -> memref<640x128xf32, #tpu.memory_space<vmem_shared>>
      tpu.wait_dma2 semaphore(%run_scoped3A : memref<!tpu.dma_semaphore, #tpu.memory_space<semaphore_mem>>) src(%dma_wait3A_34 : memref<640x128xf32, #tpu.memory_space<vmem_shared>>) dst(%dma_wait3A_32 : memref<640x128xf32, #tpu.memory_space<hbm>>)
      tpu.yield
    }) : () -> ()
    return
  }
}

#map = affine_map<(d0, d1) -> (0, 0, 0)>
module attributes {stable_mosaic.version = 14 : i64} {
  func.func @_deg_kernel(%arg0: i32, %arg1: i32, %arg2: memref<32x80x128xi32, #tpu.memory_space<hbm>>, %arg3: memref<2x10240x16xf32, #tpu.memory_space<hbm>>, %arg4: memref<80x128xi32, #tpu.memory_space<vmem>>, %arg5: memref<128x16xf32, #tpu.memory_space<vmem>>, %arg6: memref<10240x16xf32, #tpu.memory_space<vmem_shared>>, %arg7: memref<!tpu.dma_semaphore, #tpu.memory_space<semaphore_mem>>) attributes {dimension_semantics = [#tpu.dimension_semantics<core_parallel>, #tpu.dimension_semantics<subcore_parallel>], iteration_bounds = array<i64: 2, 16>, scalar_prefetch = 0 : i64, scratch_operands = 4 : i64, tpu.core_type = #tpu.core_type<sc_vector_subcore>, window_params = [{transform_indices = #map}, {transform_indices = #map}]} {
    %mul3A = arith.constant 16 : i32
    %mul3A_0 = arith.muli %arg0, %mul3A : i32
    %add3A = arith.addi %mul3A_0, %arg1 : i32
    %broadcast_in_dim3A = arith.constant 1.000000e+00 : f32
    %broadcast_in_dim3A_1 = vector.broadcast %broadcast_in_dim3A : f32 to vector<16xf32>
    %scan3A = arith.constant 0 : i32
    %scan3A_2 = arith.constant 0 : i32
    %scan3A_3 = arith.constant 128 : i32
    %scan3A_4 = arith.addi %scan3A_2, %scan3A_3 : i32
    %scan3A_5 = arith.constant 1 : i32
    %scan3A_6 = scf.for %scan3A_43 = %scan3A_2 to %scan3A_4 step %scan3A_5 iter_args(%scan3A_44 = %scan3A) -> (i32)  : i32 {
      %swap3A = arith.index_cast %scan3A_43 : i32 to index
      %swap3A_45 = arith.constant 0 : index
      %swap3A_46 = tpu.vector_load %arg5[%swap3A, %swap3A_45] {strides = array<i32>} : memref<128x16xf32, #tpu.memory_space<vmem>>, vector<1x16xf32>,
      %swap3A_47 = vector.shape_cast %swap3A_46 : vector<1x16xf32> to vector<16xf32>
      %swap3A_48 = vector.shape_cast %broadcast_in_dim3A_1 : vector<16xf32> to vector<1x16xf32>
      tpu.vector_store %arg5[%swap3A, %swap3A_45], %swap3A_48 {strides = array<i32>} : memref<128x16xf32, #tpu.memory_space<vmem>>, vector<1x16xf32>,
      %scan3A_49 = arith.constant 0 : i32
      scf.yield %scan3A_49 : i32
    }
    %scan3A_7 = arith.constant 128 : i32
    %broadcast_in_dim3A_8 = arith.constant 0.000000e+00 : f32
    %broadcast_in_dim3A_9 = vector.broadcast %broadcast_in_dim3A_8 : f32 to vector<16xf32>
    %scan3A_10 = arith.constant 0 : i32
    %scan3A_11 = arith.constant 0 : i32
    %scan3A_12 = arith.constant 128 : i32
    %scan3A_13 = arith.addi %scan3A_11, %scan3A_12 : i32
    %scan3A_14 = arith.constant 1 : i32
    %scan3A_15 = scf.for %scan3A_43 = %scan3A_11 to %scan3A_13 step %scan3A_14 iter_args(%scan3A_44 = %scan3A_10) -> (i32)  : i32 {
      %swap3A = arith.index_cast %scan3A_43 : i32 to index
      %swap3A_45 = arith.constant 0 : index
      %swap3A_46 = tpu.vector_load %arg5[%swap3A, %swap3A_45] {strides = array<i32>} : memref<128x16xf32, #tpu.memory_space<vmem>>, vector<1x16xf32>,
      %swap3A_47 = vector.shape_cast %swap3A_46 : vector<1x16xf32> to vector<16xf32>
      %swap3A_48 = vector.shape_cast %broadcast_in_dim3A_9 : vector<16xf32> to vector<1x16xf32>
      tpu.vector_store %arg5[%swap3A, %swap3A_45], %swap3A_48 {strides = array<i32>} : memref<128x16xf32, #tpu.memory_space<vmem>>, vector<1x16xf32>,
      %scan3A_49 = arith.constant 0 : i32
      scf.yield %scan3A_49 : i32
    }
    %scan3A_16 = arith.constant 128 : i32
    %scan3A_17 = arith.constant 0 : i32
    %scan3A_18 = arith.constant 0 : i32
    %scan3A_19 = arith.constant 5 : i32
    %scan3A_20 = arith.addi %scan3A_18, %scan3A_19 : i32
    %scan3A_21 = arith.constant 1 : i32
    %scan3A_22 = scf.for %scan3A_43 = %scan3A_18 to %scan3A_20 step %scan3A_21 iter_args(%scan3A_44 = %scan3A_17) -> (i32)  : i32 {
      %mul3A_45 = arith.constant 640 : i32
      %mul3A_46 = arith.muli %arg1, %mul3A_45 : i32
      %mul3A_47 = arith.constant 128 : i32
      %mul3A_48 = arith.muli %scan3A_43, %mul3A_47 : i32
      %add3A_49 = arith.addi %mul3A_46, %mul3A_48 : i32
      "tpu.region"() ({
        %run_scoped3A = tpu.sem_alloc : memref<!tpu.dma_semaphore, #tpu.memory_space<semaphore_mem>>
        %dma_start3A = arith.constant 0 : i32
        %dma_start3A_51 = tpu.memref_slice %arg6[%add3A_49, %dma_start3A] : memref<10240x16xf32, #tpu.memory_space<vmem_shared>> -> memref<128x16xf32, #tpu.memory_space<vmem_shared>>
        %dma_start3A_52 = arith.constant 0 : i32
        %dma_start3A_53 = tpu.memref_slice %arg6[%add3A_49, %dma_start3A_52] : memref<10240x16xf32, #tpu.memory_space<vmem_shared>> -> memref<128x16xf32, #tpu.memory_space<vmem_shared>>
        tpu.enqueue_dma source(%arg5 : memref<128x16xf32, #tpu.memory_space<vmem>>) target(%dma_start3A_53 : memref<128x16xf32, #tpu.memory_space<vmem_shared>>) target_semaphore(%run_scoped3A : memref<!tpu.dma_semaphore, #tpu.memory_space<semaphore_mem>>)
        %dma_wait3A = arith.constant 0 : i32
        %dma_wait3A_54 = tpu.memref_slice %arg6[%add3A_49, %dma_wait3A] : memref<10240x16xf32, #tpu.memory_space<vmem_shared>> -> memref<128x16xf32, #tpu.memory_space<vmem_shared>>
        %dma_wait3A_55 = arith.constant 0 : i32
        %dma_wait3A_56 = tpu.memref_slice %arg6[%add3A_49, %dma_wait3A_55] : memref<10240x16xf32, #tpu.memory_space<vmem_shared>> -> memref<128x16xf32, #tpu.memory_space<vmem_shared>>
        tpu.wait_dma2 semaphore(%run_scoped3A : memref<!tpu.dma_semaphore, #tpu.memory_space<semaphore_mem>>) src(%arg5 : memref<128x16xf32, #tpu.memory_space<vmem>>) dst(%dma_wait3A_56 : memref<128x16xf32, #tpu.memory_space<vmem_shared>>)
        tpu.yield
      }) : () -> ()
      %scan3A_50 = arith.constant 0 : i32
      scf.yield %scan3A_50 : i32
    }
    %scan3A_23 = arith.constant 5 : i32
    %scan3A_24 = arith.constant 0 : i32
    %scan3A_25 = arith.constant 0 : i32
    %scan3A_26 = arith.constant 128 : i32
    %scan3A_27 = arith.addi %scan3A_25, %scan3A_26 : i32
    %scan3A_28 = arith.constant 1 : i32
    %scan3A_29 = scf.for %scan3A_43 = %scan3A_25 to %scan3A_27 step %scan3A_28 iter_args(%scan3A_44 = %scan3A_24) -> (i32)  : i32 {
      %swap3A = arith.index_cast %scan3A_43 : i32 to index
      %swap3A_45 = arith.constant 0 : index
      %swap3A_46 = tpu.vector_load %arg5[%swap3A, %swap3A_45] {strides = array<i32>} : memref<128x16xf32, #tpu.memory_space<vmem>>, vector<1x16xf32>,
      %swap3A_47 = vector.shape_cast %swap3A_46 : vector<1x16xf32> to vector<16xf32>
      %swap3A_48 = vector.shape_cast %broadcast_in_dim3A_1 : vector<16xf32> to vector<1x16xf32>
      tpu.vector_store %arg5[%swap3A, %swap3A_45], %swap3A_48 {strides = array<i32>} : memref<128x16xf32, #tpu.memory_space<vmem>>, vector<1x16xf32>,
      %scan3A_49 = arith.constant 0 : i32
      scf.yield %scan3A_49 : i32
    }
    %scan3A_30 = arith.constant 128 : i32
    %barrier3A = arith.constant 0 : index
    tpu.barrier barrier_id(%barrier3A)
    "tpu.region"() ({
      %run_scoped3A = tpu.sem_alloc : memref<!tpu.dma_semaphore, #tpu.memory_space<semaphore_mem>>
      %dma_start3A = arith.constant 0 : i32
      %dma_start3A_43 = arith.constant 0 : i32
      %dma_start3A_44 = tpu.memref_slice %arg2[%add3A, %dma_start3A, %dma_start3A_43] : memref<32x80x128xi32, #tpu.memory_space<hbm>> -> memref<1x80x128xi32, #tpu.memory_space<hbm>>
      %dma_start3A_45 = tpu.memref_squeeze %dma_start3A_44 : memref<1x80x128xi32, #tpu.memory_space<hbm>> -> memref<80x128xi32, #tpu.memory_space<hbm>>
      %dma_start3A_46 = arith.constant 0 : i32
      %dma_start3A_47 = arith.constant 0 : i32
      %dma_start3A_48 = tpu.memref_slice %arg2[%add3A, %dma_start3A_46, %dma_start3A_47] : memref<32x80x128xi32, #tpu.memory_space<hbm>> -> memref<1x80x128xi32, #tpu.memory_space<hbm>>
      %dma_start3A_49 = tpu.memref_squeeze %dma_start3A_48 : memref<1x80x128xi32, #tpu.memory_space<hbm>> -> memref<80x128xi32, #tpu.memory_space<hbm>>
      tpu.enqueue_dma source(%dma_start3A_49 : memref<80x128xi32, #tpu.memory_space<hbm>>) target(%arg4 : memref<80x128xi32, #tpu.memory_space<vmem>>) target_semaphore(%run_scoped3A : memref<!tpu.dma_semaphore, #tpu.memory_space<semaphore_mem>>)
      %dma_wait3A = arith.constant 0 : i32
      %dma_wait3A_50 = arith.constant 0 : i32
      %dma_wait3A_51 = tpu.memref_slice %arg2[%add3A, %dma_wait3A, %dma_wait3A_50] : memref<32x80x128xi32, #tpu.memory_space<hbm>> -> memref<1x80x128xi32, #tpu.memory_space<hbm>>
      %dma_wait3A_52 = tpu.memref_squeeze %dma_wait3A_51 : memref<1x80x128xi32, #tpu.memory_space<hbm>> -> memref<80x128xi32, #tpu.memory_space<hbm>>
      %dma_wait3A_53 = arith.constant 0 : i32
      %dma_wait3A_54 = arith.constant 0 : i32
      %dma_wait3A_55 = tpu.memref_slice %arg2[%add3A, %dma_wait3A_53, %dma_wait3A_54] : memref<32x80x128xi32, #tpu.memory_space<hbm>> -> memref<1x80x128xi32, #tpu.memory_space<hbm>>
      %dma_wait3A_56 = tpu.memref_squeeze %dma_wait3A_55 : memref<1x80x128xi32, #tpu.memory_space<hbm>> -> memref<80x128xi32, #tpu.memory_space<hbm>>
      tpu.wait_dma2 semaphore(%run_scoped3A : memref<!tpu.dma_semaphore, #tpu.memory_space<semaphore_mem>>) src(%dma_wait3A_56 : memref<80x128xi32, #tpu.memory_space<hbm>>) dst(%arg4 : memref<80x128xi32, #tpu.memory_space<vmem>>)
      tpu.yield
    }) : () -> ()
    %scan3A_31 = arith.constant 0 : i32
    %scan3A_32 = arith.constant 0 : i32
    %scan3A_33 = arith.constant 80 : i32
    %scan3A_34 = arith.addi %scan3A_32, %scan3A_33 : i32
    %scan3A_35 = arith.constant 1 : i32
    %scan3A_36 = scf.for %scan3A_43 = %scan3A_32 to %scan3A_34 step %scan3A_35 iter_args(%scan3A_44 = %scan3A_31) -> (i32)  : i32 {
      "tpu.region"() ({
        %run_scoped3A = tpu.sem_alloc : memref<!tpu.dma_semaphore, #tpu.memory_space<semaphore_mem>>
        %dma_start3A = arith.constant 0 : i32
        %dma_start3A_46 = tpu.memref_slice %arg4[%scan3A_43, %dma_start3A] : memref<80x128xi32, #tpu.memory_space<vmem>> -> memref<1x128xi32, #tpu.memory_space<vmem>>
        %dma_start3A_47 = tpu.memref_squeeze %dma_start3A_46 : memref<1x128xi32, #tpu.memory_space<vmem>> -> memref<128xi32, #tpu.memory_space<vmem>>
        %dma_start3A_48 = arith.constant 0 : i32
        %dma_start3A_49 = arith.constant 0 : i32
        %dma_start3A_50 = tpu.memref_slice %arg6[%dma_start3A_48, %dma_start3A_49] : memref<10240x16xf32, #tpu.memory_space<vmem_shared>> -> memref<10240x16xf32, #tpu.memory_space<vmem_shared>>
        tpu.enqueue_indirect_dma source(%arg5 : memref<128x16xf32, #tpu.memory_space<vmem>>) target(%dma_start3A_50 : memref<10240x16xf32, #tpu.memory_space<vmem_shared>>) offsets(%dma_start3A_47 : memref<128xi32, #tpu.memory_space<vmem>>) semaphore(%run_scoped3A : memref<!tpu.dma_semaphore, #tpu.memory_space<semaphore_mem>>) {add = true}
        %dma_wait3A = arith.constant 0 : i32
        %dma_wait3A_51 = tpu.memref_slice %arg4[%scan3A_43, %dma_wait3A] : memref<80x128xi32, #tpu.memory_space<vmem>> -> memref<1x128xi32, #tpu.memory_space<vmem>>
        %dma_wait3A_52 = tpu.memref_squeeze %dma_wait3A_51 : memref<1x128xi32, #tpu.memory_space<vmem>> -> memref<128xi32, #tpu.memory_space<vmem>>
        %dma_wait3A_53 = arith.constant 0 : i32
        %dma_wait3A_54 = arith.constant 0 : i32
        %dma_wait3A_55 = tpu.memref_slice %arg6[%dma_wait3A_53, %dma_wait3A_54] : memref<10240x16xf32, #tpu.memory_space<vmem_shared>> -> memref<10240x16xf32, #tpu.memory_space<vmem_shared>>
        tpu.wait_indirect_dma semaphore(%run_scoped3A : memref<!tpu.dma_semaphore, #tpu.memory_space<semaphore_mem>>) src(%arg5 : memref<128x16xf32, #tpu.memory_space<vmem>>) dst(%dma_wait3A_55 : memref<10240x16xf32, #tpu.memory_space<vmem_shared>>)
        tpu.yield
      }) : () -> ()
      %scan3A_45 = arith.constant 0 : i32
      scf.yield %scan3A_45 : i32
    }
    %scan3A_37 = arith.constant 80 : i32
    %barrier3A_38 = arith.constant 0 : index
    tpu.barrier barrier_id(%barrier3A_38)
    %mul3A_39 = arith.constant 640 : i32
    %mul3A_40 = arith.muli %arg1, %mul3A_39 : i32
    %mul3A_41 = arith.constant 640 : i32
    %mul3A_42 = arith.muli %arg1, %mul3A_41 : i32
    "tpu.region"() ({
      %run_scoped3A = tpu.sem_alloc : memref<!tpu.dma_semaphore, #tpu.memory_space<semaphore_mem>>
      %dma_start3A = arith.constant 0 : i32
      %dma_start3A_43 = tpu.memref_slice %arg3[%arg0, %mul3A_42, %dma_start3A] : memref<2x10240x16xf32, #tpu.memory_space<hbm>> -> memref<1x640x16xf32, #tpu.memory_space<hbm>>
      %dma_start3A_44 = tpu.memref_squeeze %dma_start3A_43 : memref<1x640x16xf32, #tpu.memory_space<hbm>> -> memref<640x16xf32, #tpu.memory_space<hbm>>
      %dma_start3A_45 = arith.constant 0 : i32
      %dma_start3A_46 = tpu.memref_slice %arg6[%mul3A_40, %dma_start3A_45] : memref<10240x16xf32, #tpu.memory_space<vmem_shared>> -> memref<640x16xf32, #tpu.memory_space<vmem_shared>>
      tpu.enqueue_dma source(%dma_start3A_46 : memref<640x16xf32, #tpu.memory_space<vmem_shared>>) target(%dma_start3A_44 : memref<640x16xf32, #tpu.memory_space<hbm>>) target_semaphore(%run_scoped3A : memref<!tpu.dma_semaphore, #tpu.memory_space<semaphore_mem>>)
      %dma_wait3A = arith.constant 0 : i32
      %dma_wait3A_47 = tpu.memref_slice %arg3[%arg0, %mul3A_42, %dma_wait3A] : memref<2x10240x16xf32, #tpu.memory_space<hbm>> -> memref<1x640x16xf32, #tpu.memory_space<hbm>>
      %dma_wait3A_48 = tpu.memref_squeeze %dma_wait3A_47 : memref<1x640x16xf32, #tpu.memory_space<hbm>> -> memref<640x16xf32, #tpu.memory_space<hbm>>
      %dma_wait3A_49 = arith.constant 0 : i32
      %dma_wait3A_50 = tpu.memref_slice %arg6[%mul3A_40, %dma_wait3A_49] : memref<10240x16xf32, #tpu.memory_space<vmem_shared>> -> memref<640x16xf32, #tpu.memory_space<vmem_shared>>
      tpu.wait_dma2 semaphore(%run_scoped3A : memref<!tpu.dma_semaphore, #tpu.memory_space<semaphore_mem>>) src(%dma_wait3A_50 : memref<640x16xf32, #tpu.memory_space<vmem_shared>>) dst(%dma_wait3A_48 : memref<640x16xf32, #tpu.memory_space<hbm>>)
      tpu.yield
    }) : () -> ()
    return
  }
}

#map = affine_map<(d0, d1) -> (0, 0)>
#map1 = affine_map<(d0, d1) -> (0, 0, 0)>
module attributes {stable_mosaic.version = 14 : i64} {
  func.func @_segsum_kernel(%arg0: i32, %arg1: i32, %arg2: memref<10240x128xf32, #tpu.memory_space<hbm>>, %arg3: memref<32x80x128xi32, #tpu.memory_space<hbm>>, %arg4: memref<32x80x128xi32, #tpu.memory_space<hbm>>, %arg5: memref<2x10240x128xf32, #tpu.memory_space<hbm>>, %arg6: memref<80x128xi32, #tpu.memory_space<vmem>>, %arg7: memref<80x128xi32, #tpu.memory_space<vmem>>, %arg8: memref<128x128xf32, #tpu.memory_space<vmem>>, %arg9: memref<10240x128xf32, #tpu.memory_space<vmem_shared>>) attributes {dimension_semantics = [#tpu.dimension_semantics<core_parallel>, #tpu.dimension_semantics<subcore_parallel>], iteration_bounds = array<i64: 2, 16>, scalar_prefetch = 0 : i64, scratch_operands = 4 : i64, tpu.core_type = #tpu.core_type<sc_vector_subcore>, window_params = [{transform_indices = #map}, {transform_indices = #map1}, {transform_indices = #map1}, {transform_indices = #map1}]} {
    %mul3A = arith.constant 16 : i32
    %mul3A_0 = arith.muli %arg0, %mul3A : i32
    %add3A = arith.addi %mul3A_0, %arg1 : i32
    %broadcast_in_dim3A = arith.constant 0.000000e+00 : f32
    %broadcast_in_dim3A_1 = vector.broadcast %broadcast_in_dim3A : f32 to vector<16xf32>
    %scan3A = arith.constant 0 : i32
    %scan3A_2 = arith.constant 0 : i32
    %scan3A_3 = arith.constant 128 : i32
    %scan3A_4 = arith.addi %scan3A_2, %scan3A_3 : i32
    %scan3A_5 = arith.constant 1 : i32
    %scan3A_6 = scf.for %scan3A_27 = %scan3A_2 to %scan3A_4 step %scan3A_5 iter_args(%scan3A_28 = %scan3A) -> (i32)  : i32 {
      %swap3A = arith.index_cast %scan3A_27 : i32 to index
      %swap3A_29 = arith.constant 0 : index
      %swap3A_30 = tpu.vector_load %arg8[%swap3A, %swap3A_29] {strides = array<i32>} : memref<128x128xf32, #tpu.memory_space<vmem>>, vector<1x16xf32>,
      %swap3A_31 = vector.shape_cast %swap3A_30 : vector<1x16xf32> to vector<16xf32>
      %swap3A_32 = vector.shape_cast %broadcast_in_dim3A_1 : vector<16xf32> to vector<1x16xf32>
      tpu.vector_store %arg8[%swap3A, %swap3A_29], %swap3A_32 {strides = array<i32>} : memref<128x128xf32, #tpu.memory_space<vmem>>, vector<1x16xf32>,
      %swap3A_33 = arith.index_cast %scan3A_27 : i32 to index
      %swap3A_34 = arith.constant 16 : index
      %swap3A_35 = tpu.vector_load %arg8[%swap3A_33, %swap3A_34] {strides = array<i32>} : memref<128x128xf32, #tpu.memory_space<vmem>>, vector<1x16xf32>,
      %swap3A_36 = vector.shape_cast %swap3A_35 : vector<1x16xf32> to vector<16xf32>
      %swap3A_37 = vector.shape_cast %broadcast_in_dim3A_1 : vector<16xf32> to vector<1x16xf32>
      tpu.vector_store %arg8[%swap3A_33, %swap3A_34], %swap3A_37 {strides = array<i32>} : memref<128x128xf32, #tpu.memory_space<vmem>>, vector<1x16xf32>,
      %swap3A_38 = arith.index_cast %scan3A_27 : i32 to index
      %swap3A_39 = arith.constant 32 : index
      %swap3A_40 = tpu.vector_load %arg8[%swap3A_38, %swap3A_39] {strides = array<i32>} : memref<128x128xf32, #tpu.memory_space<vmem>>, vector<1x16xf32>,
      %swap3A_41 = vector.shape_cast %swap3A_40 : vector<1x16xf32> to vector<16xf32>
      %swap3A_42 = vector.shape_cast %broadcast_in_dim3A_1 : vector<16xf32> to vector<1x16xf32>
      tpu.vector_store %arg8[%swap3A_38, %swap3A_39], %swap3A_42 {strides = array<i32>} : memref<128x128xf32, #tpu.memory_space<vmem>>, vector<1x16xf32>,
      %swap3A_43 = arith.index_cast %scan3A_27 : i32 to index
      %swap3A_44 = arith.constant 48 : index
      %swap3A_45 = tpu.vector_load %arg8[%swap3A_43, %swap3A_44] {strides = array<i32>} : memref<128x128xf32, #tpu.memory_space<vmem>>, vector<1x16xf32>,
      %swap3A_46 = vector.shape_cast %swap3A_45 : vector<1x16xf32> to vector<16xf32>
      %swap3A_47 = vector.shape_cast %broadcast_in_dim3A_1 : vector<16xf32> to vector<1x16xf32>
      tpu.vector_store %arg8[%swap3A_43, %swap3A_44], %swap3A_47 {strides = array<i32>} : memref<128x128xf32, #tpu.memory_space<vmem>>, vector<1x16xf32>,
      %swap3A_48 = arith.index_cast %scan3A_27 : i32 to index
      %swap3A_49 = arith.constant 64 : index
      %swap3A_50 = tpu.vector_load %arg8[%swap3A_48, %swap3A_49] {strides = array<i32>} : memref<128x128xf32, #tpu.memory_space<vmem>>, vector<1x16xf32>,
      %swap3A_51 = vector.shape_cast %swap3A_50 : vector<1x16xf32> to vector<16xf32>
      %swap3A_52 = vector.shape_cast %broadcast_in_dim3A_1 : vector<16xf32> to vector<1x16xf32>
      tpu.vector_store %arg8[%swap3A_48, %swap3A_49], %swap3A_52 {strides = array<i32>} : memref<128x128xf32, #tpu.memory_space<vmem>>, vector<1x16xf32>,
      %swap3A_53 = arith.index_cast %scan3A_27 : i32 to index
      %swap3A_54 = arith.constant 80 : index
      %swap3A_55 = tpu.vector_load %arg8[%swap3A_53, %swap3A_54] {strides = array<i32>} : memref<128x128xf32, #tpu.memory_space<vmem>>, vector<1x16xf32>,
      %swap3A_56 = vector.shape_cast %swap3A_55 : vector<1x16xf32> to vector<16xf32>
      %swap3A_57 = vector.shape_cast %broadcast_in_dim3A_1 : vector<16xf32> to vector<1x16xf32>
      tpu.vector_store %arg8[%swap3A_53, %swap3A_54], %swap3A_57 {strides = array<i32>} : memref<128x128xf32, #tpu.memory_space<vmem>>, vector<1x16xf32>,
      %swap3A_58 = arith.index_cast %scan3A_27 : i32 to index
      %swap3A_59 = arith.constant 96 : index
      %swap3A_60 = tpu.vector_load %arg8[%swap3A_58, %swap3A_59] {strides = array<i32>} : memref<128x128xf32, #tpu.memory_space<vmem>>, vector<1x16xf32>,
      %swap3A_61 = vector.shape_cast %swap3A_60 : vector<1x16xf32> to vector<16xf32>
      %swap3A_62 = vector.shape_cast %broadcast_in_dim3A_1 : vector<16xf32> to vector<1x16xf32>
      tpu.vector_store %arg8[%swap3A_58, %swap3A_59], %swap3A_62 {strides = array<i32>} : memref<128x128xf32, #tpu.memory_space<vmem>>, vector<1x16xf32>,
      %swap3A_63 = arith.index_cast %scan3A_27 : i32 to index
      %swap3A_64 = arith.constant 112 : index
      %swap3A_65 = tpu.vector_load %arg8[%swap3A_63, %swap3A_64] {strides = array<i32>} : memref<128x128xf32, #tpu.memory_space<vmem>>, vector<1x16xf32>,
      %swap3A_66 = vector.shape_cast %swap3A_65 : vector<1x16xf32> to vector<16xf32>
      %swap3A_67 = vector.shape_cast %broadcast_in_dim3A_1 : vector<16xf32> to vector<1x16xf32>
      tpu.vector_store %arg8[%swap3A_63, %swap3A_64], %swap3A_67 {strides = array<i32>} : memref<128x128xf32, #tpu.memory_space<vmem>>, vector<1x16xf32>,
      %scan3A_68 = arith.constant 0 : i32
      scf.yield %scan3A_68 : i32
    }
    %scan3A_7 = arith.constant 128 : i32
    %scan3A_8 = arith.constant 0 : i32
    %scan3A_9 = arith.constant 0 : i32
    %scan3A_10 = arith.constant 5 : i32
    %scan3A_11 = arith.addi %scan3A_9, %scan3A_10 : i32
    %scan3A_12 = arith.constant 1 : i32
    %scan3A_13 = scf.for %scan3A_27 = %scan3A_9 to %scan3A_11 step %scan3A_12 iter_args(%scan3A_28 = %scan3A_8) -> (i32)  : i32 {
      %mul3A_29 = arith.constant 640 : i32
      %mul3A_30 = arith.muli %arg1, %mul3A_29 : i32
      %mul3A_31 = arith.constant 128 : i32
      %mul3A_32 = arith.muli %scan3A_27, %mul3A_31 : i32
      %add3A_33 = arith.addi %mul3A_30, %mul3A_32 : i32
      "tpu.region"() ({
        %run_scoped3A = tpu.sem_alloc : memref<!tpu.dma_semaphore, #tpu.memory_space<semaphore_mem>>
        %dma_start3A = arith.constant 0 : i32
        %dma_start3A_35 = tpu.memref_slice %arg9[%add3A_33, %dma_start3A] : memref<10240x128xf32, #tpu.memory_space<vmem_shared>> -> memref<128x128xf32, #tpu.memory_space<vmem_shared>>
        %dma_start3A_36 = arith.constant 0 : i32
        %dma_start3A_37 = tpu.memref_slice %arg9[%add3A_33, %dma_start3A_36] : memref<10240x128xf32, #tpu.memory_space<vmem_shared>> -> memref<128x128xf32, #tpu.memory_space<vmem_shared>>
        tpu.enqueue_dma source(%arg8 : memref<128x128xf32, #tpu.memory_space<vmem>>) target(%dma_start3A_37 : memref<128x128xf32, #tpu.memory_space<vmem_shared>>) target_semaphore(%run_scoped3A : memref<!tpu.dma_semaphore, #tpu.memory_space<semaphore_mem>>)
        %dma_wait3A = arith.constant 0 : i32
        %dma_wait3A_38 = tpu.memref_slice %arg9[%add3A_33, %dma_wait3A] : memref<10240x128xf32, #tpu.memory_space<vmem_shared>> -> memref<128x128xf32, #tpu.memory_space<vmem_shared>>
        %dma_wait3A_39 = arith.constant 0 : i32
        %dma_wait3A_40 = tpu.memref_slice %arg9[%add3A_33, %dma_wait3A_39] : memref<10240x128xf32, #tpu.memory_space<vmem_shared>> -> memref<128x128xf32, #tpu.memory_space<vmem_shared>>
        tpu.wait_dma2 semaphore(%run_scoped3A : memref<!tpu.dma_semaphore, #tpu.memory_space<semaphore_mem>>) src(%arg8 : memref<128x128xf32, #tpu.memory_space<vmem>>) dst(%dma_wait3A_40 : memref<128x128xf32, #tpu.memory_space<vmem_shared>>)
        tpu.yield
      }) : () -> ()
      %scan3A_34 = arith.constant 0 : i32
      scf.yield %scan3A_34 : i32
    }
    %scan3A_14 = arith.constant 5 : i32
    %barrier3A = arith.constant 0 : index
    tpu.barrier barrier_id(%barrier3A)
    "tpu.region"() ({
      %run_scoped3A = tpu.sem_alloc : memref<!tpu.dma_semaphore, #tpu.memory_space<semaphore_mem>>
      %dma_start3A = arith.constant 0 : i32
      %dma_start3A_27 = arith.constant 0 : i32
      %dma_start3A_28 = tpu.memref_slice %arg3[%add3A, %dma_start3A, %dma_start3A_27] : memref<32x80x128xi32, #tpu.memory_space<hbm>> -> memref<1x80x128xi32, #tpu.memory_space<hbm>>
      %dma_start3A_29 = tpu.memref_squeeze %dma_start3A_28 : memref<1x80x128xi32, #tpu.memory_space<hbm>> -> memref<80x128xi32, #tpu.memory_space<hbm>>
      %dma_start3A_30 = arith.constant 0 : i32
      %dma_start3A_31 = arith.constant 0 : i32
      %dma_start3A_32 = tpu.memref_slice %arg3[%add3A, %dma_start3A_30, %dma_start3A_31] : memref<32x80x128xi32, #tpu.memory_space<hbm>> -> memref<1x80x128xi32, #tpu.memory_space<hbm>>
      %dma_start3A_33 = tpu.memref_squeeze %dma_start3A_32 : memref<1x80x128xi32, #tpu.memory_space<hbm>> -> memref<80x128xi32, #tpu.memory_space<hbm>>
      tpu.enqueue_dma source(%dma_start3A_33 : memref<80x128xi32, #tpu.memory_space<hbm>>) target(%arg6 : memref<80x128xi32, #tpu.memory_space<vmem>>) target_semaphore(%run_scoped3A : memref<!tpu.dma_semaphore, #tpu.memory_space<semaphore_mem>>)
      %dma_wait3A = arith.constant 0 : i32
      %dma_wait3A_34 = arith.constant 0 : i32
      %dma_wait3A_35 = tpu.memref_slice %arg3[%add3A, %dma_wait3A, %dma_wait3A_34] : memref<32x80x128xi32, #tpu.memory_space<hbm>> -> memref<1x80x128xi32, #tpu.memory_space<hbm>>
      %dma_wait3A_36 = tpu.memref_squeeze %dma_wait3A_35 : memref<1x80x128xi32, #tpu.memory_space<hbm>> -> memref<80x128xi32, #tpu.memory_space<hbm>>
      %dma_wait3A_37 = arith.constant 0 : i32
      %dma_wait3A_38 = arith.constant 0 : i32
      %dma_wait3A_39 = tpu.memref_slice %arg3[%add3A, %dma_wait3A_37, %dma_wait3A_38] : memref<32x80x128xi32, #tpu.memory_space<hbm>> -> memref<1x80x128xi32, #tpu.memory_space<hbm>>
      %dma_wait3A_40 = tpu.memref_squeeze %dma_wait3A_39 : memref<1x80x128xi32, #tpu.memory_space<hbm>> -> memref<80x128xi32, #tpu.memory_space<hbm>>
      tpu.wait_dma2 semaphore(%run_scoped3A : memref<!tpu.dma_semaphore, #tpu.memory_space<semaphore_mem>>) src(%dma_wait3A_40 : memref<80x128xi32, #tpu.memory_space<hbm>>) dst(%arg6 : memref<80x128xi32, #tpu.memory_space<vmem>>)
      tpu.yield
    }) : () -> ()
    "tpu.region"() ({
      %run_scoped3A = tpu.sem_alloc : memref<!tpu.dma_semaphore, #tpu.memory_space<semaphore_mem>>
      %dma_start3A = arith.constant 0 : i32
      %dma_start3A_27 = arith.constant 0 : i32
      %dma_start3A_28 = tpu.memref_slice %arg4[%add3A, %dma_start3A, %dma_start3A_27] : memref<32x80x128xi32, #tpu.memory_space<hbm>> -> memref<1x80x128xi32, #tpu.memory_space<hbm>>
      %dma_start3A_29 = tpu.memref_squeeze %dma_start3A_28 : memref<1x80x128xi32, #tpu.memory_space<hbm>> -> memref<80x128xi32, #tpu.memory_space<hbm>>
      %dma_start3A_30 = arith.constant 0 : i32
      %dma_start3A_31 = arith.constant 0 : i32
      %dma_start3A_32 = tpu.memref_slice %arg4[%add3A, %dma_start3A_30, %dma_start3A_31] : memref<32x80x128xi32, #tpu.memory_space<hbm>> -> memref<1x80x128xi32, #tpu.memory_space<hbm>>
      %dma_start3A_33 = tpu.memref_squeeze %dma_start3A_32 : memref<1x80x128xi32, #tpu.memory_space<hbm>> -> memref<80x128xi32, #tpu.memory_space<hbm>>
      tpu.enqueue_dma source(%dma_start3A_33 : memref<80x128xi32, #tpu.memory_space<hbm>>) target(%arg7 : memref<80x128xi32, #tpu.memory_space<vmem>>) target_semaphore(%run_scoped3A : memref<!tpu.dma_semaphore, #tpu.memory_space<semaphore_mem>>)
      %dma_wait3A = arith.constant 0 : i32
      %dma_wait3A_34 = arith.constant 0 : i32
      %dma_wait3A_35 = tpu.memref_slice %arg4[%add3A, %dma_wait3A, %dma_wait3A_34] : memref<32x80x128xi32, #tpu.memory_space<hbm>> -> memref<1x80x128xi32, #tpu.memory_space<hbm>>
      %dma_wait3A_36 = tpu.memref_squeeze %dma_wait3A_35 : memref<1x80x128xi32, #tpu.memory_space<hbm>> -> memref<80x128xi32, #tpu.memory_space<hbm>>
      %dma_wait3A_37 = arith.constant 0 : i32
      %dma_wait3A_38 = arith.constant 0 : i32
      %dma_wait3A_39 = tpu.memref_slice %arg4[%add3A, %dma_wait3A_37, %dma_wait3A_38] : memref<32x80x128xi32, #tpu.memory_space<hbm>> -> memref<1x80x128xi32, #tpu.memory_space<hbm>>
      %dma_wait3A_40 = tpu.memref_squeeze %dma_wait3A_39 : memref<1x80x128xi32, #tpu.memory_space<hbm>> -> memref<80x128xi32, #tpu.memory_space<hbm>>
      tpu.wait_dma2 semaphore(%run_scoped3A : memref<!tpu.dma_semaphore, #tpu.memory_space<semaphore_mem>>) src(%dma_wait3A_40 : memref<80x128xi32, #tpu.memory_space<hbm>>) dst(%arg7 : memref<80x128xi32, #tpu.memory_space<vmem>>)
      tpu.yield
    }) : () -> ()
    %scan3A_15 = arith.constant 0 : i32
    %scan3A_16 = arith.constant 0 : i32
    %scan3A_17 = arith.constant 80 : i32
    %scan3A_18 = arith.addi %scan3A_16, %scan3A_17 : i32
    %scan3A_19 = arith.constant 1 : i32
    %scan3A_20 = scf.for %scan3A_27 = %scan3A_16 to %scan3A_18 step %scan3A_19 iter_args(%scan3A_28 = %scan3A_15) -> (i32)  : i32 {
      "tpu.region"() ({
        %run_scoped3A = tpu.sem_alloc : memref<!tpu.dma_semaphore, #tpu.memory_space<semaphore_mem>>
        %dma_start3A = arith.constant 0 : i32
        %dma_start3A_30 = tpu.memref_slice %arg6[%scan3A_27, %dma_start3A] : memref<80x128xi32, #tpu.memory_space<vmem>> -> memref<1x128xi32, #tpu.memory_space<vmem>>
        %dma_start3A_31 = tpu.memref_squeeze %dma_start3A_30 : memref<1x128xi32, #tpu.memory_space<vmem>> -> memref<128xi32, #tpu.memory_space<vmem>>
        %dma_start3A_32 = arith.constant 0 : i32
        %dma_start3A_33 = arith.constant 0 : i32
        %dma_start3A_34 = tpu.memref_slice %arg2[%dma_start3A_32, %dma_start3A_33] : memref<10240x128xf32, #tpu.memory_space<hbm>> -> memref<10240x128xf32, #tpu.memory_space<hbm>>
        tpu.enqueue_indirect_dma source(%dma_start3A_34 : memref<10240x128xf32, #tpu.memory_space<hbm>>) target(%arg8 : memref<128x128xf32, #tpu.memory_space<vmem>>) offsets(%dma_start3A_31 : memref<128xi32, #tpu.memory_space<vmem>>) semaphore(%run_scoped3A : memref<!tpu.dma_semaphore, #tpu.memory_space<semaphore_mem>>)
        %dma_wait3A = arith.constant 0 : i32
        %dma_wait3A_35 = tpu.memref_slice %arg6[%scan3A_27, %dma_wait3A] : memref<80x128xi32, #tpu.memory_space<vmem>> -> memref<1x128xi32, #tpu.memory_space<vmem>>
        %dma_wait3A_36 = tpu.memref_squeeze %dma_wait3A_35 : memref<1x128xi32, #tpu.memory_space<vmem>> -> memref<128xi32, #tpu.memory_space<vmem>>
        %dma_wait3A_37 = arith.constant 0 : i32
        %dma_wait3A_38 = arith.constant 0 : i32
        %dma_wait3A_39 = tpu.memref_slice %arg2[%dma_wait3A_37, %dma_wait3A_38] : memref<10240x128xf32, #tpu.memory_space<hbm>> -> memref<10240x128xf32, #tpu.memory_space<hbm>>
        tpu.wait_indirect_dma semaphore(%run_scoped3A : memref<!tpu.dma_semaphore, #tpu.memory_space<semaphore_mem>>) src(%dma_wait3A_39 : memref<10240x128xf32, #tpu.memory_space<hbm>>) dst(%arg8 : memref<128x128xf32, #tpu.memory_space<vmem>>)
        tpu.yield
      }) : () -> ()
      "tpu.region"() ({
        %run_scoped3A = tpu.sem_alloc : memref<!tpu.dma_semaphore, #tpu.memory_space<semaphore_mem>>
        %dma_start3A = arith.constant 0 : i32
        %dma_start3A_30 = tpu.memref_slice %arg7[%scan3A_27, %dma_start3A] : memref<80x128xi32, #tpu.memory_space<vmem>> -> memref<1x128xi32, #tpu.memory_space<vmem>>
        %dma_start3A_31 = tpu.memref_squeeze %dma_start3A_30 : memref<1x128xi32, #tpu.memory_space<vmem>> -> memref<128xi32, #tpu.memory_space<vmem>>
        %dma_start3A_32 = arith.constant 0 : i32
        %dma_start3A_33 = arith.constant 0 : i32
        %dma_start3A_34 = tpu.memref_slice %arg9[%dma_start3A_32, %dma_start3A_33] : memref<10240x128xf32, #tpu.memory_space<vmem_shared>> -> memref<10240x128xf32, #tpu.memory_space<vmem_shared>>
        tpu.enqueue_indirect_dma source(%arg8 : memref<128x128xf32, #tpu.memory_space<vmem>>) target(%dma_start3A_34 : memref<10240x128xf32, #tpu.memory_space<vmem_shared>>) offsets(%dma_start3A_31 : memref<128xi32, #tpu.memory_space<vmem>>) semaphore(%run_scoped3A : memref<!tpu.dma_semaphore, #tpu.memory_space<semaphore_mem>>) {add = true}
        %dma_wait3A = arith.constant 0 : i32
        %dma_wait3A_35 = tpu.memref_slice %arg7[%scan3A_27, %dma_wait3A] : memref<80x128xi32, #tpu.memory_space<vmem>> -> memref<1x128xi32, #tpu.memory_space<vmem>>
        %dma_wait3A_36 = tpu.memref_squeeze %dma_wait3A_35 : memref<1x128xi32, #tpu.memory_space<vmem>> -> memref<128xi32, #tpu.memory_space<vmem>>
        %dma_wait3A_37 = arith.constant 0 : i32
        %dma_wait3A_38 = arith.constant 0 : i32
        %dma_wait3A_39 = tpu.memref_slice %arg9[%dma_wait3A_37, %dma_wait3A_38] : memref<10240x128xf32, #tpu.memory_space<vmem_shared>> -> memref<10240x128xf32, #tpu.memory_space<vmem_shared>>
        tpu.wait_indirect_dma semaphore(%run_scoped3A : memref<!tpu.dma_semaphore, #tpu.memory_space<semaphore_mem>>) src(%arg8 : memref<128x128xf32, #tpu.memory_space<vmem>>) dst(%dma_wait3A_39 : memref<10240x128xf32, #tpu.memory_space<vmem_shared>>)
        tpu.yield
      }) : () -> ()
      %scan3A_29 = arith.constant 0 : i32
      scf.yield %scan3A_29 : i32
    }
    %scan3A_21 = arith.constant 80 : i32
    %barrier3A_22 = arith.constant 0 : index
    tpu.barrier barrier_id(%barrier3A_22)
    %mul3A_23 = arith.constant 640 : i32
    %mul3A_24 = arith.muli %arg1, %mul3A_23 : i32
    %mul3A_25 = arith.constant 640 : i32
    %mul3A_26 = arith.muli %arg1, %mul3A_25 : i32
    "tpu.region"() ({
      %run_scoped3A = tpu.sem_alloc : memref<!tpu.dma_semaphore, #tpu.memory_space<semaphore_mem>>
      %dma_start3A = arith.constant 0 : i32
      %dma_start3A_27 = tpu.memref_slice %arg5[%arg0, %mul3A_26, %dma_start3A] : memref<2x10240x128xf32, #tpu.memory_space<hbm>> -> memref<1x640x128xf32, #tpu.memory_space<hbm>>
      %dma_start3A_28 = tpu.memref_squeeze %dma_start3A_27 : memref<1x640x128xf32, #tpu.memory_space<hbm>> -> memref<640x128xf32, #tpu.memory_space<hbm>>
      %dma_start3A_29 = arith.constant 0 : i32
      %dma_start3A_30 = tpu.memref_slice %arg9[%mul3A_24, %dma_start3A_29] : memref<10240x128xf32, #tpu.memory_space<vmem_shared>> -> memref<640x128xf32, #tpu.memory_space<vmem_shared>>
      tpu.enqueue_dma source(%dma_start3A_30 : memref<640x128xf32, #tpu.memory_space<vmem_shared>>) target(%dma_start3A_28 : memref<640x128xf32, #tpu.memory_space<hbm>>) target_semaphore(%run_scoped3A : memref<!tpu.dma_semaphore, #tpu.memory_space<semaphore_mem>>)
      %dma_wait3A = arith.constant 0 : i32
      %dma_wait3A_31 = tpu.memref_slice %arg5[%arg0, %mul3A_26, %dma_wait3A] : memref<2x10240x128xf32, #tpu.memory_space<hbm>> -> memref<1x640x128xf32, #tpu.memory_space<hbm>>
      %dma_wait3A_32 = tpu.memref_squeeze %dma_wait3A_31 : memref<1x640x128xf32, #tpu.memory_space<hbm>> -> memref<640x128xf32, #tpu.memory_space<hbm>>
      %dma_wait3A_33 = arith.constant 0 : i32
      %dma_wait3A_34 = tpu.memref_slice %arg9[%mul3A_24, %dma_wait3A_33] : memref<10240x128xf32, #tpu.memory_space<vmem_shared>> -> memref<640x128xf32, #tpu.memory_space<vmem_shared>>
      tpu.wait_dma2 semaphore(%run_scoped3A : memref<!tpu.dma_semaphore, #tpu.memory_space<semaphore_mem>>) src(%dma_wait3A_34 : memref<640x128xf32, #tpu.memory_space<vmem_shared>>) dst(%dma_wait3A_32 : memref<640x128xf32, #tpu.memory_space<hbm>>)
      tpu.yield
    }) : () -> ()
    return
  }
}

#map = affine_map<(d0, d1) -> (0, 0)>
#map1 = affine_map<(d0, d1) -> (0, 0, 0)>
module attributes {stable_mosaic.version = 14 : i64} {
  func.func @_segsum_kernel(%arg0: i32, %arg1: i32, %arg2: memref<10240x128xf32, #tpu.memory_space<hbm>>, %arg3: memref<32x80x128xi32, #tpu.memory_space<hbm>>, %arg4: memref<32x80x128xi32, #tpu.memory_space<hbm>>, %arg5: memref<2x10240x128xf32, #tpu.memory_space<hbm>>, %arg6: memref<80x128xi32, #tpu.memory_space<vmem>>, %arg7: memref<80x128xi32, #tpu.memory_space<vmem>>, %arg8: memref<128x128xf32, #tpu.memory_space<vmem>>, %arg9: memref<10240x128xf32, #tpu.memory_space<vmem_shared>>) attributes {dimension_semantics = [#tpu.dimension_semantics<core_parallel>, #tpu.dimension_semantics<subcore_parallel>], iteration_bounds = array<i64: 2, 16>, scalar_prefetch = 0 : i64, scratch_operands = 4 : i64, tpu.core_type = #tpu.core_type<sc_vector_subcore>, window_params = [{transform_indices = #map}, {transform_indices = #map1}, {transform_indices = #map1}, {transform_indices = #map1}]} {
    %mul3A = arith.constant 16 : i32
    %mul3A_0 = arith.muli %arg0, %mul3A : i32
    %add3A = arith.addi %mul3A_0, %arg1 : i32
    %broadcast_in_dim3A = arith.constant 0.000000e+00 : f32
    %broadcast_in_dim3A_1 = vector.broadcast %broadcast_in_dim3A : f32 to vector<16xf32>
    %scan3A = arith.constant 0 : i32
    %scan3A_2 = arith.constant 0 : i32
    %scan3A_3 = arith.constant 128 : i32
    %scan3A_4 = arith.addi %scan3A_2, %scan3A_3 : i32
    %scan3A_5 = arith.constant 1 : i32
    %scan3A_6 = scf.for %scan3A_27 = %scan3A_2 to %scan3A_4 step %scan3A_5 iter_args(%scan3A_28 = %scan3A) -> (i32)  : i32 {
      %swap3A = arith.index_cast %scan3A_27 : i32 to index
      %swap3A_29 = arith.constant 0 : index
      %swap3A_30 = tpu.vector_load %arg8[%swap3A, %swap3A_29] {strides = array<i32>} : memref<128x128xf32, #tpu.memory_space<vmem>>, vector<1x16xf32>,
      %swap3A_31 = vector.shape_cast %swap3A_30 : vector<1x16xf32> to vector<16xf32>
      %swap3A_32 = vector.shape_cast %broadcast_in_dim3A_1 : vector<16xf32> to vector<1x16xf32>
      tpu.vector_store %arg8[%swap3A, %swap3A_29], %swap3A_32 {strides = array<i32>} : memref<128x128xf32, #tpu.memory_space<vmem>>, vector<1x16xf32>,
      %swap3A_33 = arith.index_cast %scan3A_27 : i32 to index
      %swap3A_34 = arith.constant 16 : index
      %swap3A_35 = tpu.vector_load %arg8[%swap3A_33, %swap3A_34] {strides = array<i32>} : memref<128x128xf32, #tpu.memory_space<vmem>>, vector<1x16xf32>,
      %swap3A_36 = vector.shape_cast %swap3A_35 : vector<1x16xf32> to vector<16xf32>
      %swap3A_37 = vector.shape_cast %broadcast_in_dim3A_1 : vector<16xf32> to vector<1x16xf32>
      tpu.vector_store %arg8[%swap3A_33, %swap3A_34], %swap3A_37 {strides = array<i32>} : memref<128x128xf32, #tpu.memory_space<vmem>>, vector<1x16xf32>,
      %swap3A_38 = arith.index_cast %scan3A_27 : i32 to index
      %swap3A_39 = arith.constant 32 : index
      %swap3A_40 = tpu.vector_load %arg8[%swap3A_38, %swap3A_39] {strides = array<i32>} : memref<128x128xf32, #tpu.memory_space<vmem>>, vector<1x16xf32>,
      %swap3A_41 = vector.shape_cast %swap3A_40 : vector<1x16xf32> to vector<16xf32>
      %swap3A_42 = vector.shape_cast %broadcast_in_dim3A_1 : vector<16xf32> to vector<1x16xf32>
      tpu.vector_store %arg8[%swap3A_38, %swap3A_39], %swap3A_42 {strides = array<i32>} : memref<128x128xf32, #tpu.memory_space<vmem>>, vector<1x16xf32>,
      %swap3A_43 = arith.index_cast %scan3A_27 : i32 to index
      %swap3A_44 = arith.constant 48 : index
      %swap3A_45 = tpu.vector_load %arg8[%swap3A_43, %swap3A_44] {strides = array<i32>} : memref<128x128xf32, #tpu.memory_space<vmem>>, vector<1x16xf32>,
      %swap3A_46 = vector.shape_cast %swap3A_45 : vector<1x16xf32> to vector<16xf32>
      %swap3A_47 = vector.shape_cast %broadcast_in_dim3A_1 : vector<16xf32> to vector<1x16xf32>
      tpu.vector_store %arg8[%swap3A_43, %swap3A_44], %swap3A_47 {strides = array<i32>} : memref<128x128xf32, #tpu.memory_space<vmem>>, vector<1x16xf32>,
      %swap3A_48 = arith.index_cast %scan3A_27 : i32 to index
      %swap3A_49 = arith.constant 64 : index
      %swap3A_50 = tpu.vector_load %arg8[%swap3A_48, %swap3A_49] {strides = array<i32>} : memref<128x128xf32, #tpu.memory_space<vmem>>, vector<1x16xf32>,
      %swap3A_51 = vector.shape_cast %swap3A_50 : vector<1x16xf32> to vector<16xf32>
      %swap3A_52 = vector.shape_cast %broadcast_in_dim3A_1 : vector<16xf32> to vector<1x16xf32>
      tpu.vector_store %arg8[%swap3A_48, %swap3A_49], %swap3A_52 {strides = array<i32>} : memref<128x128xf32, #tpu.memory_space<vmem>>, vector<1x16xf32>,
      %swap3A_53 = arith.index_cast %scan3A_27 : i32 to index
      %swap3A_54 = arith.constant 80 : index
      %swap3A_55 = tpu.vector_load %arg8[%swap3A_53, %swap3A_54] {strides = array<i32>} : memref<128x128xf32, #tpu.memory_space<vmem>>, vector<1x16xf32>,
      %swap3A_56 = vector.shape_cast %swap3A_55 : vector<1x16xf32> to vector<16xf32>
      %swap3A_57 = vector.shape_cast %broadcast_in_dim3A_1 : vector<16xf32> to vector<1x16xf32>
      tpu.vector_store %arg8[%swap3A_53, %swap3A_54], %swap3A_57 {strides = array<i32>} : memref<128x128xf32, #tpu.memory_space<vmem>>, vector<1x16xf32>,
      %swap3A_58 = arith.index_cast %scan3A_27 : i32 to index
      %swap3A_59 = arith.constant 96 : index
      %swap3A_60 = tpu.vector_load %arg8[%swap3A_58, %swap3A_59] {strides = array<i32>} : memref<128x128xf32, #tpu.memory_space<vmem>>, vector<1x16xf32>,
      %swap3A_61 = vector.shape_cast %swap3A_60 : vector<1x16xf32> to vector<16xf32>
      %swap3A_62 = vector.shape_cast %broadcast_in_dim3A_1 : vector<16xf32> to vector<1x16xf32>
      tpu.vector_store %arg8[%swap3A_58, %swap3A_59], %swap3A_62 {strides = array<i32>} : memref<128x128xf32, #tpu.memory_space<vmem>>, vector<1x16xf32>,
      %swap3A_63 = arith.index_cast %scan3A_27 : i32 to index
      %swap3A_64 = arith.constant 112 : index
      %swap3A_65 = tpu.vector_load %arg8[%swap3A_63, %swap3A_64] {strides = array<i32>} : memref<128x128xf32, #tpu.memory_space<vmem>>, vector<1x16xf32>,
      %swap3A_66 = vector.shape_cast %swap3A_65 : vector<1x16xf32> to vector<16xf32>
      %swap3A_67 = vector.shape_cast %broadcast_in_dim3A_1 : vector<16xf32> to vector<1x16xf32>
      tpu.vector_store %arg8[%swap3A_63, %swap3A_64], %swap3A_67 {strides = array<i32>} : memref<128x128xf32, #tpu.memory_space<vmem>>, vector<1x16xf32>,
      %scan3A_68 = arith.constant 0 : i32
      scf.yield %scan3A_68 : i32
    }
    %scan3A_7 = arith.constant 128 : i32
    %scan3A_8 = arith.constant 0 : i32
    %scan3A_9 = arith.constant 0 : i32
    %scan3A_10 = arith.constant 5 : i32
    %scan3A_11 = arith.addi %scan3A_9, %scan3A_10 : i32
    %scan3A_12 = arith.constant 1 : i32
    %scan3A_13 = scf.for %scan3A_27 = %scan3A_9 to %scan3A_11 step %scan3A_12 iter_args(%scan3A_28 = %scan3A_8) -> (i32)  : i32 {
      %mul3A_29 = arith.constant 640 : i32
      %mul3A_30 = arith.muli %arg1, %mul3A_29 : i32
      %mul3A_31 = arith.constant 128 : i32
      %mul3A_32 = arith.muli %scan3A_27, %mul3A_31 : i32
      %add3A_33 = arith.addi %mul3A_30, %mul3A_32 : i32
      "tpu.region"() ({
        %run_scoped3A = tpu.sem_alloc : memref<!tpu.dma_semaphore, #tpu.memory_space<semaphore_mem>>
        %dma_start3A = arith.constant 0 : i32
        %dma_start3A_35 = tpu.memref_slice %arg9[%add3A_33, %dma_start3A] : memref<10240x128xf32, #tpu.memory_space<vmem_shared>> -> memref<128x128xf32, #tpu.memory_space<vmem_shared>>
        %dma_start3A_36 = arith.constant 0 : i32
        %dma_start3A_37 = tpu.memref_slice %arg9[%add3A_33, %dma_start3A_36] : memref<10240x128xf32, #tpu.memory_space<vmem_shared>> -> memref<128x128xf32, #tpu.memory_space<vmem_shared>>
        tpu.enqueue_dma source(%arg8 : memref<128x128xf32, #tpu.memory_space<vmem>>) target(%dma_start3A_37 : memref<128x128xf32, #tpu.memory_space<vmem_shared>>) target_semaphore(%run_scoped3A : memref<!tpu.dma_semaphore, #tpu.memory_space<semaphore_mem>>)
        %dma_wait3A = arith.constant 0 : i32
        %dma_wait3A_38 = tpu.memref_slice %arg9[%add3A_33, %dma_wait3A] : memref<10240x128xf32, #tpu.memory_space<vmem_shared>> -> memref<128x128xf32, #tpu.memory_space<vmem_shared>>
        %dma_wait3A_39 = arith.constant 0 : i32
        %dma_wait3A_40 = tpu.memref_slice %arg9[%add3A_33, %dma_wait3A_39] : memref<10240x128xf32, #tpu.memory_space<vmem_shared>> -> memref<128x128xf32, #tpu.memory_space<vmem_shared>>
        tpu.wait_dma2 semaphore(%run_scoped3A : memref<!tpu.dma_semaphore, #tpu.memory_space<semaphore_mem>>) src(%arg8 : memref<128x128xf32, #tpu.memory_space<vmem>>) dst(%dma_wait3A_40 : memref<128x128xf32, #tpu.memory_space<vmem_shared>>)
        tpu.yield
      }) : () -> ()
      %scan3A_34 = arith.constant 0 : i32
      scf.yield %scan3A_34 : i32
    }
    %scan3A_14 = arith.constant 5 : i32
    %barrier3A = arith.constant 0 : index
    tpu.barrier barrier_id(%barrier3A)
    "tpu.region"() ({
      %run_scoped3A = tpu.sem_alloc : memref<!tpu.dma_semaphore, #tpu.memory_space<semaphore_mem>>
      %dma_start3A = arith.constant 0 : i32
      %dma_start3A_27 = arith.constant 0 : i32
      %dma_start3A_28 = tpu.memref_slice %arg3[%add3A, %dma_start3A, %dma_start3A_27] : memref<32x80x128xi32, #tpu.memory_space<hbm>> -> memref<1x80x128xi32, #tpu.memory_space<hbm>>
      %dma_start3A_29 = tpu.memref_squeeze %dma_start3A_28 : memref<1x80x128xi32, #tpu.memory_space<hbm>> -> memref<80x128xi32, #tpu.memory_space<hbm>>
      %dma_start3A_30 = arith.constant 0 : i32
      %dma_start3A_31 = arith.constant 0 : i32
      %dma_start3A_32 = tpu.memref_slice %arg3[%add3A, %dma_start3A_30, %dma_start3A_31] : memref<32x80x128xi32, #tpu.memory_space<hbm>> -> memref<1x80x128xi32, #tpu.memory_space<hbm>>
      %dma_start3A_33 = tpu.memref_squeeze %dma_start3A_32 : memref<1x80x128xi32, #tpu.memory_space<hbm>> -> memref<80x128xi32, #tpu.memory_space<hbm>>
      tpu.enqueue_dma source(%dma_start3A_33 : memref<80x128xi32, #tpu.memory_space<hbm>>) target(%arg6 : memref<80x128xi32, #tpu.memory_space<vmem>>) target_semaphore(%run_scoped3A : memref<!tpu.dma_semaphore, #tpu.memory_space<semaphore_mem>>)
      %dma_wait3A = arith.constant 0 : i32
      %dma_wait3A_34 = arith.constant 0 : i32
      %dma_wait3A_35 = tpu.memref_slice %arg3[%add3A, %dma_wait3A, %dma_wait3A_34] : memref<32x80x128xi32, #tpu.memory_space<hbm>> -> memref<1x80x128xi32, #tpu.memory_space<hbm>>
      %dma_wait3A_36 = tpu.memref_squeeze %dma_wait3A_35 : memref<1x80x128xi32, #tpu.memory_space<hbm>> -> memref<80x128xi32, #tpu.memory_space<hbm>>
      %dma_wait3A_37 = arith.constant 0 : i32
      %dma_wait3A_38 = arith.constant 0 : i32
      %dma_wait3A_39 = tpu.memref_slice %arg3[%add3A, %dma_wait3A_37, %dma_wait3A_38] : memref<32x80x128xi32, #tpu.memory_space<hbm>> -> memref<1x80x128xi32, #tpu.memory_space<hbm>>
      %dma_wait3A_40 = tpu.memref_squeeze %dma_wait3A_39 : memref<1x80x128xi32, #tpu.memory_space<hbm>> -> memref<80x128xi32, #tpu.memory_space<hbm>>
      tpu.wait_dma2 semaphore(%run_scoped3A : memref<!tpu.dma_semaphore, #tpu.memory_space<semaphore_mem>>) src(%dma_wait3A_40 : memref<80x128xi32, #tpu.memory_space<hbm>>) dst(%arg6 : memref<80x128xi32, #tpu.memory_space<vmem>>)
      tpu.yield
    }) : () -> ()
    "tpu.region"() ({
      %run_scoped3A = tpu.sem_alloc : memref<!tpu.dma_semaphore, #tpu.memory_space<semaphore_mem>>
      %dma_start3A = arith.constant 0 : i32
      %dma_start3A_27 = arith.constant 0 : i32
      %dma_start3A_28 = tpu.memref_slice %arg4[%add3A, %dma_start3A, %dma_start3A_27] : memref<32x80x128xi32, #tpu.memory_space<hbm>> -> memref<1x80x128xi32, #tpu.memory_space<hbm>>
      %dma_start3A_29 = tpu.memref_squeeze %dma_start3A_28 : memref<1x80x128xi32, #tpu.memory_space<hbm>> -> memref<80x128xi32, #tpu.memory_space<hbm>>
      %dma_start3A_30 = arith.constant 0 : i32
      %dma_start3A_31 = arith.constant 0 : i32
      %dma_start3A_32 = tpu.memref_slice %arg4[%add3A, %dma_start3A_30, %dma_start3A_31] : memref<32x80x128xi32, #tpu.memory_space<hbm>> -> memref<1x80x128xi32, #tpu.memory_space<hbm>>
      %dma_start3A_33 = tpu.memref_squeeze %dma_start3A_32 : memref<1x80x128xi32, #tpu.memory_space<hbm>> -> memref<80x128xi32, #tpu.memory_space<hbm>>
      tpu.enqueue_dma source(%dma_start3A_33 : memref<80x128xi32, #tpu.memory_space<hbm>>) target(%arg7 : memref<80x128xi32, #tpu.memory_space<vmem>>) target_semaphore(%run_scoped3A : memref<!tpu.dma_semaphore, #tpu.memory_space<semaphore_mem>>)
      %dma_wait3A = arith.constant 0 : i32
      %dma_wait3A_34 = arith.constant 0 : i32
      %dma_wait3A_35 = tpu.memref_slice %arg4[%add3A, %dma_wait3A, %dma_wait3A_34] : memref<32x80x128xi32, #tpu.memory_space<hbm>> -> memref<1x80x128xi32, #tpu.memory_space<hbm>>
      %dma_wait3A_36 = tpu.memref_squeeze %dma_wait3A_35 : memref<1x80x128xi32, #tpu.memory_space<hbm>> -> memref<80x128xi32, #tpu.memory_space<hbm>>
      %dma_wait3A_37 = arith.constant 0 : i32
      %dma_wait3A_38 = arith.constant 0 : i32
      %dma_wait3A_39 = tpu.memref_slice %arg4[%add3A, %dma_wait3A_37, %dma_wait3A_38] : memref<32x80x128xi32, #tpu.memory_space<hbm>> -> memref<1x80x128xi32, #tpu.memory_space<hbm>>
      %dma_wait3A_40 = tpu.memref_squeeze %dma_wait3A_39 : memref<1x80x128xi32, #tpu.memory_space<hbm>> -> memref<80x128xi32, #tpu.memory_space<hbm>>
      tpu.wait_dma2 semaphore(%run_scoped3A : memref<!tpu.dma_semaphore, #tpu.memory_space<semaphore_mem>>) src(%dma_wait3A_40 : memref<80x128xi32, #tpu.memory_space<hbm>>) dst(%arg7 : memref<80x128xi32, #tpu.memory_space<vmem>>)
      tpu.yield
    }) : () -> ()
    %scan3A_15 = arith.constant 0 : i32
    %scan3A_16 = arith.constant 0 : i32
    %scan3A_17 = arith.constant 80 : i32
    %scan3A_18 = arith.addi %scan3A_16, %scan3A_17 : i32
    %scan3A_19 = arith.constant 1 : i32
    %scan3A_20 = scf.for %scan3A_27 = %scan3A_16 to %scan3A_18 step %scan3A_19 iter_args(%scan3A_28 = %scan3A_15) -> (i32)  : i32 {
      "tpu.region"() ({
        %run_scoped3A = tpu.sem_alloc : memref<!tpu.dma_semaphore, #tpu.memory_space<semaphore_mem>>
        %dma_start3A = arith.constant 0 : i32
        %dma_start3A_30 = tpu.memref_slice %arg6[%scan3A_27, %dma_start3A] : memref<80x128xi32, #tpu.memory_space<vmem>> -> memref<1x128xi32, #tpu.memory_space<vmem>>
        %dma_start3A_31 = tpu.memref_squeeze %dma_start3A_30 : memref<1x128xi32, #tpu.memory_space<vmem>> -> memref<128xi32, #tpu.memory_space<vmem>>
        %dma_start3A_32 = arith.constant 0 : i32
        %dma_start3A_33 = arith.constant 0 : i32
        %dma_start3A_34 = tpu.memref_slice %arg2[%dma_start3A_32, %dma_start3A_33] : memref<10240x128xf32, #tpu.memory_space<hbm>> -> memref<10240x128xf32, #tpu.memory_space<hbm>>
        tpu.enqueue_indirect_dma source(%dma_start3A_34 : memref<10240x128xf32, #tpu.memory_space<hbm>>) target(%arg8 : memref<128x128xf32, #tpu.memory_space<vmem>>) offsets(%dma_start3A_31 : memref<128xi32, #tpu.memory_space<vmem>>) semaphore(%run_scoped3A : memref<!tpu.dma_semaphore, #tpu.memory_space<semaphore_mem>>)
        %dma_wait3A = arith.constant 0 : i32
        %dma_wait3A_35 = tpu.memref_slice %arg6[%scan3A_27, %dma_wait3A] : memref<80x128xi32, #tpu.memory_space<vmem>> -> memref<1x128xi32, #tpu.memory_space<vmem>>
        %dma_wait3A_36 = tpu.memref_squeeze %dma_wait3A_35 : memref<1x128xi32, #tpu.memory_space<vmem>> -> memref<128xi32, #tpu.memory_space<vmem>>
        %dma_wait3A_37 = arith.constant 0 : i32
        %dma_wait3A_38 = arith.constant 0 : i32
        %dma_wait3A_39 = tpu.memref_slice %arg2[%dma_wait3A_37, %dma_wait3A_38] : memref<10240x128xf32, #tpu.memory_space<hbm>> -> memref<10240x128xf32, #tpu.memory_space<hbm>>
        tpu.wait_indirect_dma semaphore(%run_scoped3A : memref<!tpu.dma_semaphore, #tpu.memory_space<semaphore_mem>>) src(%dma_wait3A_39 : memref<10240x128xf32, #tpu.memory_space<hbm>>) dst(%arg8 : memref<128x128xf32, #tpu.memory_space<vmem>>)
        tpu.yield
      }) : () -> ()
      "tpu.region"() ({
        %run_scoped3A = tpu.sem_alloc : memref<!tpu.dma_semaphore, #tpu.memory_space<semaphore_mem>>
        %dma_start3A = arith.constant 0 : i32
        %dma_start3A_30 = tpu.memref_slice %arg7[%scan3A_27, %dma_start3A] : memref<80x128xi32, #tpu.memory_space<vmem>> -> memref<1x128xi32, #tpu.memory_space<vmem>>
        %dma_start3A_31 = tpu.memref_squeeze %dma_start3A_30 : memref<1x128xi32, #tpu.memory_space<vmem>> -> memref<128xi32, #tpu.memory_space<vmem>>
        %dma_start3A_32 = arith.constant 0 : i32
        %dma_start3A_33 = arith.constant 0 : i32
        %dma_start3A_34 = tpu.memref_slice %arg9[%dma_start3A_32, %dma_start3A_33] : memref<10240x128xf32, #tpu.memory_space<vmem_shared>> -> memref<10240x128xf32, #tpu.memory_space<vmem_shared>>
        tpu.enqueue_indirect_dma source(%arg8 : memref<128x128xf32, #tpu.memory_space<vmem>>) target(%dma_start3A_34 : memref<10240x128xf32, #tpu.memory_space<vmem_shared>>) offsets(%dma_start3A_31 : memref<128xi32, #tpu.memory_space<vmem>>) semaphore(%run_scoped3A : memref<!tpu.dma_semaphore, #tpu.memory_space<semaphore_mem>>) {add = true}
        %dma_wait3A = arith.constant 0 : i32
        %dma_wait3A_35 = tpu.memref_slice %arg7[%scan3A_27, %dma_wait3A] : memref<80x128xi32, #tpu.memory_space<vmem>> -> memref<1x128xi32, #tpu.memory_space<vmem>>
        %dma_wait3A_36 = tpu.memref_squeeze %dma_wait3A_35 : memref<1x128xi32, #tpu.memory_space<vmem>> -> memref<128xi32, #tpu.memory_space<vmem>>
        %dma_wait3A_37 = arith.constant 0 : i32
        %dma_wait3A_38 = arith.constant 0 : i32
        %dma_wait3A_39 = tpu.memref_slice %arg9[%dma_wait3A_37, %dma_wait3A_38] : memref<10240x128xf32, #tpu.memory_space<vmem_shared>> -> memref<10240x128xf32, #tpu.memory_space<vmem_shared>>
        tpu.wait_indirect_dma semaphore(%run_scoped3A : memref<!tpu.dma_semaphore, #tpu.memory_space<semaphore_mem>>) src(%arg8 : memref<128x128xf32, #tpu.memory_space<vmem>>) dst(%dma_wait3A_39 : memref<10240x128xf32, #tpu.memory_space<vmem_shared>>)
        tpu.yield
      }) : () -> ()
      %scan3A_29 = arith.constant 0 : i32
      scf.yield %scan3A_29 : i32
    }
    %scan3A_21 = arith.constant 80 : i32
    %barrier3A_22 = arith.constant 0 : index
    tpu.barrier barrier_id(%barrier3A_22)
    %mul3A_23 = arith.constant 640 : i32
    %mul3A_24 = arith.muli %arg1, %mul3A_23 : i32
    %mul3A_25 = arith.constant 640 : i32
    %mul3A_26 = arith.muli %arg1, %mul3A_25 : i32
    "tpu.region"() ({
      %run_scoped3A = tpu.sem_alloc : memref<!tpu.dma_semaphore, #tpu.memory_space<semaphore_mem>>
      %dma_start3A = arith.constant 0 : i32
      %dma_start3A_27 = tpu.memref_slice %arg5[%arg0, %mul3A_26, %dma_start3A] : memref<2x10240x128xf32, #tpu.memory_space<hbm>> -> memref<1x640x128xf32, #tpu.memory_space<hbm>>
      %dma_start3A_28 = tpu.memref_squeeze %dma_start3A_27 : memref<1x640x128xf32, #tpu.memory_space<hbm>> -> memref<640x128xf32, #tpu.memory_space<hbm>>
      %dma_start3A_29 = arith.constant 0 : i32
      %dma_start3A_30 = tpu.memref_slice %arg9[%mul3A_24, %dma_start3A_29] : memref<10240x128xf32, #tpu.memory_space<vmem_shared>> -> memref<640x128xf32, #tpu.memory_space<vmem_shared>>
      tpu.enqueue_dma source(%dma_start3A_30 : memref<640x128xf32, #tpu.memory_space<vmem_shared>>) target(%dma_start3A_28 : memref<640x128xf32, #tpu.memory_space<hbm>>) target_semaphore(%run_scoped3A : memref<!tpu.dma_semaphore, #tpu.memory_space<semaphore_mem>>)
      %dma_wait3A = arith.constant 0 : i32
      %dma_wait3A_31 = tpu.memref_slice %arg5[%arg0, %mul3A_26, %dma_wait3A] : memref<2x10240x128xf32, #tpu.memory_space<hbm>> -> memref<1x640x128xf32, #tpu.memory_space<hbm>>
      %dma_wait3A_32 = tpu.memref_squeeze %dma_wait3A_31 : memref<1x640x128xf32, #tpu.memory_space<hbm>> -> memref<640x128xf32, #tpu.memory_space<hbm>>
      %dma_wait3A_33 = arith.constant 0 : i32
      %dma_wait3A_34 = tpu.memref_slice %arg9[%mul3A_24, %dma_wait3A_33] : memref<10240x128xf32, #tpu.memory_space<vmem_shared>> -> memref<640x128xf32, #tpu.memory_space<vmem_shared>>
      tpu.wait_dma2 semaphore(%run_scoped3A : memref<!tpu.dma_semaphore, #tpu.memory_space<semaphore_mem>>) src(%dma_wait3A_34 : memref<640x128xf32, #tpu.memory_space<vmem_shared>>) dst(%dma_wait3A_32 : memref<640x128xf32, #tpu.memory_space<hbm>>)
      tpu.yield
    }) : () -> ()
    return
  }
}

#map = affine_map<(d0, d1) -> (0, 0)>
#map1 = affine_map<(d0, d1) -> (0, 0, 0)>
module attributes {stable_mosaic.version = 14 : i64} {
  func.func @_segsum_kernel(%arg0: i32, %arg1: i32, %arg2: memref<10240x128xf32, #tpu.memory_space<hbm>>, %arg3: memref<32x80x128xi32, #tpu.memory_space<hbm>>, %arg4: memref<32x80x128xi32, #tpu.memory_space<hbm>>, %arg5: memref<2x10240x128xf32, #tpu.memory_space<hbm>>, %arg6: memref<80x128xi32, #tpu.memory_space<vmem>>, %arg7: memref<80x128xi32, #tpu.memory_space<vmem>>, %arg8: memref<128x128xf32, #tpu.memory_space<vmem>>, %arg9: memref<10240x128xf32, #tpu.memory_space<vmem_shared>>) attributes {dimension_semantics = [#tpu.dimension_semantics<core_parallel>, #tpu.dimension_semantics<subcore_parallel>], iteration_bounds = array<i64: 2, 16>, scalar_prefetch = 0 : i64, scratch_operands = 4 : i64, tpu.core_type = #tpu.core_type<sc_vector_subcore>, window_params = [{transform_indices = #map}, {transform_indices = #map1}, {transform_indices = #map1}, {transform_indices = #map1}]} {
    %mul3A = arith.constant 16 : i32
    %mul3A_0 = arith.muli %arg0, %mul3A : i32
    %add3A = arith.addi %mul3A_0, %arg1 : i32
    %broadcast_in_dim3A = arith.constant 0.000000e+00 : f32
    %broadcast_in_dim3A_1 = vector.broadcast %broadcast_in_dim3A : f32 to vector<16xf32>
    %scan3A = arith.constant 0 : i32
    %scan3A_2 = arith.constant 0 : i32
    %scan3A_3 = arith.constant 128 : i32
    %scan3A_4 = arith.addi %scan3A_2, %scan3A_3 : i32
    %scan3A_5 = arith.constant 1 : i32
    %scan3A_6 = scf.for %scan3A_27 = %scan3A_2 to %scan3A_4 step %scan3A_5 iter_args(%scan3A_28 = %scan3A) -> (i32)  : i32 {
      %swap3A = arith.index_cast %scan3A_27 : i32 to index
      %swap3A_29 = arith.constant 0 : index
      %swap3A_30 = tpu.vector_load %arg8[%swap3A, %swap3A_29] {strides = array<i32>} : memref<128x128xf32, #tpu.memory_space<vmem>>, vector<1x16xf32>,
      %swap3A_31 = vector.shape_cast %swap3A_30 : vector<1x16xf32> to vector<16xf32>
      %swap3A_32 = vector.shape_cast %broadcast_in_dim3A_1 : vector<16xf32> to vector<1x16xf32>
      tpu.vector_store %arg8[%swap3A, %swap3A_29], %swap3A_32 {strides = array<i32>} : memref<128x128xf32, #tpu.memory_space<vmem>>, vector<1x16xf32>,
      %swap3A_33 = arith.index_cast %scan3A_27 : i32 to index
      %swap3A_34 = arith.constant 16 : index
      %swap3A_35 = tpu.vector_load %arg8[%swap3A_33, %swap3A_34] {strides = array<i32>} : memref<128x128xf32, #tpu.memory_space<vmem>>, vector<1x16xf32>,
      %swap3A_36 = vector.shape_cast %swap3A_35 : vector<1x16xf32> to vector<16xf32>
      %swap3A_37 = vector.shape_cast %broadcast_in_dim3A_1 : vector<16xf32> to vector<1x16xf32>
      tpu.vector_store %arg8[%swap3A_33, %swap3A_34], %swap3A_37 {strides = array<i32>} : memref<128x128xf32, #tpu.memory_space<vmem>>, vector<1x16xf32>,
      %swap3A_38 = arith.index_cast %scan3A_27 : i32 to index
      %swap3A_39 = arith.constant 32 : index
      %swap3A_40 = tpu.vector_load %arg8[%swap3A_38, %swap3A_39] {strides = array<i32>} : memref<128x128xf32, #tpu.memory_space<vmem>>, vector<1x16xf32>,
      %swap3A_41 = vector.shape_cast %swap3A_40 : vector<1x16xf32> to vector<16xf32>
      %swap3A_42 = vector.shape_cast %broadcast_in_dim3A_1 : vector<16xf32> to vector<1x16xf32>
      tpu.vector_store %arg8[%swap3A_38, %swap3A_39], %swap3A_42 {strides = array<i32>} : memref<128x128xf32, #tpu.memory_space<vmem>>, vector<1x16xf32>,
      %swap3A_43 = arith.index_cast %scan3A_27 : i32 to index
      %swap3A_44 = arith.constant 48 : index
      %swap3A_45 = tpu.vector_load %arg8[%swap3A_43, %swap3A_44] {strides = array<i32>} : memref<128x128xf32, #tpu.memory_space<vmem>>, vector<1x16xf32>,
      %swap3A_46 = vector.shape_cast %swap3A_45 : vector<1x16xf32> to vector<16xf32>
      %swap3A_47 = vector.shape_cast %broadcast_in_dim3A_1 : vector<16xf32> to vector<1x16xf32>
      tpu.vector_store %arg8[%swap3A_43, %swap3A_44], %swap3A_47 {strides = array<i32>} : memref<128x128xf32, #tpu.memory_space<vmem>>, vector<1x16xf32>,
      %swap3A_48 = arith.index_cast %scan3A_27 : i32 to index
      %swap3A_49 = arith.constant 64 : index
      %swap3A_50 = tpu.vector_load %arg8[%swap3A_48, %swap3A_49] {strides = array<i32>} : memref<128x128xf32, #tpu.memory_space<vmem>>, vector<1x16xf32>,
      %swap3A_51 = vector.shape_cast %swap3A_50 : vector<1x16xf32> to vector<16xf32>
      %swap3A_52 = vector.shape_cast %broadcast_in_dim3A_1 : vector<16xf32> to vector<1x16xf32>
      tpu.vector_store %arg8[%swap3A_48, %swap3A_49], %swap3A_52 {strides = array<i32>} : memref<128x128xf32, #tpu.memory_space<vmem>>, vector<1x16xf32>,
      %swap3A_53 = arith.index_cast %scan3A_27 : i32 to index
      %swap3A_54 = arith.constant 80 : index
      %swap3A_55 = tpu.vector_load %arg8[%swap3A_53, %swap3A_54] {strides = array<i32>} : memref<128x128xf32, #tpu.memory_space<vmem>>, vector<1x16xf32>,
      %swap3A_56 = vector.shape_cast %swap3A_55 : vector<1x16xf32> to vector<16xf32>
      %swap3A_57 = vector.shape_cast %broadcast_in_dim3A_1 : vector<16xf32> to vector<1x16xf32>
      tpu.vector_store %arg8[%swap3A_53, %swap3A_54], %swap3A_57 {strides = array<i32>} : memref<128x128xf32, #tpu.memory_space<vmem>>, vector<1x16xf32>,
      %swap3A_58 = arith.index_cast %scan3A_27 : i32 to index
      %swap3A_59 = arith.constant 96 : index
      %swap3A_60 = tpu.vector_load %arg8[%swap3A_58, %swap3A_59] {strides = array<i32>} : memref<128x128xf32, #tpu.memory_space<vmem>>, vector<1x16xf32>,
      %swap3A_61 = vector.shape_cast %swap3A_60 : vector<1x16xf32> to vector<16xf32>
      %swap3A_62 = vector.shape_cast %broadcast_in_dim3A_1 : vector<16xf32> to vector<1x16xf32>
      tpu.vector_store %arg8[%swap3A_58, %swap3A_59], %swap3A_62 {strides = array<i32>} : memref<128x128xf32, #tpu.memory_space<vmem>>, vector<1x16xf32>,
      %swap3A_63 = arith.index_cast %scan3A_27 : i32 to index
      %swap3A_64 = arith.constant 112 : index
      %swap3A_65 = tpu.vector_load %arg8[%swap3A_63, %swap3A_64] {strides = array<i32>} : memref<128x128xf32, #tpu.memory_space<vmem>>, vector<1x16xf32>,
      %swap3A_66 = vector.shape_cast %swap3A_65 : vector<1x16xf32> to vector<16xf32>
      %swap3A_67 = vector.shape_cast %broadcast_in_dim3A_1 : vector<16xf32> to vector<1x16xf32>
      tpu.vector_store %arg8[%swap3A_63, %swap3A_64], %swap3A_67 {strides = array<i32>} : memref<128x128xf32, #tpu.memory_space<vmem>>, vector<1x16xf32>,
      %scan3A_68 = arith.constant 0 : i32
      scf.yield %scan3A_68 : i32
    }
    %scan3A_7 = arith.constant 128 : i32
    %scan3A_8 = arith.constant 0 : i32
    %scan3A_9 = arith.constant 0 : i32
    %scan3A_10 = arith.constant 5 : i32
    %scan3A_11 = arith.addi %scan3A_9, %scan3A_10 : i32
    %scan3A_12 = arith.constant 1 : i32
    %scan3A_13 = scf.for %scan3A_27 = %scan3A_9 to %scan3A_11 step %scan3A_12 iter_args(%scan3A_28 = %scan3A_8) -> (i32)  : i32 {
      %mul3A_29 = arith.constant 640 : i32
      %mul3A_30 = arith.muli %arg1, %mul3A_29 : i32
      %mul3A_31 = arith.constant 128 : i32
      %mul3A_32 = arith.muli %scan3A_27, %mul3A_31 : i32
      %add3A_33 = arith.addi %mul3A_30, %mul3A_32 : i32
      "tpu.region"() ({
        %run_scoped3A = tpu.sem_alloc : memref<!tpu.dma_semaphore, #tpu.memory_space<semaphore_mem>>
        %dma_start3A = arith.constant 0 : i32
        %dma_start3A_35 = tpu.memref_slice %arg9[%add3A_33, %dma_start3A] : memref<10240x128xf32, #tpu.memory_space<vmem_shared>> -> memref<128x128xf32, #tpu.memory_space<vmem_shared>>
        %dma_start3A_36 = arith.constant 0 : i32
        %dma_start3A_37 = tpu.memref_slice %arg9[%add3A_33, %dma_start3A_36] : memref<10240x128xf32, #tpu.memory_space<vmem_shared>> -> memref<128x128xf32, #tpu.memory_space<vmem_shared>>
        tpu.enqueue_dma source(%arg8 : memref<128x128xf32, #tpu.memory_space<vmem>>) target(%dma_start3A_37 : memref<128x128xf32, #tpu.memory_space<vmem_shared>>) target_semaphore(%run_scoped3A : memref<!tpu.dma_semaphore, #tpu.memory_space<semaphore_mem>>)
        %dma_wait3A = arith.constant 0 : i32
        %dma_wait3A_38 = tpu.memref_slice %arg9[%add3A_33, %dma_wait3A] : memref<10240x128xf32, #tpu.memory_space<vmem_shared>> -> memref<128x128xf32, #tpu.memory_space<vmem_shared>>
        %dma_wait3A_39 = arith.constant 0 : i32
        %dma_wait3A_40 = tpu.memref_slice %arg9[%add3A_33, %dma_wait3A_39] : memref<10240x128xf32, #tpu.memory_space<vmem_shared>> -> memref<128x128xf32, #tpu.memory_space<vmem_shared>>
        tpu.wait_dma2 semaphore(%run_scoped3A : memref<!tpu.dma_semaphore, #tpu.memory_space<semaphore_mem>>) src(%arg8 : memref<128x128xf32, #tpu.memory_space<vmem>>) dst(%dma_wait3A_40 : memref<128x128xf32, #tpu.memory_space<vmem_shared>>)
        tpu.yield
      }) : () -> ()
      %scan3A_34 = arith.constant 0 : i32
      scf.yield %scan3A_34 : i32
    }
    %scan3A_14 = arith.constant 5 : i32
    %barrier3A = arith.constant 0 : index
    tpu.barrier barrier_id(%barrier3A)
    "tpu.region"() ({
      %run_scoped3A = tpu.sem_alloc : memref<!tpu.dma_semaphore, #tpu.memory_space<semaphore_mem>>
      %dma_start3A = arith.constant 0 : i32
      %dma_start3A_27 = arith.constant 0 : i32
      %dma_start3A_28 = tpu.memref_slice %arg3[%add3A, %dma_start3A, %dma_start3A_27] : memref<32x80x128xi32, #tpu.memory_space<hbm>> -> memref<1x80x128xi32, #tpu.memory_space<hbm>>
      %dma_start3A_29 = tpu.memref_squeeze %dma_start3A_28 : memref<1x80x128xi32, #tpu.memory_space<hbm>> -> memref<80x128xi32, #tpu.memory_space<hbm>>
      %dma_start3A_30 = arith.constant 0 : i32
      %dma_start3A_31 = arith.constant 0 : i32
      %dma_start3A_32 = tpu.memref_slice %arg3[%add3A, %dma_start3A_30, %dma_start3A_31] : memref<32x80x128xi32, #tpu.memory_space<hbm>> -> memref<1x80x128xi32, #tpu.memory_space<hbm>>
      %dma_start3A_33 = tpu.memref_squeeze %dma_start3A_32 : memref<1x80x128xi32, #tpu.memory_space<hbm>> -> memref<80x128xi32, #tpu.memory_space<hbm>>
      tpu.enqueue_dma source(%dma_start3A_33 : memref<80x128xi32, #tpu.memory_space<hbm>>) target(%arg6 : memref<80x128xi32, #tpu.memory_space<vmem>>) target_semaphore(%run_scoped3A : memref<!tpu.dma_semaphore, #tpu.memory_space<semaphore_mem>>)
      %dma_wait3A = arith.constant 0 : i32
      %dma_wait3A_34 = arith.constant 0 : i32
      %dma_wait3A_35 = tpu.memref_slice %arg3[%add3A, %dma_wait3A, %dma_wait3A_34] : memref<32x80x128xi32, #tpu.memory_space<hbm>> -> memref<1x80x128xi32, #tpu.memory_space<hbm>>
      %dma_wait3A_36 = tpu.memref_squeeze %dma_wait3A_35 : memref<1x80x128xi32, #tpu.memory_space<hbm>> -> memref<80x128xi32, #tpu.memory_space<hbm>>
      %dma_wait3A_37 = arith.constant 0 : i32
      %dma_wait3A_38 = arith.constant 0 : i32
      %dma_wait3A_39 = tpu.memref_slice %arg3[%add3A, %dma_wait3A_37, %dma_wait3A_38] : memref<32x80x128xi32, #tpu.memory_space<hbm>> -> memref<1x80x128xi32, #tpu.memory_space<hbm>>
      %dma_wait3A_40 = tpu.memref_squeeze %dma_wait3A_39 : memref<1x80x128xi32, #tpu.memory_space<hbm>> -> memref<80x128xi32, #tpu.memory_space<hbm>>
      tpu.wait_dma2 semaphore(%run_scoped3A : memref<!tpu.dma_semaphore, #tpu.memory_space<semaphore_mem>>) src(%dma_wait3A_40 : memref<80x128xi32, #tpu.memory_space<hbm>>) dst(%arg6 : memref<80x128xi32, #tpu.memory_space<vmem>>)
      tpu.yield
    }) : () -> ()
    "tpu.region"() ({
      %run_scoped3A = tpu.sem_alloc : memref<!tpu.dma_semaphore, #tpu.memory_space<semaphore_mem>>
      %dma_start3A = arith.constant 0 : i32
      %dma_start3A_27 = arith.constant 0 : i32
      %dma_start3A_28 = tpu.memref_slice %arg4[%add3A, %dma_start3A, %dma_start3A_27] : memref<32x80x128xi32, #tpu.memory_space<hbm>> -> memref<1x80x128xi32, #tpu.memory_space<hbm>>
      %dma_start3A_29 = tpu.memref_squeeze %dma_start3A_28 : memref<1x80x128xi32, #tpu.memory_space<hbm>> -> memref<80x128xi32, #tpu.memory_space<hbm>>
      %dma_start3A_30 = arith.constant 0 : i32
      %dma_start3A_31 = arith.constant 0 : i32
      %dma_start3A_32 = tpu.memref_slice %arg4[%add3A, %dma_start3A_30, %dma_start3A_31] : memref<32x80x128xi32, #tpu.memory_space<hbm>> -> memref<1x80x128xi32, #tpu.memory_space<hbm>>
      %dma_start3A_33 = tpu.memref_squeeze %dma_start3A_32 : memref<1x80x128xi32, #tpu.memory_space<hbm>> -> memref<80x128xi32, #tpu.memory_space<hbm>>
      tpu.enqueue_dma source(%dma_start3A_33 : memref<80x128xi32, #tpu.memory_space<hbm>>) target(%arg7 : memref<80x128xi32, #tpu.memory_space<vmem>>) target_semaphore(%run_scoped3A : memref<!tpu.dma_semaphore, #tpu.memory_space<semaphore_mem>>)
      %dma_wait3A = arith.constant 0 : i32
      %dma_wait3A_34 = arith.constant 0 : i32
      %dma_wait3A_35 = tpu.memref_slice %arg4[%add3A, %dma_wait3A, %dma_wait3A_34] : memref<32x80x128xi32, #tpu.memory_space<hbm>> -> memref<1x80x128xi32, #tpu.memory_space<hbm>>
      %dma_wait3A_36 = tpu.memref_squeeze %dma_wait3A_35 : memref<1x80x128xi32, #tpu.memory_space<hbm>> -> memref<80x128xi32, #tpu.memory_space<hbm>>
      %dma_wait3A_37 = arith.constant 0 : i32
      %dma_wait3A_38 = arith.constant 0 : i32
      %dma_wait3A_39 = tpu.memref_slice %arg4[%add3A, %dma_wait3A_37, %dma_wait3A_38] : memref<32x80x128xi32, #tpu.memory_space<hbm>> -> memref<1x80x128xi32, #tpu.memory_space<hbm>>
      %dma_wait3A_40 = tpu.memref_squeeze %dma_wait3A_39 : memref<1x80x128xi32, #tpu.memory_space<hbm>> -> memref<80x128xi32, #tpu.memory_space<hbm>>
      tpu.wait_dma2 semaphore(%run_scoped3A : memref<!tpu.dma_semaphore, #tpu.memory_space<semaphore_mem>>) src(%dma_wait3A_40 : memref<80x128xi32, #tpu.memory_space<hbm>>) dst(%arg7 : memref<80x128xi32, #tpu.memory_space<vmem>>)
      tpu.yield
    }) : () -> ()
    %scan3A_15 = arith.constant 0 : i32
    %scan3A_16 = arith.constant 0 : i32
    %scan3A_17 = arith.constant 80 : i32
    %scan3A_18 = arith.addi %scan3A_16, %scan3A_17 : i32
    %scan3A_19 = arith.constant 1 : i32
    %scan3A_20 = scf.for %scan3A_27 = %scan3A_16 to %scan3A_18 step %scan3A_19 iter_args(%scan3A_28 = %scan3A_15) -> (i32)  : i32 {
      "tpu.region"() ({
        %run_scoped3A = tpu.sem_alloc : memref<!tpu.dma_semaphore, #tpu.memory_space<semaphore_mem>>
        %dma_start3A = arith.constant 0 : i32
        %dma_start3A_30 = tpu.memref_slice %arg6[%scan3A_27, %dma_start3A] : memref<80x128xi32, #tpu.memory_space<vmem>> -> memref<1x128xi32, #tpu.memory_space<vmem>>
        %dma_start3A_31 = tpu.memref_squeeze %dma_start3A_30 : memref<1x128xi32, #tpu.memory_space<vmem>> -> memref<128xi32, #tpu.memory_space<vmem>>
        %dma_start3A_32 = arith.constant 0 : i32
        %dma_start3A_33 = arith.constant 0 : i32
        %dma_start3A_34 = tpu.memref_slice %arg2[%dma_start3A_32, %dma_start3A_33] : memref<10240x128xf32, #tpu.memory_space<hbm>> -> memref<10240x128xf32, #tpu.memory_space<hbm>>
        tpu.enqueue_indirect_dma source(%dma_start3A_34 : memref<10240x128xf32, #tpu.memory_space<hbm>>) target(%arg8 : memref<128x128xf32, #tpu.memory_space<vmem>>) offsets(%dma_start3A_31 : memref<128xi32, #tpu.memory_space<vmem>>) semaphore(%run_scoped3A : memref<!tpu.dma_semaphore, #tpu.memory_space<semaphore_mem>>)
        %dma_wait3A = arith.constant 0 : i32
        %dma_wait3A_35 = tpu.memref_slice %arg6[%scan3A_27, %dma_wait3A] : memref<80x128xi32, #tpu.memory_space<vmem>> -> memref<1x128xi32, #tpu.memory_space<vmem>>
        %dma_wait3A_36 = tpu.memref_squeeze %dma_wait3A_35 : memref<1x128xi32, #tpu.memory_space<vmem>> -> memref<128xi32, #tpu.memory_space<vmem>>
        %dma_wait3A_37 = arith.constant 0 : i32
        %dma_wait3A_38 = arith.constant 0 : i32
        %dma_wait3A_39 = tpu.memref_slice %arg2[%dma_wait3A_37, %dma_wait3A_38] : memref<10240x128xf32, #tpu.memory_space<hbm>> -> memref<10240x128xf32, #tpu.memory_space<hbm>>
        tpu.wait_indirect_dma semaphore(%run_scoped3A : memref<!tpu.dma_semaphore, #tpu.memory_space<semaphore_mem>>) src(%dma_wait3A_39 : memref<10240x128xf32, #tpu.memory_space<hbm>>) dst(%arg8 : memref<128x128xf32, #tpu.memory_space<vmem>>)
        tpu.yield
      }) : () -> ()
      "tpu.region"() ({
        %run_scoped3A = tpu.sem_alloc : memref<!tpu.dma_semaphore, #tpu.memory_space<semaphore_mem>>
        %dma_start3A = arith.constant 0 : i32
        %dma_start3A_30 = tpu.memref_slice %arg7[%scan3A_27, %dma_start3A] : memref<80x128xi32, #tpu.memory_space<vmem>> -> memref<1x128xi32, #tpu.memory_space<vmem>>
        %dma_start3A_31 = tpu.memref_squeeze %dma_start3A_30 : memref<1x128xi32, #tpu.memory_space<vmem>> -> memref<128xi32, #tpu.memory_space<vmem>>
        %dma_start3A_32 = arith.constant 0 : i32
        %dma_start3A_33 = arith.constant 0 : i32
        %dma_start3A_34 = tpu.memref_slice %arg9[%dma_start3A_32, %dma_start3A_33] : memref<10240x128xf32, #tpu.memory_space<vmem_shared>> -> memref<10240x128xf32, #tpu.memory_space<vmem_shared>>
        tpu.enqueue_indirect_dma source(%arg8 : memref<128x128xf32, #tpu.memory_space<vmem>>) target(%dma_start3A_34 : memref<10240x128xf32, #tpu.memory_space<vmem_shared>>) offsets(%dma_start3A_31 : memref<128xi32, #tpu.memory_space<vmem>>) semaphore(%run_scoped3A : memref<!tpu.dma_semaphore, #tpu.memory_space<semaphore_mem>>) {add = true}
        %dma_wait3A = arith.constant 0 : i32
        %dma_wait3A_35 = tpu.memref_slice %arg7[%scan3A_27, %dma_wait3A] : memref<80x128xi32, #tpu.memory_space<vmem>> -> memref<1x128xi32, #tpu.memory_space<vmem>>
        %dma_wait3A_36 = tpu.memref_squeeze %dma_wait3A_35 : memref<1x128xi32, #tpu.memory_space<vmem>> -> memref<128xi32, #tpu.memory_space<vmem>>
        %dma_wait3A_37 = arith.constant 0 : i32
        %dma_wait3A_38 = arith.constant 0 : i32
        %dma_wait3A_39 = tpu.memref_slice %arg9[%dma_wait3A_37, %dma_wait3A_38] : memref<10240x128xf32, #tpu.memory_space<vmem_shared>> -> memref<10240x128xf32, #tpu.memory_space<vmem_shared>>
        tpu.wait_indirect_dma semaphore(%run_scoped3A : memref<!tpu.dma_semaphore, #tpu.memory_space<semaphore_mem>>) src(%arg8 : memref<128x128xf32, #tpu.memory_space<vmem>>) dst(%dma_wait3A_39 : memref<10240x128xf32, #tpu.memory_space<vmem_shared>>)
        tpu.yield
      }) : () -> ()
      %scan3A_29 = arith.constant 0 : i32
      scf.yield %scan3A_29 : i32
    }
    %scan3A_21 = arith.constant 80 : i32
    %barrier3A_22 = arith.constant 0 : index
    tpu.barrier barrier_id(%barrier3A_22)
    %mul3A_23 = arith.constant 640 : i32
    %mul3A_24 = arith.muli %arg1, %mul3A_23 : i32
    %mul3A_25 = arith.constant 640 : i32
    %mul3A_26 = arith.muli %arg1, %mul3A_25 : i32
    "tpu.region"() ({
      %run_scoped3A = tpu.sem_alloc : memref<!tpu.dma_semaphore, #tpu.memory_space<semaphore_mem>>
      %dma_start3A = arith.constant 0 : i32
      %dma_start3A_27 = tpu.memref_slice %arg5[%arg0, %mul3A_26, %dma_start3A] : memref<2x10240x128xf32, #tpu.memory_space<hbm>> -> memref<1x640x128xf32, #tpu.memory_space<hbm>>
      %dma_start3A_28 = tpu.memref_squeeze %dma_start3A_27 : memref<1x640x128xf32, #tpu.memory_space<hbm>> -> memref<640x128xf32, #tpu.memory_space<hbm>>
      %dma_start3A_29 = arith.constant 0 : i32
      %dma_start3A_30 = tpu.memref_slice %arg9[%mul3A_24, %dma_start3A_29] : memref<10240x128xf32, #tpu.memory_space<vmem_shared>> -> memref<640x128xf32, #tpu.memory_space<vmem_shared>>
      tpu.enqueue_dma source(%dma_start3A_30 : memref<640x128xf32, #tpu.memory_space<vmem_shared>>) target(%dma_start3A_28 : memref<640x128xf32, #tpu.memory_space<hbm>>) target_semaphore(%run_scoped3A : memref<!tpu.dma_semaphore, #tpu.memory_space<semaphore_mem>>)
      %dma_wait3A = arith.constant 0 : i32
      %dma_wait3A_31 = tpu.memref_slice %arg5[%arg0, %mul3A_26, %dma_wait3A] : memref<2x10240x128xf32, #tpu.memory_space<hbm>> -> memref<1x640x128xf32, #tpu.memory_space<hbm>>
      %dma_wait3A_32 = tpu.memref_squeeze %dma_wait3A_31 : memref<1x640x128xf32, #tpu.memory_space<hbm>> -> memref<640x128xf32, #tpu.memory_space<hbm>>
      %dma_wait3A_33 = arith.constant 0 : i32
      %dma_wait3A_34 = tpu.memref_slice %arg9[%mul3A_24, %dma_wait3A_33] : memref<10240x128xf32, #tpu.memory_space<vmem_shared>> -> memref<640x128xf32, #tpu.memory_space<vmem_shared>>
      tpu.wait_dma2 semaphore(%run_scoped3A : memref<!tpu.dma_semaphore, #tpu.memory_space<semaphore_mem>>) src(%dma_wait3A_34 : memref<640x128xf32, #tpu.memory_space<vmem_shared>>) dst(%dma_wait3A_32 : memref<640x128xf32, #tpu.memory_space<hbm>>)
      tpu.yield
    }) : () -> ()
    return
  }
}

#map = affine_map<(d0, d1) -> (0, 0)>
#map1 = affine_map<(d0, d1) -> (0, 0, 0)>
module attributes {stable_mosaic.version = 14 : i64} {
  func.func @_segsum_kernel(%arg0: i32, %arg1: i32, %arg2: memref<10240x128xf32, #tpu.memory_space<hbm>>, %arg3: memref<32x80x128xi32, #tpu.memory_space<hbm>>, %arg4: memref<32x80x128xi32, #tpu.memory_space<hbm>>, %arg5: memref<2x10240x128xf32, #tpu.memory_space<hbm>>, %arg6: memref<80x128xi32, #tpu.memory_space<vmem>>, %arg7: memref<80x128xi32, #tpu.memory_space<vmem>>, %arg8: memref<128x128xf32, #tpu.memory_space<vmem>>, %arg9: memref<10240x128xf32, #tpu.memory_space<vmem_shared>>) attributes {dimension_semantics = [#tpu.dimension_semantics<core_parallel>, #tpu.dimension_semantics<subcore_parallel>], iteration_bounds = array<i64: 2, 16>, scalar_prefetch = 0 : i64, scratch_operands = 4 : i64, tpu.core_type = #tpu.core_type<sc_vector_subcore>, window_params = [{transform_indices = #map}, {transform_indices = #map1}, {transform_indices = #map1}, {transform_indices = #map1}]} {
    %mul3A = arith.constant 16 : i32
    %mul3A_0 = arith.muli %arg0, %mul3A : i32
    %add3A = arith.addi %mul3A_0, %arg1 : i32
    %broadcast_in_dim3A = arith.constant 0.000000e+00 : f32
    %broadcast_in_dim3A_1 = vector.broadcast %broadcast_in_dim3A : f32 to vector<16xf32>
    %scan3A = arith.constant 0 : i32
    %scan3A_2 = arith.constant 0 : i32
    %scan3A_3 = arith.constant 128 : i32
    %scan3A_4 = arith.addi %scan3A_2, %scan3A_3 : i32
    %scan3A_5 = arith.constant 1 : i32
    %scan3A_6 = scf.for %scan3A_27 = %scan3A_2 to %scan3A_4 step %scan3A_5 iter_args(%scan3A_28 = %scan3A) -> (i32)  : i32 {
      %swap3A = arith.index_cast %scan3A_27 : i32 to index
      %swap3A_29 = arith.constant 0 : index
      %swap3A_30 = tpu.vector_load %arg8[%swap3A, %swap3A_29] {strides = array<i32>} : memref<128x128xf32, #tpu.memory_space<vmem>>, vector<1x16xf32>,
      %swap3A_31 = vector.shape_cast %swap3A_30 : vector<1x16xf32> to vector<16xf32>
      %swap3A_32 = vector.shape_cast %broadcast_in_dim3A_1 : vector<16xf32> to vector<1x16xf32>
      tpu.vector_store %arg8[%swap3A, %swap3A_29], %swap3A_32 {strides = array<i32>} : memref<128x128xf32, #tpu.memory_space<vmem>>, vector<1x16xf32>,
      %swap3A_33 = arith.index_cast %scan3A_27 : i32 to index
      %swap3A_34 = arith.constant 16 : index
      %swap3A_35 = tpu.vector_load %arg8[%swap3A_33, %swap3A_34] {strides = array<i32>} : memref<128x128xf32, #tpu.memory_space<vmem>>, vector<1x16xf32>,
      %swap3A_36 = vector.shape_cast %swap3A_35 : vector<1x16xf32> to vector<16xf32>
      %swap3A_37 = vector.shape_cast %broadcast_in_dim3A_1 : vector<16xf32> to vector<1x16xf32>
      tpu.vector_store %arg8[%swap3A_33, %swap3A_34], %swap3A_37 {strides = array<i32>} : memref<128x128xf32, #tpu.memory_space<vmem>>, vector<1x16xf32>,
      %swap3A_38 = arith.index_cast %scan3A_27 : i32 to index
      %swap3A_39 = arith.constant 32 : index
      %swap3A_40 = tpu.vector_load %arg8[%swap3A_38, %swap3A_39] {strides = array<i32>} : memref<128x128xf32, #tpu.memory_space<vmem>>, vector<1x16xf32>,
      %swap3A_41 = vector.shape_cast %swap3A_40 : vector<1x16xf32> to vector<16xf32>
      %swap3A_42 = vector.shape_cast %broadcast_in_dim3A_1 : vector<16xf32> to vector<1x16xf32>
      tpu.vector_store %arg8[%swap3A_38, %swap3A_39], %swap3A_42 {strides = array<i32>} : memref<128x128xf32, #tpu.memory_space<vmem>>, vector<1x16xf32>,
      %swap3A_43 = arith.index_cast %scan3A_27 : i32 to index
      %swap3A_44 = arith.constant 48 : index
      %swap3A_45 = tpu.vector_load %arg8[%swap3A_43, %swap3A_44] {strides = array<i32>} : memref<128x128xf32, #tpu.memory_space<vmem>>, vector<1x16xf32>,
      %swap3A_46 = vector.shape_cast %swap3A_45 : vector<1x16xf32> to vector<16xf32>
      %swap3A_47 = vector.shape_cast %broadcast_in_dim3A_1 : vector<16xf32> to vector<1x16xf32>
      tpu.vector_store %arg8[%swap3A_43, %swap3A_44], %swap3A_47 {strides = array<i32>} : memref<128x128xf32, #tpu.memory_space<vmem>>, vector<1x16xf32>,
      %swap3A_48 = arith.index_cast %scan3A_27 : i32 to index
      %swap3A_49 = arith.constant 64 : index
      %swap3A_50 = tpu.vector_load %arg8[%swap3A_48, %swap3A_49] {strides = array<i32>} : memref<128x128xf32, #tpu.memory_space<vmem>>, vector<1x16xf32>,
      %swap3A_51 = vector.shape_cast %swap3A_50 : vector<1x16xf32> to vector<16xf32>
      %swap3A_52 = vector.shape_cast %broadcast_in_dim3A_1 : vector<16xf32> to vector<1x16xf32>
      tpu.vector_store %arg8[%swap3A_48, %swap3A_49], %swap3A_52 {strides = array<i32>} : memref<128x128xf32, #tpu.memory_space<vmem>>, vector<1x16xf32>,
      %swap3A_53 = arith.index_cast %scan3A_27 : i32 to index
      %swap3A_54 = arith.constant 80 : index
      %swap3A_55 = tpu.vector_load %arg8[%swap3A_53, %swap3A_54] {strides = array<i32>} : memref<128x128xf32, #tpu.memory_space<vmem>>, vector<1x16xf32>,
      %swap3A_56 = vector.shape_cast %swap3A_55 : vector<1x16xf32> to vector<16xf32>
      %swap3A_57 = vector.shape_cast %broadcast_in_dim3A_1 : vector<16xf32> to vector<1x16xf32>
      tpu.vector_store %arg8[%swap3A_53, %swap3A_54], %swap3A_57 {strides = array<i32>} : memref<128x128xf32, #tpu.memory_space<vmem>>, vector<1x16xf32>,
      %swap3A_58 = arith.index_cast %scan3A_27 : i32 to index
      %swap3A_59 = arith.constant 96 : index
      %swap3A_60 = tpu.vector_load %arg8[%swap3A_58, %swap3A_59] {strides = array<i32>} : memref<128x128xf32, #tpu.memory_space<vmem>>, vector<1x16xf32>,
      %swap3A_61 = vector.shape_cast %swap3A_60 : vector<1x16xf32> to vector<16xf32>
      %swap3A_62 = vector.shape_cast %broadcast_in_dim3A_1 : vector<16xf32> to vector<1x16xf32>
      tpu.vector_store %arg8[%swap3A_58, %swap3A_59], %swap3A_62 {strides = array<i32>} : memref<128x128xf32, #tpu.memory_space<vmem>>, vector<1x16xf32>,
      %swap3A_63 = arith.index_cast %scan3A_27 : i32 to index
      %swap3A_64 = arith.constant 112 : index
      %swap3A_65 = tpu.vector_load %arg8[%swap3A_63, %swap3A_64] {strides = array<i32>} : memref<128x128xf32, #tpu.memory_space<vmem>>, vector<1x16xf32>,
      %swap3A_66 = vector.shape_cast %swap3A_65 : vector<1x16xf32> to vector<16xf32>
      %swap3A_67 = vector.shape_cast %broadcast_in_dim3A_1 : vector<16xf32> to vector<1x16xf32>
      tpu.vector_store %arg8[%swap3A_63, %swap3A_64], %swap3A_67 {strides = array<i32>} : memref<128x128xf32, #tpu.memory_space<vmem>>, vector<1x16xf32>,
      %scan3A_68 = arith.constant 0 : i32
      scf.yield %scan3A_68 : i32
    }
    %scan3A_7 = arith.constant 128 : i32
    %scan3A_8 = arith.constant 0 : i32
    %scan3A_9 = arith.constant 0 : i32
    %scan3A_10 = arith.constant 5 : i32
    %scan3A_11 = arith.addi %scan3A_9, %scan3A_10 : i32
    %scan3A_12 = arith.constant 1 : i32
    %scan3A_13 = scf.for %scan3A_27 = %scan3A_9 to %scan3A_11 step %scan3A_12 iter_args(%scan3A_28 = %scan3A_8) -> (i32)  : i32 {
      %mul3A_29 = arith.constant 640 : i32
      %mul3A_30 = arith.muli %arg1, %mul3A_29 : i32
      %mul3A_31 = arith.constant 128 : i32
      %mul3A_32 = arith.muli %scan3A_27, %mul3A_31 : i32
      %add3A_33 = arith.addi %mul3A_30, %mul3A_32 : i32
      "tpu.region"() ({
        %run_scoped3A = tpu.sem_alloc : memref<!tpu.dma_semaphore, #tpu.memory_space<semaphore_mem>>
        %dma_start3A = arith.constant 0 : i32
        %dma_start3A_35 = tpu.memref_slice %arg9[%add3A_33, %dma_start3A] : memref<10240x128xf32, #tpu.memory_space<vmem_shared>> -> memref<128x128xf32, #tpu.memory_space<vmem_shared>>
        %dma_start3A_36 = arith.constant 0 : i32
        %dma_start3A_37 = tpu.memref_slice %arg9[%add3A_33, %dma_start3A_36] : memref<10240x128xf32, #tpu.memory_space<vmem_shared>> -> memref<128x128xf32, #tpu.memory_space<vmem_shared>>
        tpu.enqueue_dma source(%arg8 : memref<128x128xf32, #tpu.memory_space<vmem>>) target(%dma_start3A_37 : memref<128x128xf32, #tpu.memory_space<vmem_shared>>) target_semaphore(%run_scoped3A : memref<!tpu.dma_semaphore, #tpu.memory_space<semaphore_mem>>)
        %dma_wait3A = arith.constant 0 : i32
        %dma_wait3A_38 = tpu.memref_slice %arg9[%add3A_33, %dma_wait3A] : memref<10240x128xf32, #tpu.memory_space<vmem_shared>> -> memref<128x128xf32, #tpu.memory_space<vmem_shared>>
        %dma_wait3A_39 = arith.constant 0 : i32
        %dma_wait3A_40 = tpu.memref_slice %arg9[%add3A_33, %dma_wait3A_39] : memref<10240x128xf32, #tpu.memory_space<vmem_shared>> -> memref<128x128xf32, #tpu.memory_space<vmem_shared>>
        tpu.wait_dma2 semaphore(%run_scoped3A : memref<!tpu.dma_semaphore, #tpu.memory_space<semaphore_mem>>) src(%arg8 : memref<128x128xf32, #tpu.memory_space<vmem>>) dst(%dma_wait3A_40 : memref<128x128xf32, #tpu.memory_space<vmem_shared>>)
        tpu.yield
      }) : () -> ()
      %scan3A_34 = arith.constant 0 : i32
      scf.yield %scan3A_34 : i32
    }
    %scan3A_14 = arith.constant 5 : i32
    %barrier3A = arith.constant 0 : index
    tpu.barrier barrier_id(%barrier3A)
    "tpu.region"() ({
      %run_scoped3A = tpu.sem_alloc : memref<!tpu.dma_semaphore, #tpu.memory_space<semaphore_mem>>
      %dma_start3A = arith.constant 0 : i32
      %dma_start3A_27 = arith.constant 0 : i32
      %dma_start3A_28 = tpu.memref_slice %arg3[%add3A, %dma_start3A, %dma_start3A_27] : memref<32x80x128xi32, #tpu.memory_space<hbm>> -> memref<1x80x128xi32, #tpu.memory_space<hbm>>
      %dma_start3A_29 = tpu.memref_squeeze %dma_start3A_28 : memref<1x80x128xi32, #tpu.memory_space<hbm>> -> memref<80x128xi32, #tpu.memory_space<hbm>>
      %dma_start3A_30 = arith.constant 0 : i32
      %dma_start3A_31 = arith.constant 0 : i32
      %dma_start3A_32 = tpu.memref_slice %arg3[%add3A, %dma_start3A_30, %dma_start3A_31] : memref<32x80x128xi32, #tpu.memory_space<hbm>> -> memref<1x80x128xi32, #tpu.memory_space<hbm>>
      %dma_start3A_33 = tpu.memref_squeeze %dma_start3A_32 : memref<1x80x128xi32, #tpu.memory_space<hbm>> -> memref<80x128xi32, #tpu.memory_space<hbm>>
      tpu.enqueue_dma source(%dma_start3A_33 : memref<80x128xi32, #tpu.memory_space<hbm>>) target(%arg6 : memref<80x128xi32, #tpu.memory_space<vmem>>) target_semaphore(%run_scoped3A : memref<!tpu.dma_semaphore, #tpu.memory_space<semaphore_mem>>)
      %dma_wait3A = arith.constant 0 : i32
      %dma_wait3A_34 = arith.constant 0 : i32
      %dma_wait3A_35 = tpu.memref_slice %arg3[%add3A, %dma_wait3A, %dma_wait3A_34] : memref<32x80x128xi32, #tpu.memory_space<hbm>> -> memref<1x80x128xi32, #tpu.memory_space<hbm>>
      %dma_wait3A_36 = tpu.memref_squeeze %dma_wait3A_35 : memref<1x80x128xi32, #tpu.memory_space<hbm>> -> memref<80x128xi32, #tpu.memory_space<hbm>>
      %dma_wait3A_37 = arith.constant 0 : i32
      %dma_wait3A_38 = arith.constant 0 : i32
      %dma_wait3A_39 = tpu.memref_slice %arg3[%add3A, %dma_wait3A_37, %dma_wait3A_38] : memref<32x80x128xi32, #tpu.memory_space<hbm>> -> memref<1x80x128xi32, #tpu.memory_space<hbm>>
      %dma_wait3A_40 = tpu.memref_squeeze %dma_wait3A_39 : memref<1x80x128xi32, #tpu.memory_space<hbm>> -> memref<80x128xi32, #tpu.memory_space<hbm>>
      tpu.wait_dma2 semaphore(%run_scoped3A : memref<!tpu.dma_semaphore, #tpu.memory_space<semaphore_mem>>) src(%dma_wait3A_40 : memref<80x128xi32, #tpu.memory_space<hbm>>) dst(%arg6 : memref<80x128xi32, #tpu.memory_space<vmem>>)
      tpu.yield
    }) : () -> ()
    "tpu.region"() ({
      %run_scoped3A = tpu.sem_alloc : memref<!tpu.dma_semaphore, #tpu.memory_space<semaphore_mem>>
      %dma_start3A = arith.constant 0 : i32
      %dma_start3A_27 = arith.constant 0 : i32
      %dma_start3A_28 = tpu.memref_slice %arg4[%add3A, %dma_start3A, %dma_start3A_27] : memref<32x80x128xi32, #tpu.memory_space<hbm>> -> memref<1x80x128xi32, #tpu.memory_space<hbm>>
      %dma_start3A_29 = tpu.memref_squeeze %dma_start3A_28 : memref<1x80x128xi32, #tpu.memory_space<hbm>> -> memref<80x128xi32, #tpu.memory_space<hbm>>
      %dma_start3A_30 = arith.constant 0 : i32
      %dma_start3A_31 = arith.constant 0 : i32
      %dma_start3A_32 = tpu.memref_slice %arg4[%add3A, %dma_start3A_30, %dma_start3A_31] : memref<32x80x128xi32, #tpu.memory_space<hbm>> -> memref<1x80x128xi32, #tpu.memory_space<hbm>>
      %dma_start3A_33 = tpu.memref_squeeze %dma_start3A_32 : memref<1x80x128xi32, #tpu.memory_space<hbm>> -> memref<80x128xi32, #tpu.memory_space<hbm>>
      tpu.enqueue_dma source(%dma_start3A_33 : memref<80x128xi32, #tpu.memory_space<hbm>>) target(%arg7 : memref<80x128xi32, #tpu.memory_space<vmem>>) target_semaphore(%run_scoped3A : memref<!tpu.dma_semaphore, #tpu.memory_space<semaphore_mem>>)
      %dma_wait3A = arith.constant 0 : i32
      %dma_wait3A_34 = arith.constant 0 : i32
      %dma_wait3A_35 = tpu.memref_slice %arg4[%add3A, %dma_wait3A, %dma_wait3A_34] : memref<32x80x128xi32, #tpu.memory_space<hbm>> -> memref<1x80x128xi32, #tpu.memory_space<hbm>>
      %dma_wait3A_36 = tpu.memref_squeeze %dma_wait3A_35 : memref<1x80x128xi32, #tpu.memory_space<hbm>> -> memref<80x128xi32, #tpu.memory_space<hbm>>
      %dma_wait3A_37 = arith.constant 0 : i32
      %dma_wait3A_38 = arith.constant 0 : i32
      %dma_wait3A_39 = tpu.memref_slice %arg4[%add3A, %dma_wait3A_37, %dma_wait3A_38] : memref<32x80x128xi32, #tpu.memory_space<hbm>> -> memref<1x80x128xi32, #tpu.memory_space<hbm>>
      %dma_wait3A_40 = tpu.memref_squeeze %dma_wait3A_39 : memref<1x80x128xi32, #tpu.memory_space<hbm>> -> memref<80x128xi32, #tpu.memory_space<hbm>>
      tpu.wait_dma2 semaphore(%run_scoped3A : memref<!tpu.dma_semaphore, #tpu.memory_space<semaphore_mem>>) src(%dma_wait3A_40 : memref<80x128xi32, #tpu.memory_space<hbm>>) dst(%arg7 : memref<80x128xi32, #tpu.memory_space<vmem>>)
      tpu.yield
    }) : () -> ()
    %scan3A_15 = arith.constant 0 : i32
    %scan3A_16 = arith.constant 0 : i32
    %scan3A_17 = arith.constant 80 : i32
    %scan3A_18 = arith.addi %scan3A_16, %scan3A_17 : i32
    %scan3A_19 = arith.constant 1 : i32
    %scan3A_20 = scf.for %scan3A_27 = %scan3A_16 to %scan3A_18 step %scan3A_19 iter_args(%scan3A_28 = %scan3A_15) -> (i32)  : i32 {
      "tpu.region"() ({
        %run_scoped3A = tpu.sem_alloc : memref<!tpu.dma_semaphore, #tpu.memory_space<semaphore_mem>>
        %dma_start3A = arith.constant 0 : i32
        %dma_start3A_30 = tpu.memref_slice %arg6[%scan3A_27, %dma_start3A] : memref<80x128xi32, #tpu.memory_space<vmem>> -> memref<1x128xi32, #tpu.memory_space<vmem>>
        %dma_start3A_31 = tpu.memref_squeeze %dma_start3A_30 : memref<1x128xi32, #tpu.memory_space<vmem>> -> memref<128xi32, #tpu.memory_space<vmem>>
        %dma_start3A_32 = arith.constant 0 : i32
        %dma_start3A_33 = arith.constant 0 : i32
        %dma_start3A_34 = tpu.memref_slice %arg2[%dma_start3A_32, %dma_start3A_33] : memref<10240x128xf32, #tpu.memory_space<hbm>> -> memref<10240x128xf32, #tpu.memory_space<hbm>>
        tpu.enqueue_indirect_dma source(%dma_start3A_34 : memref<10240x128xf32, #tpu.memory_space<hbm>>) target(%arg8 : memref<128x128xf32, #tpu.memory_space<vmem>>) offsets(%dma_start3A_31 : memref<128xi32, #tpu.memory_space<vmem>>) semaphore(%run_scoped3A : memref<!tpu.dma_semaphore, #tpu.memory_space<semaphore_mem>>)
        %dma_wait3A = arith.constant 0 : i32
        %dma_wait3A_35 = tpu.memref_slice %arg6[%scan3A_27, %dma_wait3A] : memref<80x128xi32, #tpu.memory_space<vmem>> -> memref<1x128xi32, #tpu.memory_space<vmem>>
        %dma_wait3A_36 = tpu.memref_squeeze %dma_wait3A_35 : memref<1x128xi32, #tpu.memory_space<vmem>> -> memref<128xi32, #tpu.memory_space<vmem>>
        %dma_wait3A_37 = arith.constant 0 : i32
        %dma_wait3A_38 = arith.constant 0 : i32
        %dma_wait3A_39 = tpu.memref_slice %arg2[%dma_wait3A_37, %dma_wait3A_38] : memref<10240x128xf32, #tpu.memory_space<hbm>> -> memref<10240x128xf32, #tpu.memory_space<hbm>>
        tpu.wait_indirect_dma semaphore(%run_scoped3A : memref<!tpu.dma_semaphore, #tpu.memory_space<semaphore_mem>>) src(%dma_wait3A_39 : memref<10240x128xf32, #tpu.memory_space<hbm>>) dst(%arg8 : memref<128x128xf32, #tpu.memory_space<vmem>>)
        tpu.yield
      }) : () -> ()
      "tpu.region"() ({
        %run_scoped3A = tpu.sem_alloc : memref<!tpu.dma_semaphore, #tpu.memory_space<semaphore_mem>>
        %dma_start3A = arith.constant 0 : i32
        %dma_start3A_30 = tpu.memref_slice %arg7[%scan3A_27, %dma_start3A] : memref<80x128xi32, #tpu.memory_space<vmem>> -> memref<1x128xi32, #tpu.memory_space<vmem>>
        %dma_start3A_31 = tpu.memref_squeeze %dma_start3A_30 : memref<1x128xi32, #tpu.memory_space<vmem>> -> memref<128xi32, #tpu.memory_space<vmem>>
        %dma_start3A_32 = arith.constant 0 : i32
        %dma_start3A_33 = arith.constant 0 : i32
        %dma_start3A_34 = tpu.memref_slice %arg9[%dma_start3A_32, %dma_start3A_33] : memref<10240x128xf32, #tpu.memory_space<vmem_shared>> -> memref<10240x128xf32, #tpu.memory_space<vmem_shared>>
        tpu.enqueue_indirect_dma source(%arg8 : memref<128x128xf32, #tpu.memory_space<vmem>>) target(%dma_start3A_34 : memref<10240x128xf32, #tpu.memory_space<vmem_shared>>) offsets(%dma_start3A_31 : memref<128xi32, #tpu.memory_space<vmem>>) semaphore(%run_scoped3A : memref<!tpu.dma_semaphore, #tpu.memory_space<semaphore_mem>>) {add = true}
        %dma_wait3A = arith.constant 0 : i32
        %dma_wait3A_35 = tpu.memref_slice %arg7[%scan3A_27, %dma_wait3A] : memref<80x128xi32, #tpu.memory_space<vmem>> -> memref<1x128xi32, #tpu.memory_space<vmem>>
        %dma_wait3A_36 = tpu.memref_squeeze %dma_wait3A_35 : memref<1x128xi32, #tpu.memory_space<vmem>> -> memref<128xi32, #tpu.memory_space<vmem>>
        %dma_wait3A_37 = arith.constant 0 : i32
        %dma_wait3A_38 = arith.constant 0 : i32
        %dma_wait3A_39 = tpu.memref_slice %arg9[%dma_wait3A_37, %dma_wait3A_38] : memref<10240x128xf32, #tpu.memory_space<vmem_shared>> -> memref<10240x128xf32, #tpu.memory_space<vmem_shared>>
        tpu.wait_indirect_dma semaphore(%run_scoped3A : memref<!tpu.dma_semaphore, #tpu.memory_space<semaphore_mem>>) src(%arg8 : memref<128x128xf32, #tpu.memory_space<vmem>>) dst(%dma_wait3A_39 : memref<10240x128xf32, #tpu.memory_space<vmem_shared>>)
        tpu.yield
      }) : () -> ()
      %scan3A_29 = arith.constant 0 : i32
      scf.yield %scan3A_29 : i32
    }
    %scan3A_21 = arith.constant 80 : i32
    %barrier3A_22 = arith.constant 0 : index
    tpu.barrier barrier_id(%barrier3A_22)
    %mul3A_23 = arith.constant 640 : i32
    %mul3A_24 = arith.muli %arg1, %mul3A_23 : i32
    %mul3A_25 = arith.constant 640 : i32
    %mul3A_26 = arith.muli %arg1, %mul3A_25 : i32
    "tpu.region"() ({
      %run_scoped3A = tpu.sem_alloc : memref<!tpu.dma_semaphore, #tpu.memory_space<semaphore_mem>>
      %dma_start3A = arith.constant 0 : i32
      %dma_start3A_27 = tpu.memref_slice %arg5[%arg0, %mul3A_26, %dma_start3A] : memref<2x10240x128xf32, #tpu.memory_space<hbm>> -> memref<1x640x128xf32, #tpu.memory_space<hbm>>
      %dma_start3A_28 = tpu.memref_squeeze %dma_start3A_27 : memref<1x640x128xf32, #tpu.memory_space<hbm>> -> memref<640x128xf32, #tpu.memory_space<hbm>>
      %dma_start3A_29 = arith.constant 0 : i32
      %dma_start3A_30 = tpu.memref_slice %arg9[%mul3A_24, %dma_start3A_29] : memref<10240x128xf32, #tpu.memory_space<vmem_shared>> -> memref<640x128xf32, #tpu.memory_space<vmem_shared>>
      tpu.enqueue_dma source(%dma_start3A_30 : memref<640x128xf32, #tpu.memory_space<vmem_shared>>) target(%dma_start3A_28 : memref<640x128xf32, #tpu.memory_space<hbm>>) target_semaphore(%run_scoped3A : memref<!tpu.dma_semaphore, #tpu.memory_space<semaphore_mem>>)
      %dma_wait3A = arith.constant 0 : i32
      %dma_wait3A_31 = tpu.memref_slice %arg5[%arg0, %mul3A_26, %dma_wait3A] : memref<2x10240x128xf32, #tpu.memory_space<hbm>> -> memref<1x640x128xf32, #tpu.memory_space<hbm>>
      %dma_wait3A_32 = tpu.memref_squeeze %dma_wait3A_31 : memref<1x640x128xf32, #tpu.memory_space<hbm>> -> memref<640x128xf32, #tpu.memory_space<hbm>>
      %dma_wait3A_33 = arith.constant 0 : i32
      %dma_wait3A_34 = tpu.memref_slice %arg9[%mul3A_24, %dma_wait3A_33] : memref<10240x128xf32, #tpu.memory_space<vmem_shared>> -> memref<640x128xf32, #tpu.memory_space<vmem_shared>>
      tpu.wait_dma2 semaphore(%run_scoped3A : memref<!tpu.dma_semaphore, #tpu.memory_space<semaphore_mem>>) src(%dma_wait3A_34 : memref<640x128xf32, #tpu.memory_space<vmem_shared>>) dst(%dma_wait3A_32 : memref<640x128xf32, #tpu.memory_space<hbm>>)
      tpu.yield
    }) : () -> ()
    return
  }
}

module attributes {stable_mosaic.version = 14 : i64} {
  func.func @_tc_first_body(%arg0: i32, %arg1: memref<1024x128xf32, #tpu.memory_space<vmem>>, %arg2: memref<128x128xf32, #tpu.memory_space<vmem>>, %arg3: memref<2x1024x16xf32, #tpu.memory_space<vmem>>, %arg4: memref<1024x128xf32, #tpu.memory_space<vmem>>, %arg5: memref<1024x1xf32, #tpu.memory_space<vmem>>) attributes {dimension_semantics = [#tpu.dimension_semantics<arbitrary>], iteration_bounds = array<i64: 10>, scalar_prefetch = 0 : i64, scratch_operands = 0 : i64, tpu.core_type = #tpu.core_type<tc>, window_params = [{transform_indices = @transform_0, window_bounds = array<i64: 1024, 128>}, {pipeline_mode = #tpu.pipeline_mode<synchronous>, transform_indices = @transform_1, window_bounds = array<i64: 128, 128>}, {transform_indices = @transform_2, window_bounds = array<i64: 2, 1024, 16>}, {transform_indices = @transform_3, window_bounds = array<i64: 1024, 128>}, {transform_indices = @transform_4, window_bounds = array<i64: 1024, 1>}]} {
    %get3A = arith.constant 0 : index
    %get3A_0 = arith.constant 0 : index
    %get3A_1 = arith.constant 0 : index
    %get3A_2 = vector.load %arg3[%get3A, %get3A_0, %get3A_1] : memref<2x1024x16xf32, #tpu.memory_space<vmem>>, vector<1x1024x1xf32>
    %get3A_3 = vector.shape_cast %get3A_2 : vector<1x1024x1xf32> to vector<1024x1xf32>
    %get3A_4 = arith.constant 1 : index
    %get3A_5 = arith.constant 0 : index
    %get3A_6 = arith.constant 0 : index
    %get3A_7 = vector.load %arg3[%get3A_4, %get3A_5, %get3A_6] : memref<2x1024x16xf32, #tpu.memory_space<vmem>>, vector<1x1024x1xf32>
    %get3A_8 = vector.shape_cast %get3A_7 : vector<1x1024x1xf32> to vector<1024x1xf32>
    %add3A = arith.addf %get3A_3, %get3A_8 : vector<1024x1xf32>
    %add3A_9 = arith.constant 1.000000e+00 : f32
    %add3A_10 = vector.broadcast %add3A_9 : f32 to vector<1024x1xf32>
    %add3A_11 = arith.addf %add3A, %add3A_10 : vector<1024x1xf32>
    %mul3A = arith.constant 1024 : i32
    %mul3A_12 = arith.muli %arg0, %mul3A : i32
    %iota3A = tpu.iota {dimensions = array<i32: 0>} : vector<1024x1xi32>
    %add3A_13 = vector.broadcast %mul3A_12 : i32 to vector<1024x1xi32>
    %add3A_14 = arith.addi %add3A_13, %iota3A : vector<1024x1xi32>
    %lt3A = arith.constant 10000 : i32
    %lt3A_15 = vector.broadcast %lt3A : i32 to vector<1024x1xi32>
    %lt3A_16 = arith.cmpi slt, %add3A_14, %lt3A_15 : vector<1024x1xi32>
    %rsqrt3A = math.rsqrt %add3A_11 : vector<1024x1xf32>
    %jit3A = arith.constant 0.000000e+00 : f32
    %broadcast_in_dim3A = vector.broadcast %jit3A : f32 to vector<1024x1xf32>
    %select_n3A = arith.select %lt3A_16, %rsqrt3A, %broadcast_in_dim3A : vector<1024x1xi1>, vector<1024x1xf32>
    %swap3A = arith.constant 0 : index
    %swap3A_17 = arith.constant 0 : index
    %swap3A_18 = vector.load %arg5[%swap3A, %swap3A_17] : memref<1024x1xf32, #tpu.memory_space<vmem>>, vector<1024x1xf32>
    tpu.vector_store %arg5[%swap3A, %swap3A_17], %select_n3A {strides = array<i32>} : memref<1024x1xf32, #tpu.memory_space<vmem>>, vector<1024x1xf32>,
    %get3A_19 = arith.constant 0 : index
    %get3A_20 = arith.constant 0 : index
    %get3A_21 = vector.load %arg1[%get3A_19, %get3A_20] : memref<1024x128xf32, #tpu.memory_space<vmem>>, vector<1024x128xf32>
    %get3A_22 = arith.constant 0 : index
    %get3A_23 = arith.constant 0 : index
    %get3A_24 = vector.load %arg2[%get3A_22, %get3A_23] : memref<128x128xf32, #tpu.memory_space<vmem>>, vector<128x128xf32>
    %dot_general3A = arith.constant dense<0.000000e+00> : vector<1024x128xf32>
    %dot_general3A_25 = tpu.matmul %get3A_21, %get3A_24, %dot_general3A {dimension_numbers = #tpu.dot_dimension_numbers<[1], [0], [0], [1], [0, 0, 1, 1], [], []>, transpose_lhs_hint = false} : vector<1024x128xf32>, vector<128x128xf32>, vector<1024x128xf32> -> vector<1024x128xf32>
    %mul3A_26 = vector.broadcast %select_n3A : vector<1024x1xf32> to vector<1024x128xf32>
    %mul3A_27 = arith.mulf %dot_general3A_25, %mul3A_26 : vector<1024x128xf32>
    %swap3A_28 = arith.constant 0 : index
    %swap3A_29 = arith.constant 0 : index
    %swap3A_30 = vector.load %arg4[%swap3A_28, %swap3A_29] : memref<1024x128xf32, #tpu.memory_space<vmem>>, vector<1024x128xf32>
    tpu.vector_store %arg4[%swap3A_28, %swap3A_29], %mul3A_27 {strides = array<i32>} : memref<1024x128xf32, #tpu.memory_space<vmem>>, vector<1024x128xf32>,
    return
  }
  func.func @transform_0(%arg0: i32) -> (i32, i32) {
    %c0_i32 = arith.constant 0 : i32
    %c0_i32_0 = arith.constant 0 : i32
    return %arg0, %c0_i32 : i32, i32
  }
  func.func @transform_1(%arg0: i32) -> (i32, i32) {
    %c0_i32 = arith.constant 0 : i32
    %c0_i32_0 = arith.constant 0 : i32
    %c0_i32_1 = arith.constant 0 : i32
    return %c0_i32, %c0_i32_0 : i32, i32
  }
  func.func @transform_2(%arg0: i32) -> (i32, i32, i32) {
    %c0_i32 = arith.constant 0 : i32
    %c0_i32_0 = arith.constant 0 : i32
    %c0_i32_1 = arith.constant 0 : i32
    return %c0_i32, %arg0, %c0_i32_0 : i32, i32, i32
  }
  func.func @transform_3(%arg0: i32) -> (i32, i32) {
    %c0_i32 = arith.constant 0 : i32
    %c0_i32_0 = arith.constant 0 : i32
    return %arg0, %c0_i32 : i32, i32
  }
  func.func @transform_4(%arg0: i32) -> (i32, i32) {
    %c0_i32 = arith.constant 0 : i32
    %c0_i32_0 = arith.constant 0 : i32
    return %arg0, %c0_i32 : i32, i32
  }
}

module attributes {stable_mosaic.version = 14 : i64} {
  func.func @_tc_mid_body(%arg0: i32, %arg1: memref<2x1024x128xf32, #tpu.memory_space<vmem>>, %arg2: memref<1024x128xf32, #tpu.memory_space<vmem>>, %arg3: memref<1024x1xf32, #tpu.memory_space<vmem>>, %arg4: memref<1x128xf32, #tpu.memory_space<vmem>>, %arg5: memref<128x128xf32, #tpu.memory_space<vmem>>, %arg6: memref<1024x128xf32, #tpu.memory_space<vmem>>) attributes {dimension_semantics = [#tpu.dimension_semantics<arbitrary>], iteration_bounds = array<i64: 10>, scalar_prefetch = 0 : i64, scratch_operands = 0 : i64, tpu.core_type = #tpu.core_type<tc>, window_params = [{transform_indices = @transform_0, window_bounds = array<i64: 2, 1024, 128>}, {transform_indices = @transform_1, window_bounds = array<i64: 1024, 128>}, {transform_indices = @transform_2, window_bounds = array<i64: 1024, 1>}, {pipeline_mode = #tpu.pipeline_mode<synchronous>, transform_indices = @transform_3, window_bounds = array<i64: 1, 128>}, {pipeline_mode = #tpu.pipeline_mode<synchronous>, transform_indices = @transform_4, window_bounds = array<i64: 128, 128>}, {transform_indices = @transform_5, window_bounds = array<i64: 1024, 128>}]} {
    %get3A = arith.constant 0 : index
    %get3A_0 = arith.constant 0 : index
    %get3A_1 = arith.constant 0 : index
    %get3A_2 = vector.load %arg1[%get3A, %get3A_0, %get3A_1] : memref<2x1024x128xf32, #tpu.memory_space<vmem>>, vector<1x1024x128xf32>
    %get3A_3 = vector.shape_cast %get3A_2 : vector<1x1024x128xf32> to vector<1024x128xf32>
    %get3A_4 = arith.constant 1 : index
    %get3A_5 = arith.constant 0 : index
    %get3A_6 = arith.constant 0 : index
    %get3A_7 = vector.load %arg1[%get3A_4, %get3A_5, %get3A_6] : memref<2x1024x128xf32, #tpu.memory_space<vmem>>, vector<1x1024x128xf32>
    %get3A_8 = vector.shape_cast %get3A_7 : vector<1x1024x128xf32> to vector<1024x128xf32>
    %add3A = arith.addf %get3A_3, %get3A_8 : vector<1024x128xf32>
    %get3A_9 = arith.constant 0 : index
    %get3A_10 = arith.constant 0 : index
    %get3A_11 = vector.load %arg2[%get3A_9, %get3A_10] : memref<1024x128xf32, #tpu.memory_space<vmem>>, vector<1024x128xf32>
    %add3A_12 = arith.addf %add3A, %get3A_11 : vector<1024x128xf32>
    %get3A_13 = arith.constant 0 : index
    %get3A_14 = arith.constant 0 : index
    %get3A_15 = vector.load %arg3[%get3A_13, %get3A_14] : memref<1024x1xf32, #tpu.memory_space<vmem>>, vector<1024x1xf32>
    %mul3A = vector.broadcast %get3A_15 : vector<1024x1xf32> to vector<1024x128xf32>
    %mul3A_16 = arith.mulf %add3A_12, %mul3A : vector<1024x128xf32>
    %get3A_17 = arith.constant 0 : index
    %get3A_18 = arith.constant 0 : index
    %get3A_19 = vector.load %arg4[%get3A_17, %get3A_18] : memref<1x128xf32, #tpu.memory_space<vmem>>, vector<1x128xf32>
    %add3A_20 = vector.broadcast %get3A_19 : vector<1x128xf32> to vector<1024x128xf32>
    %add3A_21 = arith.addf %mul3A_16, %add3A_20 : vector<1024x128xf32>
    %max3A = arith.constant 0.000000e+00 : f32
    %max3A_22 = vector.broadcast %max3A : f32 to vector<1024x128xf32>
    %max3A_23 = arith.maximumf %add3A_21, %max3A_22 : vector<1024x128xf32>
    %get3A_24 = arith.constant 0 : index
    %get3A_25 = arith.constant 0 : index
    %get3A_26 = vector.load %arg5[%get3A_24, %get3A_25] : memref<128x128xf32, #tpu.memory_space<vmem>>, vector<128x128xf32>
    %dot_general3A = arith.constant dense<0.000000e+00> : vector<1024x128xf32>
    %dot_general3A_27 = tpu.matmul %max3A_23, %get3A_26, %dot_general3A {dimension_numbers = #tpu.dot_dimension_numbers<[1], [0], [0], [1], [0, 0, 1, 1], [], []>, transpose_lhs_hint = false} : vector<1024x128xf32>, vector<128x128xf32>, vector<1024x128xf32> -> vector<1024x128xf32>
    %get3A_28 = arith.constant 0 : index
    %get3A_29 = arith.constant 0 : index
    %get3A_30 = vector.load %arg3[%get3A_28, %get3A_29] : memref<1024x1xf32, #tpu.memory_space<vmem>>, vector<1024x1xf32>
    %mul3A_31 = vector.broadcast %get3A_30 : vector<1024x1xf32> to vector<1024x128xf32>
    %mul3A_32 = arith.mulf %dot_general3A_27, %mul3A_31 : vector<1024x128xf32>
    %swap3A = arith.constant 0 : index
    %swap3A_33 = arith.constant 0 : index
    %swap3A_34 = vector.load %arg6[%swap3A, %swap3A_33] : memref<1024x128xf32, #tpu.memory_space<vmem>>, vector<1024x128xf32>
    tpu.vector_store %arg6[%swap3A, %swap3A_33], %mul3A_32 {strides = array<i32>} : memref<1024x128xf32, #tpu.memory_space<vmem>>, vector<1024x128xf32>,
    return
  }
  func.func @transform_0(%arg0: i32) -> (i32, i32, i32) {
    %c0_i32 = arith.constant 0 : i32
    %c0_i32_0 = arith.constant 0 : i32
    %c0_i32_1 = arith.constant 0 : i32
    return %c0_i32, %arg0, %c0_i32_0 : i32, i32, i32
  }
  func.func @transform_1(%arg0: i32) -> (i32, i32) {
    %c0_i32 = arith.constant 0 : i32
    %c0_i32_0 = arith.constant 0 : i32
    return %arg0, %c0_i32 : i32, i32
  }
  func.func @transform_2(%arg0: i32) -> (i32, i32) {
    %c0_i32 = arith.constant 0 : i32
    %c0_i32_0 = arith.constant 0 : i32
    return %arg0, %c0_i32 : i32, i32
  }
  func.func @transform_3(%arg0: i32) -> (i32, i32) {
    %c0_i32 = arith.constant 0 : i32
    %c0_i32_0 = arith.constant 0 : i32
    %c0_i32_1 = arith.constant 0 : i32
    return %c0_i32, %c0_i32_0 : i32, i32
  }
  func.func @transform_4(%arg0: i32) -> (i32, i32) {
    %c0_i32 = arith.constant 0 : i32
    %c0_i32_0 = arith.constant 0 : i32
    %c0_i32_1 = arith.constant 0 : i32
    return %c0_i32, %c0_i32_0 : i32, i32
  }
  func.func @transform_5(%arg0: i32) -> (i32, i32) {
    %c0_i32 = arith.constant 0 : i32
    %c0_i32_0 = arith.constant 0 : i32
    return %arg0, %c0_i32 : i32, i32
  }
}

module attributes {stable_mosaic.version = 14 : i64} {
  func.func @_tc_final_body(%arg0: i32, %arg1: memref<2x1024x128xf32, #tpu.memory_space<vmem>>, %arg2: memref<1024x128xf32, #tpu.memory_space<vmem>>, %arg3: memref<1024x1xf32, #tpu.memory_space<vmem>>, %arg4: memref<1x128xf32, #tpu.memory_space<vmem>>, %arg5: memref<1024x1xi32, #tpu.memory_space<vmem>>, %arg6: memref<128x128xf32, #tpu.memory_space<vmem>>, %arg7: memref<1x128xf32, #tpu.memory_space<vmem>>, %arg8: memref<64x128xf32, #tpu.memory_space<vmem>>, %arg9: memref<64x128xf32, #tpu.memory_space<vmem>>, %arg10: memref<64x128xf32, #tpu.memory_space<vmem>>) attributes {dimension_semantics = [#tpu.dimension_semantics<arbitrary>], iteration_bounds = array<i64: 10>, scalar_prefetch = 0 : i64, scratch_operands = 2 : i64, tpu.core_type = #tpu.core_type<tc>, window_params = [{transform_indices = @transform_0, window_bounds = array<i64: 2, 1024, 128>}, {transform_indices = @transform_1, window_bounds = array<i64: 1024, 128>}, {transform_indices = @transform_2, window_bounds = array<i64: 1024, 1>}, {pipeline_mode = #tpu.pipeline_mode<synchronous>, transform_indices = @transform_3, window_bounds = array<i64: 1, 128>}, {transform_indices = @transform_4, window_bounds = array<i64: 1024, 1>}, {pipeline_mode = #tpu.pipeline_mode<synchronous>, transform_indices = @transform_5, window_bounds = array<i64: 128, 128>}, {pipeline_mode = #tpu.pipeline_mode<synchronous>, transform_indices = @transform_6, window_bounds = array<i64: 1, 128>}, {pipeline_mode = #tpu.pipeline_mode<synchronous>, transform_indices = @transform_7, window_bounds = array<i64: 64, 128>}]} {
    %eq3A = arith.constant 0 : i32
    %eq3A_0 = arith.cmpi eq, %arg0, %eq3A : i32
    %convert_element_type3A = arith.extui %eq3A_0 : i1 to i32
    %cond3A = arith.constant 0 : i32
    %cond3A_1 = arith.cmpi ne, %convert_element_type3A, %cond3A : i32
    scf.if %cond3A_1 {
      %broadcast_in_dim3A_53 = arith.constant 0.000000e+00 : f32
      %broadcast_in_dim3A_54 = vector.broadcast %broadcast_in_dim3A_53 : f32 to vector<64x128xf32>
      %swap3A_55 = arith.constant 0 : index
      %swap3A_56 = arith.constant 0 : index
      %swap3A_57 = vector.load %arg9[%swap3A_55, %swap3A_56] : memref<64x128xf32, #tpu.memory_space<vmem>>, vector<64x128xf32>
      tpu.vector_store %arg9[%swap3A_55, %swap3A_56], %broadcast_in_dim3A_54 {strides = array<i32>} : memref<64x128xf32, #tpu.memory_space<vmem>>, vector<64x128xf32>,
      %broadcast_in_dim3A_58 = arith.constant 0.000000e+00 : f32
      %broadcast_in_dim3A_59 = vector.broadcast %broadcast_in_dim3A_58 : f32 to vector<64x128xf32>
      %swap3A_60 = arith.constant 0 : index
      %swap3A_61 = arith.constant 0 : index
      %swap3A_62 = vector.load %arg10[%swap3A_60, %swap3A_61] : memref<64x128xf32, #tpu.memory_space<vmem>>, vector<64x128xf32>
      tpu.vector_store %arg10[%swap3A_60, %swap3A_61], %broadcast_in_dim3A_59 {strides = array<i32>} : memref<64x128xf32, #tpu.memory_space<vmem>>, vector<64x128xf32>,
    } else {
    }
    %get3A = arith.constant 0 : index
    %get3A_2 = arith.constant 0 : index
    %get3A_3 = arith.constant 0 : index
    %get3A_4 = vector.load %arg1[%get3A, %get3A_2, %get3A_3] : memref<2x1024x128xf32, #tpu.memory_space<vmem>>, vector<1x1024x128xf32>
    %get3A_5 = vector.shape_cast %get3A_4 : vector<1x1024x128xf32> to vector<1024x128xf32>
    %get3A_6 = arith.constant 1 : index
    %get3A_7 = arith.constant 0 : index
    %get3A_8 = arith.constant 0 : index
    %get3A_9 = vector.load %arg1[%get3A_6, %get3A_7, %get3A_8] : memref<2x1024x128xf32, #tpu.memory_space<vmem>>, vector<1x1024x128xf32>
    %get3A_10 = vector.shape_cast %get3A_9 : vector<1x1024x128xf32> to vector<1024x128xf32>
    %add3A = arith.addf %get3A_5, %get3A_10 : vector<1024x128xf32>
    %get3A_11 = arith.constant 0 : index
    %get3A_12 = arith.constant 0 : index
    %get3A_13 = vector.load %arg2[%get3A_11, %get3A_12] : memref<1024x128xf32, #tpu.memory_space<vmem>>, vector<1024x128xf32>
    %add3A_14 = arith.addf %add3A, %get3A_13 : vector<1024x128xf32>
    %get3A_15 = arith.constant 0 : index
    %get3A_16 = arith.constant 0 : index
    %get3A_17 = vector.load %arg3[%get3A_15, %get3A_16] : memref<1024x1xf32, #tpu.memory_space<vmem>>, vector<1024x1xf32>
    %mul3A = vector.broadcast %get3A_17 : vector<1024x1xf32> to vector<1024x128xf32>
    %mul3A_18 = arith.mulf %add3A_14, %mul3A : vector<1024x128xf32>
    %get3A_19 = arith.constant 0 : index
    %get3A_20 = arith.constant 0 : index
    %get3A_21 = vector.load %arg4[%get3A_19, %get3A_20] : memref<1x128xf32, #tpu.memory_space<vmem>>, vector<1x128xf32>
    %add3A_22 = vector.broadcast %get3A_21 : vector<1x128xf32> to vector<1024x128xf32>
    %add3A_23 = arith.addf %mul3A_18, %add3A_22 : vector<1024x128xf32>
    %get3A_24 = arith.constant 0 : index
    %get3A_25 = arith.constant 0 : index
    %get3A_26 = vector.load %arg5[%get3A_24, %get3A_25] : memref<1024x1xi32, #tpu.memory_space<vmem>>, vector<1024x1xi32>
    %iota3A = tpu.iota {dimensions = array<i32: 1>} : vector<1024x64xi32>
    %eq3A_27 = vector.broadcast %get3A_26 : vector<1024x1xi32> to vector<1024x64xi32>
    %eq3A_28 = arith.cmpi eq, %eq3A_27, %iota3A : vector<1024x64xi32>
    %convert_element_type3A_29 = arith.extui %eq3A_28 : vector<1024x64xi1> to vector<1024x64xi32>
    %convert_element_type3A_30 = arith.sitofp %convert_element_type3A_29 : vector<1024x64xi32> to vector<1024x64xf32>
    %get3A_31 = arith.constant 0 : index
    %get3A_32 = arith.constant 0 : index
    %get3A_33 = vector.load %arg9[%get3A_31, %get3A_32] : memref<64x128xf32, #tpu.memory_space<vmem>>, vector<64x128xf32>
    %dot_general3A = arith.constant dense<0.000000e+00> : vector<64x128xf32>
    %dot_general3A_34 = tpu.matmul %convert_element_type3A_30, %add3A_23, %dot_general3A {dimension_numbers = #tpu.dot_dimension_numbers<[0], [0], [1], [1], [0, 1, 1, 1], [], []>, transpose_lhs_hint = false} : vector<1024x64xf32>, vector<1024x128xf32>, vector<64x128xf32> -> vector<64x128xf32>
    %add3A_35 = arith.addf %get3A_33, %dot_general3A_34 : vector<64x128xf32>
    %swap3A = arith.constant 0 : index
    %swap3A_36 = arith.constant 0 : index
    %swap3A_37 = vector.load %arg9[%swap3A, %swap3A_36] : memref<64x128xf32, #tpu.memory_space<vmem>>, vector<64x128xf32>
    tpu.vector_store %arg9[%swap3A, %swap3A_36], %add3A_35 {strides = array<i32>} : memref<64x128xf32, #tpu.memory_space<vmem>>, vector<64x128xf32>,
    %get3A_38 = arith.constant 0 : index
    %get3A_39 = arith.constant 0 : index
    %get3A_40 = vector.load %arg10[%get3A_38, %get3A_39] : memref<64x128xf32, #tpu.memory_space<vmem>>, vector<64x128xf32>
    %reduce_sum3A = arith.constant dense<0.000000e+00> : vector<64xf32>
    %reduce_sum3A_41 = vector.multi_reduction <add>, %convert_element_type3A_30, %reduce_sum3A [0] : vector<1024x64xf32> to vector<64xf32>
    %broadcast_in_dim3A = vector.shape_cast %reduce_sum3A_41 : vector<64xf32> to vector<64x1xf32>
    %broadcast_in_dim3A_42 = vector.shape_cast %broadcast_in_dim3A : vector<64x1xf32> to vector<64x1xf32>
    %broadcast_in_dim3A_43 = vector.broadcast %broadcast_in_dim3A_42 : vector<64x1xf32> to vector<64x128xf32>
    %add3A_44 = arith.addf %get3A_40, %broadcast_in_dim3A_43 : vector<64x128xf32>
    %swap3A_45 = arith.constant 0 : index
    %swap3A_46 = arith.constant 0 : index
    %swap3A_47 = vector.load %arg10[%swap3A_45, %swap3A_46] : memref<64x128xf32, #tpu.memory_space<vmem>>, vector<64x128xf32>
    tpu.vector_store %arg10[%swap3A_45, %swap3A_46], %add3A_44 {strides = array<i32>} : memref<64x128xf32, #tpu.memory_space<vmem>>, vector<64x128xf32>,
    %eq3A_48 = arith.constant 9 : i32
    %eq3A_49 = arith.cmpi eq, %arg0, %eq3A_48 : i32
    %convert_element_type3A_50 = arith.extui %eq3A_49 : i1 to i32
    %cond3A_51 = arith.constant 0 : i32
    %cond3A_52 = arith.cmpi ne, %convert_element_type3A_50, %cond3A_51 : i32
    scf.if %cond3A_52 {
      %get3A_53 = arith.constant 0 : index
      %get3A_54 = arith.constant 0 : index
      %get3A_55 = vector.load %arg9[%get3A_53, %get3A_54] : memref<64x128xf32, #tpu.memory_space<vmem>>, vector<64x128xf32>
      %get3A_56 = arith.constant 0 : index
      %get3A_57 = arith.constant 0 : index
      %get3A_58 = vector.load %arg10[%get3A_56, %get3A_57] : memref<64x128xf32, #tpu.memory_space<vmem>>, vector<64x128xf32>
      %max3A = arith.constant 1.000000e+00 : f32
      %max3A_59 = vector.broadcast %max3A : f32 to vector<64x128xf32>
      %max3A_60 = arith.maximumf %get3A_58, %max3A_59 : vector<64x128xf32>
      %div3A = arith.divf %get3A_55, %max3A_60 : vector<64x128xf32>
      %get3A_61 = arith.constant 0 : index
      %get3A_62 = arith.constant 0 : index
      %get3A_63 = vector.load %arg6[%get3A_61, %get3A_62] : memref<128x128xf32, #tpu.memory_space<vmem>>, vector<128x128xf32>
      %dot_general3A_64 = arith.constant dense<0.000000e+00> : vector<64x128xf32>
      %dot_general3A_65 = tpu.matmul %div3A, %get3A_63, %dot_general3A_64 {dimension_numbers = #tpu.dot_dimension_numbers<[1], [0], [0], [1], [0, 0, 1, 1], [], []>, transpose_lhs_hint = false} : vector<64x128xf32>, vector<128x128xf32>, vector<64x128xf32> -> vector<64x128xf32>
      %get3A_66 = arith.constant 0 : index
      %get3A_67 = arith.constant 0 : index
      %get3A_68 = vector.load %arg7[%get3A_66, %get3A_67] : memref<1x128xf32, #tpu.memory_space<vmem>>, vector<1x128xf32>
      %add3A_69 = vector.broadcast %get3A_68 : vector<1x128xf32> to vector<64x128xf32>
      %add3A_70 = arith.addf %dot_general3A_65, %add3A_69 : vector<64x128xf32>
      %swap3A_71 = arith.constant 0 : index
      %swap3A_72 = arith.constant 0 : index
      %swap3A_73 = vector.load %arg8[%swap3A_71, %swap3A_72] : memref<64x128xf32, #tpu.memory_space<vmem>>, vector<64x128xf32>
      tpu.vector_store %arg8[%swap3A_71, %swap3A_72], %add3A_70 {strides = array<i32>} : memref<64x128xf32, #tpu.memory_space<vmem>>, vector<64x128xf32>,
    } else {
    }
    return
  }
  func.func @transform_0(%arg0: i32) -> (i32, i32, i32) {
    %c0_i32 = arith.constant 0 : i32
    %c0_i32_0 = arith.constant 0 : i32
    %c0_i32_1 = arith.constant 0 : i32
    return %c0_i32, %arg0, %c0_i32_0 : i32, i32, i32
  }
  func.func @transform_1(%arg0: i32) -> (i32, i32) {
    %c0_i32 = arith.constant 0 : i32
    %c0_i32_0 = arith.constant 0 : i32
    return %arg0, %c0_i32 : i32, i32
  }
  func.func @transform_2(%arg0: i32) -> (i32, i32) {
    %c0_i32 = arith.constant 0 : i32
    %c0_i32_0 = arith.constant 0 : i32
    return %arg0, %c0_i32 : i32, i32
  }
  func.func @transform_3(%arg0: i32) -> (i32, i32) {
    %c0_i32 = arith.constant 0 : i32
    %c0_i32_0 = arith.constant 0 : i32
    %c0_i32_1 = arith.constant 0 : i32
    return %c0_i32, %c0_i32_0 : i32, i32
  }
  func.func @transform_4(%arg0: i32) -> (i32, i32) {
    %c0_i32 = arith.constant 0 : i32
    %c0_i32_0 = arith.constant 0 : i32
    return %arg0, %c0_i32 : i32, i32
  }
  func.func @transform_5(%arg0: i32) -> (i32, i32) {
    %c0_i32 = arith.constant 0 : i32
    %c0_i32_0 = arith.constant 0 : i32
    %c0_i32_1 = arith.constant 0 : i32
    return %c0_i32, %c0_i32_0 : i32, i32
  }
  func.func @transform_6(%arg0: i32) -> (i32, i32) {
    %c0_i32 = arith.constant 0 : i32
    %c0_i32_0 = arith.constant 0 : i32
    %c0_i32_1 = arith.constant 0 : i32
    return %c0_i32, %c0_i32_0 : i32, i32
  }
  func.func @transform_7(%arg0: i32) -> (i32, i32) {
    %c0_i32 = arith.constant 0 : i32
    %c0_i32_0 = arith.constant 0 : i32
    %c0_i32_1 = arith.constant 0 : i32
    return %c0_i32, %c0_i32_0 : i32, i32
  }
}

</mosaic_0001>

<sc_bundles>
// kernel: kernel.14.cloned.1.call-start
scs
__scs_entry_jumppad:
0x0: {  	(pc) =	sbr.rel $0x88, $3  }
0x1: {  	(tag) =	ssettag $0x0;
	lr =	simm.s32 $0x1  }
0x2: {  	[smem:$0x3F92] =	sst lr;
	_ =	strace $0xD0000000  }
0x3: {  	_ = 	snop  }
0x4: {  	_ = 	snop  }
0x5: {  	_ = 	snop  }
0x6: {  	_ = 	snop  }
0x7: {  	_ = 	snop  }
__scs_overlays_trampoline_lowered:
0x8: {  	[smem:$0x3FA1] =	sst s0  }
0x9: {  	[smem:$0x3FA2] =	sst s1  }
0xa: {  	[smem:$0x3FA3] =	sst s2  }
0xb: {  	[smem:$0x3FA4] =	sst s3  }
0xc: {  	[smem:$0x3FA5] =	sst s4  }
0xd: {  	[smem:$0x3FA6] =	sst s5  }
0xe: {  	[smem:$0x3FA7] =	sst s6  }
0xf: {  	[smem:$0x3FA8] =	sst s7  }
0x10: {  	[smem:$0x3FA9] =	sst s8  }
0x11: {  	[smem:$0x3FAA] =	sst s9;
	s0 =	simm.s32 @!p0 $0x0  }
0x12: {  	s1 =	sld [smem:$0x3F90];
	s0 =	simm.s32 @p0 $0x1  }
0x13: {  	[smem:$0x3FAB] =	sst s0;
	s0 =	simm.s32 @!p1 $0x0  }
0x14: {  	s2 =	sld [smem:$0x3F8F];
	s0 =	simm.s32 @p1 $0x1  }
0x15: {  	[smem:$0x3FAC] =	sst s0;
	s0 =	simm.s32 @!p2 $0x0  }
0x16: {  	s3 =	sld [smem:$0x3FDB];
	s0 =	simm.s32 @p2 $0x1  }
0x17: {  	s4 =	simm.s32 $0x1BF5;
	[smem:$0x3FAE] =	sst s0  }
0x18: {  	s0 =	sld [smem:$0x3F91];
	_ =	swait.ge [sflag:s4], $0x0  }
0x19: {  	s7 =	sld [smem:$0x3F92]  }
0x1a: {  	s8 =	sadd.s32 $0xFFFFE003, lr  }
0x1b: {  	s9 =	sadd.s32 $0xFFFFFEF7, lr;
	s5 =	simm.s32 $0xFFFFFFFF;
	p2 =	slt.u32 s8, $0xFFFFF086  }
0x1c: {  	p1 =	slt.u32 s9, $0xF7A;
	s5 =	simm.s32 @!p2 $0x0  }
0x1d: {  	s5 =	simm.s32 @p1 $0x1;
	p0 =	seq.s32 s7, s2  }
0x1e: {  	s7 =	smul.u32 @!p0 $0xF7A, s2;
	p2 =	seq.s32 @!p0 s5, $0x0  }
0x1f: {  	s9 =	smul.u32 $0xF7A, s1;
	s8 =	simm.s32 @!p0 $0x1BF5;
	p2 =	por !p2, p0  }
0x20: {  	[sflag:s8] =	ssyncset.s32 @!p0 $0xFFFFF086;
	s6 =	sadd.s32 @!p0 s3, s7;
	s7 =	simm.s32 @!p0 $0x108  }
0x21: {  	s3 =	sadd.s32 s3, s9;
	s6 =	sadd.s32 @!p0 $0x88, s6;
	s7 =	simm.s32 @p2 $0x1082  }
0x22: {  	[simem:s7], [sflag:s8] =	dma.local @!p0 [hbm:s6], $0xF7A  }
0x23: {  	s9 =	sor.u32 $0xD0000000, s2;
	s6 =	simm.s32 $0x108;
	_ =	swait.ge @!p0 [sflag:s8], $0x0  }
0x24: {  	s3 =	sadd.s32 $0x88, s3;
	s6 =	simm.s32 @!p1 $0x1082;
	[sflag:s4] =	ssyncset.s32 $0xFFFFF086  }
0x25: {  	[simem:s6], [sflag:s4] =	dma.local [hbm:s3], $0xF7A  }
0x26: {  	[smem:$0x3F92] =	sst s1;
	(tag) =	ssettag s2;
	_ =	strace s9  }
0x27: {  	s1 =	sld [smem:$0x3FA2]  }
0x28: {  	s2 =	sld [smem:$0x3FA3]  }
0x29: {  	s4 =	sld [smem:$0x3FA5]  }
0x2a: {  	p0 =	seq.s32 s5, $0x0;
	s5 =	sld [smem:$0x3FA6]  }
0x2b: {  	s6 =	sld [smem:$0x3FA7]  }
0x2c: {  	s7 =	sld [smem:$0x3FA8]  }
0x2d: {  	s3 =	simm.s32 $0x108;
	s8 =	sld [smem:$0x3FA9]  }
0x2e: {  	s3 =	simm.s32 @!p0 $0x1082;
	s9 =	sld [smem:$0x3FAA]  }
0x2f: {  	lr =	sadd.s32 s0, s3;
	s0 =	sld [smem:$0x3FA1]  }
0x30: {  	s3 =	sld [smem:$0x3FA4]  }
0x31: {  	[smem:$0x3FAD] =	sst s10  }
0x32: {  	s10 =	sld [smem:$0x3FAB];
	_ =	sdelay $0x3  }
0x33: {  	p0 =	seq.s32 s10, $0x1;
	s10 =	sld [smem:$0x3FAD];
	_ =	sdelay $0x3  }
0x34: {  	[smem:$0x3FAD] =	sst s10  }
0x35: {  	s10 =	sld [smem:$0x3FAC];
	_ =	sdelay $0x3  }
0x36: {  	p1 =	seq.s32 s10, $0x1;
	s10 =	sld [smem:$0x3FAD];
	_ =	sdelay $0x3  }
0x37: {  	[smem:$0x3FAD] =	sst s10  }
0x38: {  	s10 =	sld [smem:$0x3FAE]  }
0x39: {  	_ = 	snop;
	(pc) =	sbr.ind lr, $3  }
0x3a: {  	_ = 	snop  }
0x3b: {  	_ = 	snop  }
0x3c: {  	p2 =	seq.s32 s10, $0x1;
	s10 =	sld [smem:$0x3FAD]  }
0x3d: {  	_ =	shalt  }
0x3e: {  	_ =	shalt  }
0x3f: {  	_ =	shalt  }
0x40: {  	_ =	shalt  }
0x41: {  	_ =	shalt  }
0x42: {  	_ =	shalt  }
0x43: {  	_ =	shalt  }
0x44: {  	_ =	shalt  }
0x45: {  	_ =	shalt  }
0x46: {  	_ =	shalt  }
0x47: {  	_ =	shalt  }
0x48: {  	_ =	shalt  }
0x49: {  	_ =	shalt  }
0x4a: {  	_ =	shalt  }
0x4b: {  	_ =	shalt  }
0x4c: {  	_ =	shalt  }
0x4d: {  	_ =	shalt  }
0x4e: {  	_ =	shalt  }
0x4f: {  	_ =	shalt  }
0x50: {  	_ =	shalt  }
0x51: {  	_ =	shalt  }
0x52: {  	_ =	shalt  }
0x53: {  	_ =	shalt  }
0x54: {  	_ =	shalt  }
0x55: {  	_ =	shalt  }
0x56: {  	_ =	shalt  }
0x57: {  	_ =	shalt  }
0x58: {  	_ =	shalt  }
0x59: {  	_ =	shalt  }
0x5a: {  	_ =	shalt  }
0x5b: {  	_ =	shalt  }
0x5c: {  	_ =	shalt  }
0x5d: {  	_ =	shalt  }
0x5e: {  	_ =	shalt  }
0x5f: {  	_ =	shalt  }
0x60: {  	_ =	shalt  }
0x61: {  	_ =	shalt  }
0x62: {  	_ =	shalt  }
0x63: {  	_ =	shalt  }
0x64: {  	_ =	shalt  }
0x65: {  	_ =	shalt  }
0x66: {  	_ =	shalt  }
0x67: {  	_ =	shalt  }
0x68: {  	_ =	shalt  }
0x69: {  	_ =	shalt  }
0x6a: {  	_ =	shalt  }
0x6b: {  	_ =	shalt  }
0x6c: {  	_ =	shalt  }
0x6d: {  	_ =	shalt  }
0x6e: {  	_ =	shalt  }
0x6f: {  	_ =	shalt  }
0x70: {  	_ =	shalt  }
0x71: {  	_ =	shalt  }
0x72: {  	_ =	shalt  }
0x73: {  	_ =	shalt  }
0x74: {  	_ =	shalt  }
0x75: {  	_ =	shalt  }
0x76: {  	_ =	shalt  }
0x77: {  	_ =	shalt  }
0x78: {  	_ =	shalt  }
0x79: {  	_ =	shalt  }
0x7a: {  	_ =	shalt  }
0x7b: {  	_ =	shalt  }
0x7c: {  	_ =	shalt  }
0x7d: {  	_ =	shalt  }
0x7e: {  	_ =	shalt  }
0x7f: {  	_ =	shalt  }
0x80: {  	_ =	shalt  }
0x81: {  	_ =	shalt  }
0x82: {  	_ =	shalt  }
0x83: {  	_ =	shalt  }
0x84: {  	_ =	shalt  }
0x85: {  	_ =	shalt  }
0x86: {  	_ =	shalt  }
0x87: {  	_ =	shalt  }
.Lfunc_end0:
.L_simem_size_0:
called_computation_lowered:
.L_overlay_start_0:
0x88: {  	s2 =	sld [smem:$0x3FD9]  }
0x89: {  	s3 =	sld [smem:$0x3FFE];
	_ =	sdelay $0x1  }
0x8a: {  	s1 =	srdreg.scid  }
0x8b: {  	s0 =	sand.u32 $0x1, s1  }
0x8c: {  	s16 =	sshll.u32 s0, $0xA;
	s2 =	sadd.s32 s3, s2  }
0x8d: {  	s2 =	sadd.s32 s2, s16  }
0x8e: {  	[smem:$0x3FB9] =	sst s2  }
0x8f: {  	_ = 	snop  }
0x90: {  	(tm) =	ssettm $0x1  }
0x91: {  	s17 =	sld [smem:$0x3FFB];
	_ =	sdelay $0x3  }
0x92: {  	_ =	strace s17  }
0x93: {  	s2 =	sld [smem:$0x3FFC];
	_ =	sdelay $0x3  }
0x94: {  	_ =	strace s2  }
0x95: {  	s2 =	sld [smem:$0x3FFD];
	_ =	sdelay $0x3  }
0x96: {  	_ =	strace s2  }
0x97: {  	_ =	strace $0x8FFFFFFF  }
0x98: {  	s18 =	sld [smem:$0x3FDB];
	_ =	sdelay $0x1  }
0x99: {  	s19 =	simm.s32 $_scs_section_size  }
0x9a: {  	s4 =	simm.s32 $_size__tile_overlayer_lowered;
	s5 =	simm.s32 $_tile_overlayer_lowered  }
0x9b: {  	s22 =	simm.s32 $0x1BFF;
	s21 =	sshll.u32 s5, $0x1;
	s2 =	sadd.s32 s19, s18  }
0x9c: {  	s6 =	simm.s32 $0x0;
	s20 =	sshll.u32 s4, $0x1;
	s4 =	sadd.s32 s21, s2  }
0x9d: {  	[timem:s6], [sflag:s22] =	dma.local [hbm:s4], s20  }
0x9e: {  	_ =	swait.ge [sflag:s22], s20  }
0x9f: {  	s3 =	ssub.s32 $0x0, s20;
	[sflag:s22] =	ssyncset.done $0x0  }
0xa0: {  	[sflag:s22] =	ssyncadd.s32 s3;
	_ =	sdelay $0x1  }
0xa1: {  	s23 =	simm.s32 $0x1B8B  }
0xa2: {  	_ =	swait.ge [sflag:s23], $0x1  }
0xa3: {  	[sflag:s23] =	ssyncset.done $0x0  }
0xa4: {  	s25 =	simm.s32 $0x1B8E;
	s24 =	sld [smem:$0x3FFE];
	[sflag:s23] =	ssyncadd.s32 $0xFFFFFFFF  }
0xa5: {  	s26 =	simm.s32 $execute0_lowered;
	[smem:$0x3FD2] =	sst s25  }
0xa6: {  	s4 =	sshll.u32 s26, $0x1;
	_ =	strace $0x80000046;
	[dreg:$0x1] =	wrdreg $0xFFFFFFFF  }
0xa7: {  	s28 =	simm.s32 $_size_execute0_lowered;
	s2 =	sadd.s32 s2, s4;
	[dreg:$0x0] =	wrdreg $0x0  }
0xa8: {  	s4 =	sshll.u32 s28, $0x1;
	[dreg:$0x2] =	wrdreg s2  }
0xa9: {  	[dreg:$0x3] =	wrdreg s4  }
0xaa: {  	[dreg:$0x4] =	wrdreg $0xC0  }
0xab: {  	_ =	task [dreg:s6], $0x5FFFF  }
0xac: {  	[dreg:$0x1] =	wrdreg $0xFFFFFFFF  }
0xad: {  	[dreg:$0x0] =	wrdreg $0x60  }
0xae: {  	[dreg:$0x2] =	wrdreg s24  }
0xaf: {  	[dreg:$0x3] =	wrdreg $0x68000  }
0xb0: {  	[dreg:$0x4] =	wrdreg $0x9  }
0xb1: {  	_ =	task.clear_ibuf [dreg:s6], $0x5FFFF;
	_ =	strace $0x90000046  }
0xb2: {  	s29 =	simm.s32 $0x9;
	_ =	strace $0x80000048  }
0xb3: {  	_ =	swait.ge [sflag:s29], $0x1  }
0xb4: {  	[sflag:s29] =	ssyncadd.s32 $0xFFFFFFFF  }
0xb5: {  	_ =	strace $0x90000048  }
0xb6: {  	_ =	sfence  }
0xb7: {  	s30 =	sld [smem:$0x0];
	_ =	sdelay $0x2  }
0xb8: {  	s31 =	sshll.u32 s1, $0xD;
	s1 =	sshrl.u32 s1, $0x2  }
0xb9: {  	s3 =	sand.u32 $0x4000, s31;
	s1 =	sadd.s32 s1, s30  }
0xba: {  	s0 =	sor.u32 s3, s0;
	s1 =	sshll.u32 s1, $0x11  }
0xbb: {  	s0 =	sor.u32 s1, s0  }
0xbc: {  	s0 =	sadd.s32 $0x8F2B, s0  }
0xbd: {  	[sflag:s0] =	ssyncadd.remote.s32 $0x1  }
0xbe: {  	_ =	sfence.sel $0xFFFF  }
0xbf: {  	[dreg:$0x0] =	wrdreg $0xFFFFFFFF;
	(pc) =	sbr.abs _section_cstart, $3  }
0xc0: {  	[dreg:$0x1] =	wrdreg $0xFFFFFFFF  }
0xc1: {  	_ =	task.clear_ibuf [dreg:s6], $0x2FFFF;
	_ =	strace $0x9FFFFFFF  }
0xc2: {  	(tm) =	ssettm $0x7FFFFFFF  }
0xc3: {  	_ =	shalt  }
tec
execute0_lowered:
.L_overlay_start_1:
0x0: {  	(tag) =	ssettag $0x1  }
0x1: {  	s4 =	rddreg [dreg:$0x0]  }
0x2: {  	s2 =	rddreg [dreg:$0x1]  }
0x3: {  	s1 =	srdreg.scid;
	s0 =	rddreg [dreg:$0x2]  }
0x4: {  	s3 =	simm.s32 $0x0;
	s12 =	simm.s32 $0x2800;
	s5 =	sand.u32 $0x1, s1  }
0x5: {  	s13 =	simm.s32 $0x1;
	s1 =	stileid.u32;
	s7 =	smul.u32 $0x140000, s5  }
0x6: {  	s14 =	simm.s32 $0x80;
	[smem:$0x7FF] =	sst s3;
	s8 =	smul.u32 $0x14000, s1  }
0x7: {  	s6 =	sshll.u32 s5, $0x4;
	_ =	strace $0x80000047;
	s30 =	smul.u32 $0x50000, s1  }
0x8: {  	s5 =	ssub.s32 $0x2, s5;
	s15 =	sshll.u32 s1, $0x6;
	s6 =	sor.u32 s1, s6  }
0x9: {  	s31 =	sshrl.u32 s5, $0x1;
	s6 =	smul.u32 $0x500, s6;
	s7 =	sadd.s32 s8, s7  }
0xa: {  	s15 =	sor.u32 $0x1C01, s15;
	s8 =	sshrl.u32 s30, $0x2;
	s7 =	sshrl.u32 s7, $0x3  }
0xb: {  	s9 =	ssub.s32 s5, s31;
	s6 =	sadd.s32 s6, s4;
	s7 =	sadd.s32 s7, s4  }
0xc: {  	s4 =	sadd.s32 s8, s2;
	s5 =	sadd.s32 $0x4800, s6;
	s6 =	sadd.s32 $0xE800, s7  }
0xd: {  	s7 =	smax.u32 s9, $0x1;
	s8 =	sadd.s32 $0x4000, s4;
	s9 =	sadd.s32 $0x8000, s4  }
0xe: {  	v0 =	vimm.f32 $1.000000000e+00;
	v1 =	vimm.f32 $0.0e+00;
	s10 =	sadd.s32 $0xC000, s4;
	s11 =	sadd.s32 $0x10000, s4;
	s16 =	sshrl.u32 s4, $0x3  }
.LBB2_1:
0xf: {  	s17 =	simm.s32 $0x0  }
.LBB2_2:
0x10: {  	p0 =	sne.s32 s17, $0xFE00  }
.Ltmp0:
0x11: {  	_ = 	snop;
	(pc) =	sbr.rel @p0 .LBB2_2-.Ltmp0, $3  }
0x12: {  	_ =	sdelay $0x1  }
0x13: {  	s18 =	sshra.s32 s17, $0x2  }
0x14: {  	s17 =	sadd.s32 $0x200, s17;
	[tilespmem:s18+$0x2800] =	vst v0  }
0x15: {  	s17 =	simm.s32 $0x200;
	s18 =	simm.s32 $0x0  }
.LBB2_4:
0x16: {  	p0 =	sne.s32 s17, $0xFE00;
	[tilespmem:s18+$0x2800] =	vst v1;
	s18 =	smov.u32 s17;
	s17 =	sadd.s32 $0x200, s17  }
.Ltmp1:
0x17: {  	(pc) =	sbr.rel @p0 .LBB2_4-.Ltmp1, $2  }
0x18: {  	_ =	sdelay $0x2  }
0x19: {  	s18 =	sshra.s32 s18, $0x2  }
0x1a: {  	[tilespmem:s18+$0x2800] =	vst v1  }
0x1b: {  	[spmem:s4] =	stream.linear.scatter [tilespmem:s12], [sflag:$0x1], $0x4000, $0x38;
	[tilespmem:$0x9000] =	vst v63  }
0x1c: {  	_ =	swait.ge [sflag:s13], $0x4000  }
0x1d: {  	[sflag:s13] =	ssyncset.done $0x0  }
0x1e: {  	[sflag:s13] =	ssyncadd.s32 $0xFFFFC000  }
0x1f: {  	[spmem:s8] =	stream.linear.scatter [tilespmem:s12], [sflag:$0x1], $0x4000, $0x38;
	[tilespmem:$0x9000] =	vst v63  }
0x20: {  	_ =	swait.ge [sflag:s13], $0x4000  }
0x21: {  	[sflag:s13] =	ssyncset.done $0x0  }
0x22: {  	[sflag:s13] =	ssyncadd.s32 $0xFFFFC000  }
0x23: {  	[spmem:s9] =	stream.linear.scatter [tilespmem:s12], [sflag:$0x1], $0x4000, $0x38;
	[tilespmem:$0x9000] =	vst v63  }
0x24: {  	_ =	swait.ge [sflag:s13], $0x4000  }
0x25: {  	[sflag:s13] =	ssyncset.done $0x0  }
0x26: {  	[sflag:s13] =	ssyncadd.s32 $0xFFFFC000  }
0x27: {  	[spmem:s10] =	stream.linear.scatter [tilespmem:s12], [sflag:$0x1], $0x4000, $0x38;
	[tilespmem:$0x9000] =	vst v63  }
0x28: {  	_ =	swait.ge [sflag:s13], $0x4000  }
0x29: {  	[sflag:s13] =	ssyncset.done $0x0  }
0x2a: {  	[sflag:s13] =	ssyncadd.s32 $0xFFFFC000  }
0x2b: {  	[spmem:s11] =	stream.linear.scatter [tilespmem:s12], [sflag:$0x1], $0x4000, $0x38;
	[tilespmem:$0x9000] =	vst v63  }
0x2c: {  	_ =	swait.ge [sflag:s13], $0x4000  }
0x2d: {  	[sflag:s13] =	ssyncset.done $0x0  }
0x2e: {  	s17 =	simm.s32 $0x200;
	s18 =	simm.s32 $0x0;
	[sflag:s13] =	ssyncadd.s32 $0xFFFFC000  }
.LBB2_6:
0x2f: {  	p0 =	sne.s32 s17, $0xFE00;
	[tilespmem:s18+$0x2800] =	vst v0;
	s18 =	smov.u32 s17;
	s17 =	sadd.s32 $0x200, s17  }
.Ltmp2:
0x30: {  	(pc) =	sbr.rel @p0 .LBB2_6-.Ltmp2, $2  }
0x31: {  	_ =	sdelay $0x2  }
0x32: {  	s18 =	sshra.s32 s18, $0x2  }
0x33: {  	[tilespmem:s18+$0x2800] =	vst v0  }
0x34: {  	s17 =	simm.s32 $0x0;
	[bflag:$0x0] =	sbarrier.arrive $0xFFFF  }
0x35: {  	[tilespmem:s17], [sflag:$0x1] =	stream.linear.gather [hbm4b:s5+s17], $0x2800, $0x38;
	[tilespmem:$0x9000] =	vst v63  }
0x36: {  	_ =	swait.ge [sflag:s13], $0x2800  }
0x37: {  	[sflag:s13] =	ssyncset.done $0x0  }
0x38: {  	s31 =	simm.s32 $0x0;
	[sflag:s13] =	ssyncadd.s32 $0xFFFFD800  }
0x39: {  	[spmem:s2] =	stream.indirect.scatter.add.f32 [tilespmem:s12], [sflag:$0x1], $0x10, s31, s14, $0xb8;
	[tilespmem:$0x9000] =	vst v63  }
0x3a: {  	_ =	swait.ge [sflag:s13], $0x800  }
0x3b: {  	s17 =	simm.s32 $0x200;
	[sflag:s13] =	ssyncset.done $0x0  }
.LBB2_8:
0x3c: {  	s18 =	sshra.s32 s17, $0x2;
	[sflag:s13] =	ssyncadd.s32 $0xFFFFF800;
	p0 =	sne.s32 s17, $0x9E00  }
0x3d: {  	[spmem:s2] =	stream.indirect.scatter.add.f32 [tilespmem:s12], [sflag:$0x1], $0x10, s18, s14, $0xb8;
	[tilespmem:$0x9000] =	vst v63  }
.Ltmp3:
0x3e: {  	_ = 	snop;
	(pc) =	sbr.rel @p0 .LBB2_8-.Ltmp3, $4  }
0x3f: {  	_ = 	snop  }
0x40: {  	s17 =	sadd.s32 $0x200, s17  }
0x41: {  	_ =	swait.ge [sflag:s13], $0x800  }
0x42: {  	[sflag:s13] =	ssyncset.done $0x0  }
0x43: {  	s3 =	sadd.s32 $0x1, s3  }
0x44: {  	[sflag:s13] =	ssyncadd.s32 $0xFFFFF800;
	p0 =	sne.s32 s3, s7  }
.Ltmp4:
0x45: {  	[bflag:$0x0] =	sbarrier.arrive $0xFFFF;
	(pc) =	sbr.rel @p0 .LBB2_1-.Ltmp4, $4  }
0x46: {  	[hbm:s6], [sflag:s15] =	dma.local [spmem:s16], $0x2800  }
0x47: {  	_ =	swait.ge [sflag:s13], $0x2800  }
0x48: {  	[sflag:s13] =	ssyncset.done $0x0  }
0x49: {  	[sflag:s13] =	ssyncadd.s32 $0xFFFFD800  }
0x4a: {  	_ =	sfence.sel $0x180000  }
0x4b: {  	[bflag:$0x0] =	sbarrier.arrive $0xFFFF  }
0x4c: {  	p0 =	sne.s32 s1, $0x0;
	_ =	strace $0x90000047  }
0x4d: {  	s0 =	sadd.s32 @!p0 $0x100000, s0;
	[bflag:$0x2] =	sbarrier.arrive $0xFFFF  }
0x4e: {  	[sflag:s0] =	ssyncadd.tile.s32 @!p0 $0x1;
	_ =	shalt  }
.Lfunc_end2:
_tile_overlayer_lowered:
.L_overlay_start_2:
0x4f: {  	(tag) =	ssettag $0x2  }
0x50: {  	s0 =	rddreg [dreg:$0x0];
	s2 =	stileid.u32  }
0x51: {  	s1 =	rddreg [dreg:$0x1];
	p0 =	sne.s32 s2, $0x0  }
0x52: {  	s3 =	rddreg [dreg:$0x2];
	[bflag:$0x3] =	sbarrier.arrive $0xFFFF;
	s2 =	simm.s32 @!p0 $0x1C01  }
0x53: {  	[timem:s3], [sflag:s2] =	dma.local @!p0 [hbm:s0], s1  }
0x54: {  	s0 =	simm.s32 @!p0 $0x1  }
0x55: {  	_ =	swait.ge @!p0 [sflag:s0], s1  }
0x56: {  	s1 =	ssub.s32 @!p0 $0x0, s1;
	[sflag:s0] =	ssyncset.done @!p0 $0x0  }
0x57: {  	[sflag:s0] =	ssyncadd.s32 @!p0 s1  }
0x58: {  	[bflag:$0x3] =	sbarrier.arrive $0xFFFF  }
0x59: {  	_ =	shalt  }

// kernel: kernel.17.cloned.1.call-start
scs
__scs_entry_jumppad:
0x0: {  	(pc) =	sbr.rel $0x88, $3  }
0x1: {  	(tag) =	ssettag $0x0;
	lr =	simm.s32 $0x1  }
0x2: {  	[smem:$0x3F92] =	sst lr;
	_ =	strace $0xD0000000  }
0x3: {  	_ = 	snop  }
0x4: {  	_ = 	snop  }
0x5: {  	_ = 	snop  }
0x6: {  	_ = 	snop  }
0x7: {  	_ = 	snop  }
__scs_overlays_trampoline_lowered:
0x8: {  	[smem:$0x3FA1] =	sst s0  }
0x9: {  	[smem:$0x3FA2] =	sst s1  }
0xa: {  	[smem:$0x3FA3] =	sst s2  }
0xb: {  	[smem:$0x3FA4] =	sst s3  }
0xc: {  	[smem:$0x3FA5] =	sst s4  }
0xd: {  	[smem:$0x3FA6] =	sst s5  }
0xe: {  	[smem:$0x3FA7] =	sst s6  }
0xf: {  	[smem:$0x3FA8] =	sst s7  }
0x10: {  	[smem:$0x3FA9] =	sst s8  }
0x11: {  	[smem:$0x3FAA] =	sst s9;
	s0 =	simm.s32 @!p0 $0x0  }
0x12: {  	s1 =	sld [smem:$0x3F90];
	s0 =	simm.s32 @p0 $0x1  }
0x13: {  	[smem:$0x3FAB] =	sst s0;
	s0 =	simm.s32 @!p1 $0x0  }
0x14: {  	s2 =	sld [smem:$0x3F8F];
	s0 =	simm.s32 @p1 $0x1  }
0x15: {  	[smem:$0x3FAC] =	sst s0;
	s0 =	simm.s32 @!p2 $0x0  }
0x16: {  	s3 =	sld [smem:$0x3FDB];
	s0 =	simm.s32 @p2 $0x1  }
0x17: {  	s4 =	simm.s32 $0x1BF5;
	[smem:$0x3FAE] =	sst s0  }
0x18: {  	s0 =	sld [smem:$0x3F91];
	_ =	swait.ge [sflag:s4], $0x0  }
0x19: {  	s7 =	sld [smem:$0x3F92]  }
0x1a: {  	s8 =	sadd.s32 $0xFFFFE003, lr  }
0x1b: {  	s9 =	sadd.s32 $0xFFFFFEF7, lr;
	s5 =	simm.s32 $0xFFFFFFFF;
	p2 =	slt.u32 s8, $0xFFFFF086  }
0x1c: {  	p1 =	slt.u32 s9, $0xF7A;
	s5 =	simm.s32 @!p2 $0x0  }
0x1d: {  	s5 =	simm.s32 @p1 $0x1;
	p0 =	seq.s32 s7, s2  }
0x1e: {  	s7 =	smul.u32 @!p0 $0xF7A, s2;
	p2 =	seq.s32 @!p0 s5, $0x0  }
0x1f: {  	s9 =	smul.u32 $0xF7A, s1;
	s8 =	simm.s32 @!p0 $0x1BF5;
	p2 =	por !p2, p0  }
0x20: {  	[sflag:s8] =	ssyncset.s32 @!p0 $0xFFFFF086;
	s6 =	sadd.s32 @!p0 s3, s7;
	s7 =	simm.s32 @!p0 $0x108  }
0x21: {  	s3 =	sadd.s32 s3, s9;
	s6 =	sadd.s32 @!p0 $0x88, s6;
	s7 =	simm.s32 @p2 $0x1082  }
0x22: {  	[simem:s7], [sflag:s8] =	dma.local @!p0 [hbm:s6], $0xF7A  }
0x23: {  	s9 =	sor.u32 $0xD0000000, s2;
	s6 =	simm.s32 $0x108;
	_ =	swait.ge @!p0 [sflag:s8], $0x0  }
0x24: {  	s3 =	sadd.s32 $0x88, s3;
	s6 =	simm.s32 @!p1 $0x1082;
	[sflag:s4] =	ssyncset.s32 $0xFFFFF086  }
0x25: {  	[simem:s6], [sflag:s4] =	dma.local [hbm:s3], $0xF7A  }
0x26: {  	[smem:$0x3F92] =	sst s1;
	(tag) =	ssettag s2;
	_ =	strace s9  }
0x27: {  	s1 =	sld [smem:$0x3FA2]  }
0x28: {  	s2 =	sld [smem:$0x3FA3]  }
0x29: {  	s4 =	sld [smem:$0x3FA5]  }
0x2a: {  	p0 =	seq.s32 s5, $0x0;
	s5 =	sld [smem:$0x3FA6]  }
0x2b: {  	s6 =	sld [smem:$0x3FA7]  }
0x2c: {  	s7 =	sld [smem:$0x3FA8]  }
0x2d: {  	s3 =	simm.s32 $0x108;
	s8 =	sld [smem:$0x3FA9]  }
0x2e: {  	s3 =	simm.s32 @!p0 $0x1082;
	s9 =	sld [smem:$0x3FAA]  }
0x2f: {  	lr =	sadd.s32 s0, s3;
	s0 =	sld [smem:$0x3FA1]  }
0x30: {  	s3 =	sld [smem:$0x3FA4]  }
0x31: {  	[smem:$0x3FAD] =	sst s10  }
0x32: {  	s10 =	sld [smem:$0x3FAB];
	_ =	sdelay $0x3  }
0x33: {  	p0 =	seq.s32 s10, $0x1;
	s10 =	sld [smem:$0x3FAD];
	_ =	sdelay $0x3  }
0x34: {  	[smem:$0x3FAD] =	sst s10  }
0x35: {  	s10 =	sld [smem:$0x3FAC];
	_ =	sdelay $0x3  }
0x36: {  	p1 =	seq.s32 s10, $0x1;
	s10 =	sld [smem:$0x3FAD];
	_ =	sdelay $0x3  }
0x37: {  	[smem:$0x3FAD] =	sst s10  }
0x38: {  	s10 =	sld [smem:$0x3FAE]  }
0x39: {  	_ = 	snop;
	(pc) =	sbr.ind lr, $3  }
0x3a: {  	_ = 	snop  }
0x3b: {  	_ = 	snop  }
0x3c: {  	p2 =	seq.s32 s10, $0x1;
	s10 =	sld [smem:$0x3FAD]  }
0x3d: {  	_ =	shalt  }
0x3e: {  	_ =	shalt  }
0x3f: {  	_ =	shalt  }
0x40: {  	_ =	shalt  }
0x41: {  	_ =	shalt  }
0x42: {  	_ =	shalt  }
0x43: {  	_ =	shalt  }
0x44: {  	_ =	shalt  }
0x45: {  	_ =	shalt  }
0x46: {  	_ =	shalt  }
0x47: {  	_ =	shalt  }
0x48: {  	_ =	shalt  }
0x49: {  	_ =	shalt  }
0x4a: {  	_ =	shalt  }
0x4b: {  	_ =	shalt  }
0x4c: {  	_ =	shalt  }
0x4d: {  	_ =	shalt  }
0x4e: {  	_ =	shalt  }
0x4f: {  	_ =	shalt  }
0x50: {  	_ =	shalt  }
0x51: {  	_ =	shalt  }
0x52: {  	_ =	shalt  }
0x53: {  	_ =	shalt  }
0x54: {  	_ =	shalt  }
0x55: {  	_ =	shalt  }
0x56: {  	_ =	shalt  }
0x57: {  	_ =	shalt  }
0x58: {  	_ =	shalt  }
0x59: {  	_ =	shalt  }
0x5a: {  	_ =	shalt  }
0x5b: {  	_ =	shalt  }
0x5c: {  	_ =	shalt  }
0x5d: {  	_ =	shalt  }
0x5e: {  	_ =	shalt  }
0x5f: {  	_ =	shalt  }
0x60: {  	_ =	shalt  }
0x61: {  	_ =	shalt  }
0x62: {  	_ =	shalt  }
0x63: {  	_ =	shalt  }
0x64: {  	_ =	shalt  }
0x65: {  	_ =	shalt  }
0x66: {  	_ =	shalt  }
0x67: {  	_ =	shalt  }
0x68: {  	_ =	shalt  }
0x69: {  	_ =	shalt  }
0x6a: {  	_ =	shalt  }
0x6b: {  	_ =	shalt  }
0x6c: {  	_ =	shalt  }
0x6d: {  	_ =	shalt  }
0x6e: {  	_ =	shalt  }
0x6f: {  	_ =	shalt  }
0x70: {  	_ =	shalt  }
0x71: {  	_ =	shalt  }
0x72: {  	_ =	shalt  }
0x73: {  	_ =	shalt  }
0x74: {  	_ =	shalt  }
0x75: {  	_ =	shalt  }
0x76: {  	_ =	shalt  }
0x77: {  	_ =	shalt  }
0x78: {  	_ =	shalt  }
0x79: {  	_ =	shalt  }
0x7a: {  	_ =	shalt  }
0x7b: {  	_ =	shalt  }
0x7c: {  	_ =	shalt  }
0x7d: {  	_ =	shalt  }
0x7e: {  	_ =	shalt  }
0x7f: {  	_ =	shalt  }
0x80: {  	_ =	shalt  }
0x81: {  	_ =	shalt  }
0x82: {  	_ =	shalt  }
0x83: {  	_ =	shalt  }
0x84: {  	_ =	shalt  }
0x85: {  	_ =	shalt  }
0x86: {  	_ =	shalt  }
0x87: {  	_ =	shalt  }
.Lfunc_end0:
.L_simem_size_0:
called_computation.1_lowered:
.L_overlay_start_0:
0x88: {  	s2 =	sld [smem:$0x3FD9]  }
0x89: {  	s3 =	sld [smem:$0x3FFE];
	_ =	sdelay $0x1  }
0x8a: {  	s1 =	srdreg.scid  }
0x8b: {  	s0 =	sand.u32 $0x1, s1  }
0x8c: {  	s16 =	sshll.u32 s0, $0xA;
	s2 =	sadd.s32 s3, s2  }
0x8d: {  	s2 =	sadd.s32 s2, s16  }
0x8e: {  	[smem:$0x3FB9] =	sst s2  }
0x8f: {  	_ = 	snop  }
0x90: {  	(tm) =	ssettm $0x1  }
0x91: {  	s17 =	sld [smem:$0x3FFB];
	_ =	sdelay $0x3  }
0x92: {  	_ =	strace s17  }
0x93: {  	s2 =	sld [smem:$0x3FFC];
	_ =	sdelay $0x3  }
0x94: {  	_ =	strace s2  }
0x95: {  	s2 =	sld [smem:$0x3FFD];
	_ =	sdelay $0x3  }
0x96: {  	_ =	strace s2  }
0x97: {  	_ =	strace $0x8FFFFFFF  }
0x98: {  	s18 =	sld [smem:$0x3FDB];
	_ =	sdelay $0x1  }
0x99: {  	s19 =	simm.s32 $_scs_section_size  }
0x9a: {  	s4 =	simm.s32 $_size__tile_overlayer_lowered;
	s5 =	simm.s32 $_tile_overlayer_lowered  }
0x9b: {  	s22 =	simm.s32 $0x1BFF;
	s21 =	sshll.u32 s5, $0x1;
	s2 =	sadd.s32 s19, s18  }
0x9c: {  	s6 =	simm.s32 $0x0;
	s20 =	sshll.u32 s4, $0x1;
	s4 =	sadd.s32 s21, s2  }
0x9d: {  	[timem:s6], [sflag:s22] =	dma.local [hbm:s4], s20  }
0x9e: {  	_ =	swait.ge [sflag:s22], s20  }
0x9f: {  	s3 =	ssub.s32 $0x0, s20;
	[sflag:s22] =	ssyncset.done $0x0  }
0xa0: {  	[sflag:s22] =	ssyncadd.s32 s3;
	_ =	sdelay $0x1  }
0xa1: {  	s23 =	simm.s32 $0x1B8B  }
0xa2: {  	_ =	swait.ge [sflag:s23], $0x1  }
0xa3: {  	[sflag:s23] =	ssyncset.done $0x0  }
0xa4: {  	s25 =	simm.s32 $0x1B8E;
	s24 =	sld [smem:$0x3FFE];
	[sflag:s23] =	ssyncadd.s32 $0xFFFFFFFF  }
0xa5: {  	s26 =	simm.s32 $execute0_lowered;
	[smem:$0x3FD2] =	sst s25  }
0xa6: {  	s4 =	sshll.u32 s26, $0x1;
	_ =	strace $0x80000049;
	[dreg:$0x1] =	wrdreg $0xFFFFFFFF  }
0xa7: {  	s28 =	simm.s32 $_size_execute0_lowered;
	s2 =	sadd.s32 s2, s4;
	[dreg:$0x0] =	wrdreg $0x0  }
0xa8: {  	s4 =	sshll.u32 s28, $0x1;
	[dreg:$0x2] =	wrdreg s2  }
0xa9: {  	[dreg:$0x3] =	wrdreg s4  }
0xaa: {  	[dreg:$0x4] =	wrdreg $0xC0  }
0xab: {  	_ =	task [dreg:s6], $0x5FFFF  }
0xac: {  	[dreg:$0x1] =	wrdreg $0xFFFFFFFF  }
0xad: {  	[dreg:$0x0] =	wrdreg $0x60  }
0xae: {  	[dreg:$0x2] =	wrdreg s24  }
0xaf: {  	[dreg:$0x3] =	wrdreg $0x90000  }
0xb0: {  	[dreg:$0x4] =	wrdreg $0x9  }
0xb1: {  	_ =	task.clear_ibuf [dreg:s6], $0x5FFFF;
	_ =	strace $0x90000049  }
0xb2: {  	s29 =	simm.s32 $0x9;
	_ =	strace $0x8000004B  }
0xb3: {  	_ =	swait.ge [sflag:s29], $0x1  }
0xb4: {  	[sflag:s29] =	ssyncadd.s32 $0xFFFFFFFF  }
0xb5: {  	_ =	strace $0x9000004B  }
0xb6: {  	_ =	sfence  }
0xb7: {  	s30 =	sld [smem:$0x0];
	_ =	sdelay $0x2  }
0xb8: {  	s31 =	sshll.u32 s1, $0xD;
	s1 =	sshrl.u32 s1, $0x2  }
0xb9: {  	s3 =	sand.u32 $0x4000, s31;
	s1 =	sadd.s32 s1, s30  }
0xba: {  	s0 =	sor.u32 s3, s0;
	s1 =	sshll.u32 s1, $0x11  }
0xbb: {  	s0 =	sor.u32 s1, s0  }
0xbc: {  	s0 =	sadd.s32 $0x8F2B, s0  }
0xbd: {  	[sflag:s0] =	ssyncadd.remote.s32 $0x1  }
0xbe: {  	_ =	sfence.sel $0xFFFF  }
0xbf: {  	[dreg:$0x0] =	wrdreg $0xFFFFFFFF;
	(pc) =	sbr.abs _section_cstart, $3  }
0xc0: {  	[dreg:$0x1] =	wrdreg $0xFFFFFFFF  }
0xc1: {  	_ =	task.clear_ibuf [dreg:s6], $0x2FFFF;
	_ =	strace $0x9FFFFFFF  }
0xc2: {  	(tm) =	ssettm $0x7FFFFFFF  }
0xc3: {  	_ =	shalt  }
tec
execute0_lowered:
.L_overlay_start_1:
0x0: {  	(tag) =	ssettag $0x1  }
0x1: {  	s6 =	rddreg [dreg:$0x0]  }
0x2: {  	s0 =	srdreg.scid;
	s2 =	rddreg [dreg:$0x1];
	s3 =	simm.s32 $0x0  }
0x3: {  	s14 =	simm.s32 $0x5000;
	s15 =	simm.s32 $0x1;
	s5 =	sand.u32 $0x1, s0  }
0x4: {  	s16 =	simm.s32 $0x2800;
	s0 =	stileid.u32;
	s8 =	smul.u32 $0x140000, s5  }
0x5: {  	s17 =	simm.s32 $0x80;
	[smem:$0x7FF] =	sst s3;
	s9 =	smul.u32 $0x14000, s0  }
0x6: {  	s4 =	sadd.s32 $0xE800, s6;
	s1 =	sshll.u32 s5, $0x4;
	s10 =	smul.u32 $0x50000, s0  }
0x7: {  	s5 =	ssub.s32 $0x2, s5;
	s18 =	sshll.u32 s0, $0x6;
	s1 =	sor.u32 s0, s1  }
0x8: {  	s31 =	sshrl.u32 s5, $0x1;
	s18 =	sor.u32 $0x1C01, s18;
	s7 =	smul.u32 $0x500, s1  }
0x9: {  	s1 =	rddreg [dreg:$0x2];
	_ =	strace $0x8000004A;
	s8 =	sadd.s32 s9, s8  }
0xa: {  	s10 =	sshrl.u32 s10, $0x2;
	s9 =	ssub.s32 s5, s31;
	s8 =	sshrl.u32 s8, $0x3  }
0xb: {  	s5 =	sadd.s32 s10, s2;
	s9 =	smax.u32 s9, $0x1;
	s7 =	sadd.s32 s7, s6  }
0xc: {  	s8 =	sadd.s32 s8, s6;
	s10 =	sadd.s32 $0x4000, s5;
	s11 =	sadd.s32 $0x8000, s5  }
0xd: {  	s12 =	sadd.s32 $0xC000, s5;
	s13 =	sadd.s32 $0x10000, s5;
	s19 =	sshrl.u32 s5, $0x3  }
0xe: {  	v0 =	vimm.f32 $0.0e+00;
	s6 =	sadd.s32 $0x5E800, s7;
	s7 =	sadd.s32 $0x4800, s7;
	s8 =	sadd.s32 $0x68800, s8  }
.LBB2_1:
0xf: {  	s20 =	simm.s32 $0x0;
	s21 =	simm.s32 $0x200  }
.LBB2_2:
0x10: {  	p0 =	sne.s32 s21, $0xFE00;
	[tilespmem:s20+$0x5070] =	vst v0  }
0x11: {  	[tilespmem:s20+$0x5000] =	vst v0  }
0x12: {  	[tilespmem:s20+$0x5010] =	vst v0  }
.Ltmp0:
0x13: {  	[tilespmem:s20+$0x5020] =	vst v0;
	(pc) =	sbr.rel @p0 .LBB2_2-.Ltmp0, $4  }
0x14: {  	[tilespmem:s20+$0x5030] =	vst v0  }
0x15: {  	[tilespmem:s20+$0x5040] =	vst v0  }
0x16: {  	[tilespmem:s20+$0x5050] =	vst v0  }
0x17: {  	[tilespmem:s20+$0x5060] =	vst v0;
	s20 =	sshra.s32 s21, $0x2;
	s21 =	sadd.s32 $0x200, s21  }
0x18: {  	[tilespmem:s20+$0x5070] =	vst v0  }
0x19: {  	[tilespmem:s20+$0x5000] =	vst v0  }
0x1a: {  	[tilespmem:s20+$0x5010] =	vst v0  }
0x1b: {  	[tilespmem:s20+$0x5020] =	vst v0  }
0x1c: {  	[tilespmem:s20+$0x5030] =	vst v0  }
0x1d: {  	[tilespmem:s20+$0x5040] =	vst v0  }
0x1e: {  	[tilespmem:s20+$0x5050] =	vst v0  }
0x1f: {  	[tilespmem:s20+$0x5060] =	vst v0  }
0x20: {  	[spmem:s5] =	stream.linear.scatter [tilespmem:s14], [sflag:$0x1], $0x4000, $0x38;
	[tilespmem:$0x1D000] =	vst v63  }
0x21: {  	_ =	swait.ge [sflag:s15], $0x4000  }
0x22: {  	[sflag:s15] =	ssyncset.done $0x0  }
0x23: {  	[sflag:s15] =	ssyncadd.s32 $0xFFFFC000  }
0x24: {  	[spmem:s10] =	stream.linear.scatter [tilespmem:s14], [sflag:$0x1], $0x4000, $0x38;
	[tilespmem:$0x1D000] =	vst v63  }
0x25: {  	_ =	swait.ge [sflag:s15], $0x4000  }
0x26: {  	[sflag:s15] =	ssyncset.done $0x0  }
0x27: {  	[sflag:s15] =	ssyncadd.s32 $0xFFFFC000  }
0x28: {  	[spmem:s11] =	stream.linear.scatter [tilespmem:s14], [sflag:$0x1], $0x4000, $0x38;
	[tilespmem:$0x1D000] =	vst v63  }
0x29: {  	_ =	swait.ge [sflag:s15], $0x4000  }
0x2a: {  	[sflag:s15] =	ssyncset.done $0x0  }
0x2b: {  	[sflag:s15] =	ssyncadd.s32 $0xFFFFC000  }
0x2c: {  	[spmem:s12] =	stream.linear.scatter [tilespmem:s14], [sflag:$0x1], $0x4000, $0x38;
	[tilespmem:$0x1D000] =	vst v63  }
0x2d: {  	_ =	swait.ge [sflag:s15], $0x4000  }
0x2e: {  	[sflag:s15] =	ssyncset.done $0x0  }
0x2f: {  	[sflag:s15] =	ssyncadd.s32 $0xFFFFC000  }
0x30: {  	[spmem:s13] =	stream.linear.scatter [tilespmem:s14], [sflag:$0x1], $0x4000, $0x38;
	[tilespmem:$0x1D000] =	vst v63  }
0x31: {  	_ =	swait.ge [sflag:s15], $0x4000  }
0x32: {  	[sflag:s15] =	ssyncset.done $0x0  }
0x33: {  	[sflag:s15] =	ssyncadd.s32 $0xFFFFC000  }
0x34: {  	s29 =	simm.s32 $0x0;
	[bflag:$0x0] =	sbarrier.arrive $0xFFFF  }
0x35: {  	[tilespmem:s29], [sflag:$0x1] =	stream.linear.gather [hbm4b:s6+s29], $0x2800, $0x38;
	[tilespmem:$0x1D000] =	vst v63  }
0x36: {  	_ =	swait.ge [sflag:s15], $0x2800  }
0x37: {  	[sflag:s15] =	ssyncset.done $0x0  }
0x38: {  	[sflag:s15] =	ssyncadd.s32 $0xFFFFD800  }
0x39: {  	[tilespmem:s16], [sflag:$0x1] =	stream.linear.gather [hbm4b:s7+s29], $0x2800, $0x38;
	[tilespmem:$0x1D000] =	vst v63  }
0x3a: {  	_ =	swait.ge [sflag:s15], $0x2800  }
0x3b: {  	[sflag:s15] =	ssyncset.done $0x0  }
0x3c: {  	s30 =	simm.s32 $0x0;
	[sflag:s15] =	ssyncadd.s32 $0xFFFFD800  }
0x3d: {  	[tilespmem:s14], [sflag:$0x1] =	stream.indirect.gather [hbm4b:s4+s17], $0x80, s30, s17, $0xb8;
	[tilespmem:$0x1D000] =	vst v63  }
0x3e: {  	_ =	swait.ge [sflag:s15], $0x4000  }
0x3f: {  	[sflag:s15] =	ssyncset.done $0x0  }
0x40: {  	s31 =	simm.s32 $0x2800;
	[sflag:s15] =	ssyncadd.s32 $0xFFFFC000  }
0x41: {  	[spmem:s2] =	stream.indirect.scatter.add.f32 [tilespmem:s14], [sflag:$0x1], $0x80, s31, s17, $0xb8;
	[tilespmem:$0x1D000] =	vst v63  }
0x42: {  	_ =	swait.ge [sflag:s15], $0x4000  }
0x43: {  	s20 =	simm.s32 $0x200;
	s21 =	simm.s32 $0x400;
	[sflag:s15] =	ssyncset.done $0x0  }
.LBB2_4:
0x44: {  	s22 =	sshra.s32 s20, $0x2  }
0x45: {  	[sflag:s15] =	ssyncadd.s32 $0xFFFFC000;
	s20 =	smov.u32 s21;
	s23 =	sadd.s32 $0x200, s21  }
0x46: {  	[tilespmem:s14], [sflag:$0x1] =	stream.indirect.gather [hbm4b:s4+s17], $0x80, s22, s17, $0xb8;
	[tilespmem:$0x1D000] =	vst v63  }
0x47: {  	p0 =	sne.s32 s21, $0x9E00;
	_ =	swait.ge [sflag:s15], $0x4000  }
.Ltmp1:
0x48: {  	[sflag:s15] =	ssyncset.done $0x0;
	(pc) =	sbr.rel @p0 .LBB2_4-.Ltmp1, $4  }
0x49: {  	s21 =	sadd.s32 $0x2800, s22;
	[sflag:s15] =	ssyncadd.s32 $0xFFFFC000  }
0x4a: {  	[spmem:s2] =	stream.indirect.scatter.add.f32 [tilespmem:s14], [sflag:$0x1], $0x80, s21, s17, $0xb8;
	[tilespmem:$0x1D000] =	vst v63  }
0x4b: {  	_ =	swait.ge [sflag:s15], $0x4000  }
0x4c: {  	s21 =	smov.u32 s23;
	[sflag:s15] =	ssyncset.done $0x0  }
0x4d: {  	s20 =	sshra.s32 s20, $0x2;
	[sflag:s15] =	ssyncadd.s32 $0xFFFFC000  }
0x4e: {  	[tilespmem:s14], [sflag:$0x1] =	stream.indirect.gather [hbm4b:s4+s17], $0x80, s20, s17, $0xb8;
	[tilespmem:$0x1D000] =	vst v63  }
0x4f: {  	_ =	swait.ge [sflag:s15], $0x4000  }
0x50: {  	[sflag:s15] =	ssyncset.done $0x0  }
0x51: {  	s20 =	sadd.s32 $0x2800, s20;
	[sflag:s15] =	ssyncadd.s32 $0xFFFFC000  }
0x52: {  	[spmem:s2] =	stream.indirect.scatter.add.f32 [tilespmem:s14], [sflag:$0x1], $0x80, s20, s17, $0xb8;
	[tilespmem:$0x1D000] =	vst v63  }
0x53: {  	_ =	swait.ge [sflag:s15], $0x4000  }
0x54: {  	s3 =	sadd.s32 $0x1, s3;
	[sflag:s15] =	ssyncset.done $0x0  }
0x55: {  	p0 =	sne.s32 s3, s9;
	[sflag:s15] =	ssyncadd.s32 $0xFFFFC000  }
.Ltmp2:
0x56: {  	[bflag:$0x0] =	sbarrier.arrive $0xFFFF;
	(pc) =	sbr.rel @p0 .LBB2_1-.Ltmp2, $4  }
0x57: {  	[hbm:s8], [sflag:s18] =	dma.local [spmem:s19], $0x2800  }
0x58: {  	_ =	swait.ge [sflag:s15], $0x2800  }
0x59: {  	[sflag:s15] =	ssyncset.done $0x0  }
0x5a: {  	[sflag:s15] =	ssyncadd.s32 $0xFFFFD800  }
0x5b: {  	_ =	sfence.sel $0x180000  }
0x5c: {  	[bflag:$0x0] =	sbarrier.arrive $0xFFFF  }
0x5d: {  	p0 =	sne.s32 s0, $0x0;
	_ =	strace $0x9000004A  }
0x5e: {  	s0 =	sadd.s32 @!p0 $0x100000, s1;
	[bflag:$0x2] =	sbarrier.arrive $0xFFFF  }
0x5f: {  	[sflag:s0] =	ssyncadd.tile.s32 @!p0 $0x1;
	_ =	shalt  }
.Lfunc_end2:
_tile_overlayer_lowered:
.L_overlay_start_2:
0x60: {  	(tag) =	ssettag $0x2  }
0x61: {  	s0 =	rddreg [dreg:$0x0];
	s2 =	stileid.u32  }
0x62: {  	s1 =	rddreg [dreg:$0x1];
	p0 =	sne.s32 s2, $0x0  }
0x63: {  	s3 =	rddreg [dreg:$0x2];
	[bflag:$0x3] =	sbarrier.arrive $0xFFFF;
	s2 =	simm.s32 @!p0 $0x1C01  }
0x64: {  	[timem:s3], [sflag:s2] =	dma.local @!p0 [hbm:s0], s1  }
0x65: {  	s0 =	simm.s32 @!p0 $0x1  }
0x66: {  	_ =	swait.ge @!p0 [sflag:s0], s1  }
0x67: {  	s1 =	ssub.s32 @!p0 $0x0, s1;
	[sflag:s0] =	ssyncset.done @!p0 $0x0  }
0x68: {  	[sflag:s0] =	ssyncadd.s32 @!p0 s1  }
0x69: {  	[bflag:$0x3] =	sbarrier.arrive $0xFFFF  }
0x6a: {  	_ =	shalt  }

// kernel: kernel.20.cloned.1.call-start
scs
__scs_entry_jumppad:
0x0: {  	(pc) =	sbr.rel $0x88, $3  }
0x1: {  	(tag) =	ssettag $0x0;
	lr =	simm.s32 $0x1  }
0x2: {  	[smem:$0x3F92] =	sst lr;
	_ =	strace $0xD0000000  }
0x3: {  	_ = 	snop  }
0x4: {  	_ = 	snop  }
0x5: {  	_ = 	snop  }
0x6: {  	_ = 	snop  }
0x7: {  	_ = 	snop  }
__scs_overlays_trampoline_lowered:
0x8: {  	[smem:$0x3FA1] =	sst s0  }
0x9: {  	[smem:$0x3FA2] =	sst s1  }
0xa: {  	[smem:$0x3FA3] =	sst s2  }
0xb: {  	[smem:$0x3FA4] =	sst s3  }
0xc: {  	[smem:$0x3FA5] =	sst s4  }
0xd: {  	[smem:$0x3FA6] =	sst s5  }
0xe: {  	[smem:$0x3FA7] =	sst s6  }
0xf: {  	[smem:$0x3FA8] =	sst s7  }
0x10: {  	[smem:$0x3FA9] =	sst s8  }
0x11: {  	[smem:$0x3FAA] =	sst s9;
	s0 =	simm.s32 @!p0 $0x0  }
0x12: {  	s1 =	sld [smem:$0x3F90];
	s0 =	simm.s32 @p0 $0x1  }
0x13: {  	[smem:$0x3FAB] =	sst s0;
	s0 =	simm.s32 @!p1 $0x0  }
0x14: {  	s2 =	sld [smem:$0x3F8F];
	s0 =	simm.s32 @p1 $0x1  }
0x15: {  	[smem:$0x3FAC] =	sst s0;
	s0 =	simm.s32 @!p2 $0x0  }
0x16: {  	s3 =	sld [smem:$0x3FDB];
	s0 =	simm.s32 @p2 $0x1  }
0x17: {  	s4 =	simm.s32 $0x1BF5;
	[smem:$0x3FAE] =	sst s0  }
0x18: {  	s0 =	sld [smem:$0x3F91];
	_ =	swait.ge [sflag:s4], $0x0  }
0x19: {  	s7 =	sld [smem:$0x3F92]  }
0x1a: {  	s8 =	sadd.s32 $0xFFFFE003, lr  }
0x1b: {  	s9 =	sadd.s32 $0xFFFFFEF7, lr;
	s5 =	simm.s32 $0xFFFFFFFF;
	p2 =	slt.u32 s8, $0xFFFFF086  }
0x1c: {  	p1 =	slt.u32 s9, $0xF7A;
	s5 =	simm.s32 @!p2 $0x0  }
0x1d: {  	s5 =	simm.s32 @p1 $0x1;
	p0 =	seq.s32 s7, s2  }
0x1e: {  	s7 =	smul.u32 @!p0 $0xF7A, s2;
	p2 =	seq.s32 @!p0 s5, $0x0  }
0x1f: {  	s9 =	smul.u32 $0xF7A, s1;
	s8 =	simm.s32 @!p0 $0x1BF5;
	p2 =	por !p2, p0  }
0x20: {  	[sflag:s8] =	ssyncset.s32 @!p0 $0xFFFFF086;
	s6 =	sadd.s32 @!p0 s3, s7;
	s7 =	simm.s32 @!p0 $0x108  }
0x21: {  	s3 =	sadd.s32 s3, s9;
	s6 =	sadd.s32 @!p0 $0x88, s6;
	s7 =	simm.s32 @p2 $0x1082  }
0x22: {  	[simem:s7], [sflag:s8] =	dma.local @!p0 [hbm:s6], $0xF7A  }
0x23: {  	s9 =	sor.u32 $0xD0000000, s2;
	s6 =	simm.s32 $0x108;
	_ =	swait.ge @!p0 [sflag:s8], $0x0  }
0x24: {  	s3 =	sadd.s32 $0x88, s3;
	s6 =	simm.s32 @!p1 $0x1082;
	[sflag:s4] =	ssyncset.s32 $0xFFFFF086  }
0x25: {  	[simem:s6], [sflag:s4] =	dma.local [hbm:s3], $0xF7A  }
0x26: {  	[smem:$0x3F92] =	sst s1;
	(tag) =	ssettag s2;
	_ =	strace s9  }
0x27: {  	s1 =	sld [smem:$0x3FA2]  }
0x28: {  	s2 =	sld [smem:$0x3FA3]  }
0x29: {  	s4 =	sld [smem:$0x3FA5]  }
0x2a: {  	p0 =	seq.s32 s5, $0x0;
	s5 =	sld [smem:$0x3FA6]  }
0x2b: {  	s6 =	sld [smem:$0x3FA7]  }
0x2c: {  	s7 =	sld [smem:$0x3FA8]  }
0x2d: {  	s3 =	simm.s32 $0x108;
	s8 =	sld [smem:$0x3FA9]  }
0x2e: {  	s3 =	simm.s32 @!p0 $0x1082;
	s9 =	sld [smem:$0x3FAA]  }
0x2f: {  	lr =	sadd.s32 s0, s3;
	s0 =	sld [smem:$0x3FA1]  }
0x30: {  	s3 =	sld [smem:$0x3FA4]  }
0x31: {  	[smem:$0x3FAD] =	sst s10  }
0x32: {  	s10 =	sld [smem:$0x3FAB];
	_ =	sdelay $0x3  }
0x33: {  	p0 =	seq.s32 s10, $0x1;
	s10 =	sld [smem:$0x3FAD];
	_ =	sdelay $0x3  }
0x34: {  	[smem:$0x3FAD] =	sst s10  }
0x35: {  	s10 =	sld [smem:$0x3FAC];
	_ =	sdelay $0x3  }
0x36: {  	p1 =	seq.s32 s10, $0x1;
	s10 =	sld [smem:$0x3FAD];
	_ =	sdelay $0x3  }
0x37: {  	[smem:$0x3FAD] =	sst s10  }
0x38: {  	s10 =	sld [smem:$0x3FAE]  }
0x39: {  	_ = 	snop;
	(pc) =	sbr.ind lr, $3  }
0x3a: {  	_ = 	snop  }
0x3b: {  	_ = 	snop  }
0x3c: {  	p2 =	seq.s32 s10, $0x1;
	s10 =	sld [smem:$0x3FAD]  }
0x3d: {  	_ =	shalt  }
0x3e: {  	_ =	shalt  }
0x3f: {  	_ =	shalt  }
0x40: {  	_ =	shalt  }
0x41: {  	_ =	shalt  }
0x42: {  	_ =	shalt  }
0x43: {  	_ =	shalt  }
0x44: {  	_ =	shalt  }
0x45: {  	_ =	shalt  }
0x46: {  	_ =	shalt  }
0x47: {  	_ =	shalt  }
0x48: {  	_ =	shalt  }
0x49: {  	_ =	shalt  }
0x4a: {  	_ =	shalt  }
0x4b: {  	_ =	shalt  }
0x4c: {  	_ =	shalt  }
0x4d: {  	_ =	shalt  }
0x4e: {  	_ =	shalt  }
0x4f: {  	_ =	shalt  }
0x50: {  	_ =	shalt  }
0x51: {  	_ =	shalt  }
0x52: {  	_ =	shalt  }
0x53: {  	_ =	shalt  }
0x54: {  	_ =	shalt  }
0x55: {  	_ =	shalt  }
0x56: {  	_ =	shalt  }
0x57: {  	_ =	shalt  }
0x58: {  	_ =	shalt  }
0x59: {  	_ =	shalt  }
0x5a: {  	_ =	shalt  }
0x5b: {  	_ =	shalt  }
0x5c: {  	_ =	shalt  }
0x5d: {  	_ =	shalt  }
0x5e: {  	_ =	shalt  }
0x5f: {  	_ =	shalt  }
0x60: {  	_ =	shalt  }
0x61: {  	_ =	shalt  }
0x62: {  	_ =	shalt  }
0x63: {  	_ =	shalt  }
0x64: {  	_ =	shalt  }
0x65: {  	_ =	shalt  }
0x66: {  	_ =	shalt  }
0x67: {  	_ =	shalt  }
0x68: {  	_ =	shalt  }
0x69: {  	_ =	shalt  }
0x6a: {  	_ =	shalt  }
0x6b: {  	_ =	shalt  }
0x6c: {  	_ =	shalt  }
0x6d: {  	_ =	shalt  }
0x6e: {  	_ =	shalt  }
0x6f: {  	_ =	shalt  }
0x70: {  	_ =	shalt  }
0x71: {  	_ =	shalt  }
0x72: {  	_ =	shalt  }
0x73: {  	_ =	shalt  }
0x74: {  	_ =	shalt  }
0x75: {  	_ =	shalt  }
0x76: {  	_ =	shalt  }
0x77: {  	_ =	shalt  }
0x78: {  	_ =	shalt  }
0x79: {  	_ =	shalt  }
0x7a: {  	_ =	shalt  }
0x7b: {  	_ =	shalt  }
0x7c: {  	_ =	shalt  }
0x7d: {  	_ =	shalt  }
0x7e: {  	_ =	shalt  }
0x7f: {  	_ =	shalt  }
0x80: {  	_ =	shalt  }
0x81: {  	_ =	shalt  }
0x82: {  	_ =	shalt  }
0x83: {  	_ =	shalt  }
0x84: {  	_ =	shalt  }
0x85: {  	_ =	shalt  }
0x86: {  	_ =	shalt  }
0x87: {  	_ =	shalt  }
.Lfunc_end0:
.L_simem_size_0:
called_computation.2_lowered:
.L_overlay_start_0:
0x88: {  	s2 =	sld [smem:$0x3FD9]  }
0x89: {  	s3 =	sld [smem:$0x3FFE];
	_ =	sdelay $0x1  }
0x8a: {  	s1 =	srdreg.scid  }
0x8b: {  	s0 =	sand.u32 $0x1, s1  }
0x8c: {  	s16 =	sshll.u32 s0, $0xA;
	s2 =	sadd.s32 s3, s2  }
0x8d: {  	s2 =	sadd.s32 s2, s16  }
0x8e: {  	[smem:$0x3FB9] =	sst s2  }
0x8f: {  	_ = 	snop  }
0x90: {  	(tm) =	ssettm $0x1  }
0x91: {  	s17 =	sld [smem:$0x3FFB];
	_ =	sdelay $0x3  }
0x92: {  	_ =	strace s17  }
0x93: {  	s2 =	sld [smem:$0x3FFC];
	_ =	sdelay $0x3  }
0x94: {  	_ =	strace s2  }
0x95: {  	s2 =	sld [smem:$0x3FFD];
	_ =	sdelay $0x3  }
0x96: {  	_ =	strace s2  }
0x97: {  	_ =	strace $0x8FFFFFFF  }
0x98: {  	s18 =	sld [smem:$0x3FDB];
	_ =	sdelay $0x1  }
0x99: {  	s19 =	simm.s32 $_scs_section_size  }
0x9a: {  	s4 =	simm.s32 $_size__tile_overlayer_lowered;
	s5 =	simm.s32 $_tile_overlayer_lowered  }
0x9b: {  	s22 =	simm.s32 $0x1BFF;
	s21 =	sshll.u32 s5, $0x1;
	s2 =	sadd.s32 s19, s18  }
0x9c: {  	s6 =	simm.s32 $0x0;
	s20 =	sshll.u32 s4, $0x1;
	s4 =	sadd.s32 s21, s2  }
0x9d: {  	[timem:s6], [sflag:s22] =	dma.local [hbm:s4], s20  }
0x9e: {  	_ =	swait.ge [sflag:s22], s20  }
0x9f: {  	s3 =	ssub.s32 $0x0, s20;
	[sflag:s22] =	ssyncset.done $0x0  }
0xa0: {  	[sflag:s22] =	ssyncadd.s32 s3;
	_ =	sdelay $0x1  }
0xa1: {  	s23 =	simm.s32 $0x1B8B  }
0xa2: {  	_ =	swait.ge [sflag:s23], $0x1  }
0xa3: {  	[sflag:s23] =	ssyncset.done $0x0  }
0xa4: {  	s25 =	simm.s32 $0x1B8E;
	s24 =	sld [smem:$0x3FFE];
	[sflag:s23] =	ssyncadd.s32 $0xFFFFFFFF  }
0xa5: {  	s26 =	simm.s32 $execute0_lowered;
	[smem:$0x3FD2] =	sst s25  }
0xa6: {  	s4 =	sshll.u32 s26, $0x1;
	_ =	strace $0x8000004C;
	[dreg:$0x1] =	wrdreg $0xFFFFFFFF  }
0xa7: {  	s28 =	simm.s32 $_size_execute0_lowered;
	s2 =	sadd.s32 s2, s4;
	[dreg:$0x0] =	wrdreg $0x0  }
0xa8: {  	s4 =	sshll.u32 s28, $0x1;
	[dreg:$0x2] =	wrdreg s2  }
0xa9: {  	[dreg:$0x3] =	wrdreg s4  }
0xaa: {  	[dreg:$0x4] =	wrdreg $0xC0  }
0xab: {  	_ =	task [dreg:s6], $0x5FFFF  }
0xac: {  	[dreg:$0x1] =	wrdreg $0xFFFFFFFF  }
0xad: {  	[dreg:$0x0] =	wrdreg $0x60  }
0xae: {  	[dreg:$0x2] =	wrdreg s24  }
0xaf: {  	[dreg:$0x3] =	wrdreg $0x90000  }
0xb0: {  	[dreg:$0x4] =	wrdreg $0x9  }
0xb1: {  	_ =	task.clear_ibuf [dreg:s6], $0x5FFFF;
	_ =	strace $0x9000004C  }
0xb2: {  	s29 =	simm.s32 $0x9;
	_ =	strace $0x8000004E  }
0xb3: {  	_ =	swait.ge [sflag:s29], $0x1  }
0xb4: {  	[sflag:s29] =	ssyncadd.s32 $0xFFFFFFFF  }
0xb5: {  	_ =	strace $0x9000004E  }
0xb6: {  	_ =	sfence  }
0xb7: {  	s30 =	sld [smem:$0x0];
	_ =	sdelay $0x2  }
0xb8: {  	s31 =	sshll.u32 s1, $0xD;
	s1 =	sshrl.u32 s1, $0x2  }
0xb9: {  	s3 =	sand.u32 $0x4000, s31;
	s1 =	sadd.s32 s1, s30  }
0xba: {  	s0 =	sor.u32 s3, s0;
	s1 =	sshll.u32 s1, $0x11  }
0xbb: {  	s0 =	sor.u32 s1, s0  }
0xbc: {  	s0 =	sadd.s32 $0x8F2B, s0  }
0xbd: {  	[sflag:s0] =	ssyncadd.remote.s32 $0x1  }
0xbe: {  	_ =	sfence.sel $0xFFFF  }
0xbf: {  	[dreg:$0x0] =	wrdreg $0xFFFFFFFF;
	(pc) =	sbr.abs _section_cstart, $3  }
0xc0: {  	[dreg:$0x1] =	wrdreg $0xFFFFFFFF  }
0xc1: {  	_ =	task.clear_ibuf [dreg:s6], $0x2FFFF;
	_ =	strace $0x9FFFFFFF  }
0xc2: {  	(tm) =	ssettm $0x7FFFFFFF  }
0xc3: {  	_ =	shalt  }
tec
execute0_lowered:
.L_overlay_start_1:
0x0: {  	(tag) =	ssettag $0x1  }
0x1: {  	s6 =	rddreg [dreg:$0x0]  }
0x2: {  	s0 =	srdreg.scid;
	s2 =	rddreg [dreg:$0x1];
	s3 =	simm.s32 $0x0  }
0x3: {  	s14 =	simm.s32 $0x5000;
	s15 =	simm.s32 $0x1;
	s5 =	sand.u32 $0x1, s0  }
0x4: {  	s16 =	simm.s32 $0x2800;
	s0 =	stileid.u32;
	s8 =	smul.u32 $0x140000, s5  }
0x5: {  	s17 =	simm.s32 $0x80;
	[smem:$0x7FF] =	sst s3;
	s9 =	smul.u32 $0x14000, s0  }
0x6: {  	s4 =	sadd.s32 $0xE800, s6;
	s1 =	sshll.u32 s5, $0x4;
	s10 =	smul.u32 $0x50000, s0  }
0x7: {  	s5 =	ssub.s32 $0x2, s5;
	s18 =	sshll.u32 s0, $0x6;
	s1 =	sor.u32 s0, s1  }
0x8: {  	s31 =	sshrl.u32 s5, $0x1;
	s18 =	sor.u32 $0x1C01, s18;
	s7 =	smul.u32 $0x500, s1  }
0x9: {  	s1 =	rddreg [dreg:$0x2];
	_ =	strace $0x8000004D;
	s8 =	sadd.s32 s9, s8  }
0xa: {  	s10 =	sshrl.u32 s10, $0x2;
	s9 =	ssub.s32 s5, s31;
	s8 =	sshrl.u32 s8, $0x3  }
0xb: {  	s5 =	sadd.s32 s10, s2;
	s9 =	smax.u32 s9, $0x1;
	s7 =	sadd.s32 s7, s6  }
0xc: {  	s8 =	sadd.s32 s8, s6;
	s10 =	sadd.s32 $0x4000, s5;
	s11 =	sadd.s32 $0x8000, s5  }
0xd: {  	s12 =	sadd.s32 $0xC000, s5;
	s13 =	sadd.s32 $0x10000, s5;
	s19 =	sshrl.u32 s5, $0x3  }
0xe: {  	v0 =	vimm.f32 $0.0e+00;
	s6 =	sadd.s32 $0x5E800, s7;
	s7 =	sadd.s32 $0x4800, s7;
	s8 =	sadd.s32 $0x68800, s8  }
.LBB2_1:
0xf: {  	s20 =	simm.s32 $0x0;
	s21 =	simm.s32 $0x200  }
.LBB2_2:
0x10: {  	p0 =	sne.s32 s21, $0xFE00;
	[tilespmem:s20+$0x5070] =	vst v0  }
0x11: {  	[tilespmem:s20+$0x5000] =	vst v0  }
0x12: {  	[tilespmem:s20+$0x5010] =	vst v0  }
.Ltmp0:
0x13: {  	[tilespmem:s20+$0x5020] =	vst v0;
	(pc) =	sbr.rel @p0 .LBB2_2-.Ltmp0, $4  }
0x14: {  	[tilespmem:s20+$0x5030] =	vst v0  }
0x15: {  	[tilespmem:s20+$0x5040] =	vst v0  }
0x16: {  	[tilespmem:s20+$0x5050] =	vst v0  }
0x17: {  	[tilespmem:s20+$0x5060] =	vst v0;
	s20 =	sshra.s32 s21, $0x2;
	s21 =	sadd.s32 $0x200, s21  }
0x18: {  	[tilespmem:s20+$0x5070] =	vst v0  }
0x19: {  	[tilespmem:s20+$0x5000] =	vst v0  }
0x1a: {  	[tilespmem:s20+$0x5010] =	vst v0  }
0x1b: {  	[tilespmem:s20+$0x5020] =	vst v0  }
0x1c: {  	[tilespmem:s20+$0x5030] =	vst v0  }
0x1d: {  	[tilespmem:s20+$0x5040] =	vst v0  }
0x1e: {  	[tilespmem:s20+$0x5050] =	vst v0  }
0x1f: {  	[tilespmem:s20+$0x5060] =	vst v0  }
0x20: {  	[spmem:s5] =	stream.linear.scatter [tilespmem:s14], [sflag:$0x1], $0x4000, $0x38;
	[tilespmem:$0x1D000] =	vst v63  }
0x21: {  	_ =	swait.ge [sflag:s15], $0x4000  }
0x22: {  	[sflag:s15] =	ssyncset.done $0x0  }
0x23: {  	[sflag:s15] =	ssyncadd.s32 $0xFFFFC000  }
0x24: {  	[spmem:s10] =	stream.linear.scatter [tilespmem:s14], [sflag:$0x1], $0x4000, $0x38;
	[tilespmem:$0x1D000] =	vst v63  }
0x25: {  	_ =	swait.ge [sflag:s15], $0x4000  }
0x26: {  	[sflag:s15] =	ssyncset.done $0x0  }
0x27: {  	[sflag:s15] =	ssyncadd.s32 $0xFFFFC000  }
0x28: {  	[spmem:s11] =	stream.linear.scatter [tilespmem:s14], [sflag:$0x1], $0x4000, $0x38;
	[tilespmem:$0x1D000] =	vst v63  }
0x29: {  	_ =	swait.ge [sflag:s15], $0x4000  }
0x2a: {  	[sflag:s15] =	ssyncset.done $0x0  }
0x2b: {  	[sflag:s15] =	ssyncadd.s32 $0xFFFFC000  }
0x2c: {  	[spmem:s12] =	stream.linear.scatter [tilespmem:s14], [sflag:$0x1], $0x4000, $0x38;
	[tilespmem:$0x1D000] =	vst v63  }
0x2d: {  	_ =	swait.ge [sflag:s15], $0x4000  }
0x2e: {  	[sflag:s15] =	ssyncset.done $0x0  }
0x2f: {  	[sflag:s15] =	ssyncadd.s32 $0xFFFFC000  }
0x30: {  	[spmem:s13] =	stream.linear.scatter [tilespmem:s14], [sflag:$0x1], $0x4000, $0x38;
	[tilespmem:$0x1D000] =	vst v63  }
0x31: {  	_ =	swait.ge [sflag:s15], $0x4000  }
0x32: {  	[sflag:s15] =	ssyncset.done $0x0  }
0x33: {  	[sflag:s15] =	ssyncadd.s32 $0xFFFFC000  }
0x34: {  	s29 =	simm.s32 $0x0;
	[bflag:$0x0] =	sbarrier.arrive $0xFFFF  }
0x35: {  	[tilespmem:s29], [sflag:$0x1] =	stream.linear.gather [hbm4b:s6+s29], $0x2800, $0x38;
	[tilespmem:$0x1D000] =	vst v63  }
0x36: {  	_ =	swait.ge [sflag:s15], $0x2800  }
0x37: {  	[sflag:s15] =	ssyncset.done $0x0  }
0x38: {  	[sflag:s15] =	ssyncadd.s32 $0xFFFFD800  }
0x39: {  	[tilespmem:s16], [sflag:$0x1] =	stream.linear.gather [hbm4b:s7+s29], $0x2800, $0x38;
	[tilespmem:$0x1D000] =	vst v63  }
0x3a: {  	_ =	swait.ge [sflag:s15], $0x2800  }
0x3b: {  	[sflag:s15] =	ssyncset.done $0x0  }
0x3c: {  	s30 =	simm.s32 $0x0;
	[sflag:s15] =	ssyncadd.s32 $0xFFFFD800  }
0x3d: {  	[tilespmem:s14], [sflag:$0x1] =	stream.indirect.gather [hbm4b:s4+s17], $0x80, s30, s17, $0xb8;
	[tilespmem:$0x1D000] =	vst v63  }
0x3e: {  	_ =	swait.ge [sflag:s15], $0x4000  }
0x3f: {  	[sflag:s15] =	ssyncset.done $0x0  }
0x40: {  	s31 =	simm.s32 $0x2800;
	[sflag:s15] =	ssyncadd.s32 $0xFFFFC000  }
0x41: {  	[spmem:s2] =	stream.indirect.scatter.add.f32 [tilespmem:s14], [sflag:$0x1], $0x80, s31, s17, $0xb8;
	[tilespmem:$0x1D000] =	vst v63  }
0x42: {  	_ =	swait.ge [sflag:s15], $0x4000  }
0x43: {  	s20 =	simm.s32 $0x200;
	s21 =	simm.s32 $0x400;
	[sflag:s15] =	ssyncset.done $0x0  }
.LBB2_4:
0x44: {  	s22 =	sshra.s32 s20, $0x2  }
0x45: {  	[sflag:s15] =	ssyncadd.s32 $0xFFFFC000;
	s20 =	smov.u32 s21;
	s23 =	sadd.s32 $0x200, s21  }
0x46: {  	[tilespmem:s14], [sflag:$0x1] =	stream.indirect.gather [hbm4b:s4+s17], $0x80, s22, s17, $0xb8;
	[tilespmem:$0x1D000] =	vst v63  }
0x47: {  	p0 =	sne.s32 s21, $0x9E00;
	_ =	swait.ge [sflag:s15], $0x4000  }
.Ltmp1:
0x48: {  	[sflag:s15] =	ssyncset.done $0x0;
	(pc) =	sbr.rel @p0 .LBB2_4-.Ltmp1, $4  }
0x49: {  	s21 =	sadd.s32 $0x2800, s22;
	[sflag:s15] =	ssyncadd.s32 $0xFFFFC000  }
0x4a: {  	[spmem:s2] =	stream.indirect.scatter.add.f32 [tilespmem:s14], [sflag:$0x1], $0x80, s21, s17, $0xb8;
	[tilespmem:$0x1D000] =	vst v63  }
0x4b: {  	_ =	swait.ge [sflag:s15], $0x4000  }
0x4c: {  	s21 =	smov.u32 s23;
	[sflag:s15] =	ssyncset.done $0x0  }
0x4d: {  	s20 =	sshra.s32 s20, $0x2;
	[sflag:s15] =	ssyncadd.s32 $0xFFFFC000  }
0x4e: {  	[tilespmem:s14], [sflag:$0x1] =	stream.indirect.gather [hbm4b:s4+s17], $0x80, s20, s17, $0xb8;
	[tilespmem:$0x1D000] =	vst v63  }
0x4f: {  	_ =	swait.ge [sflag:s15], $0x4000  }
0x50: {  	[sflag:s15] =	ssyncset.done $0x0  }
0x51: {  	s20 =	sadd.s32 $0x2800, s20;
	[sflag:s15] =	ssyncadd.s32 $0xFFFFC000  }
0x52: {  	[spmem:s2] =	stream.indirect.scatter.add.f32 [tilespmem:s14], [sflag:$0x1], $0x80, s20, s17, $0xb8;
	[tilespmem:$0x1D000] =	vst v63  }
0x53: {  	_ =	swait.ge [sflag:s15], $0x4000  }
0x54: {  	s3 =	sadd.s32 $0x1, s3;
	[sflag:s15] =	ssyncset.done $0x0  }
0x55: {  	p0 =	sne.s32 s3, s9;
	[sflag:s15] =	ssyncadd.s32 $0xFFFFC000  }
.Ltmp2:
0x56: {  	[bflag:$0x0] =	sbarrier.arrive $0xFFFF;
	(pc) =	sbr.rel @p0 .LBB2_1-.Ltmp2, $4  }
0x57: {  	[hbm:s8], [sflag:s18] =	dma.local [spmem:s19], $0x2800  }
0x58: {  	_ =	swait.ge [sflag:s15], $0x2800  }
0x59: {  	[sflag:s15] =	ssyncset.done $0x0  }
0x5a: {  	[sflag:s15] =	ssyncadd.s32 $0xFFFFD800  }
0x5b: {  	_ =	sfence.sel $0x180000  }
0x5c: {  	[bflag:$0x0] =	sbarrier.arrive $0xFFFF  }
0x5d: {  	p0 =	sne.s32 s0, $0x0;
	_ =	strace $0x9000004D  }
0x5e: {  	s0 =	sadd.s32 @!p0 $0x100000, s1;
	[bflag:$0x2] =	sbarrier.arrive $0xFFFF  }
0x5f: {  	[sflag:s0] =	ssyncadd.tile.s32 @!p0 $0x1;
	_ =	shalt  }
.Lfunc_end2:
_tile_overlayer_lowered:
.L_overlay_start_2:
0x60: {  	(tag) =	ssettag $0x2  }
0x61: {  	s0 =	rddreg [dreg:$0x0];
	s2 =	stileid.u32  }
0x62: {  	s1 =	rddreg [dreg:$0x1];
	p0 =	sne.s32 s2, $0x0  }
0x63: {  	s3 =	rddreg [dreg:$0x2];
	[bflag:$0x3] =	sbarrier.arrive $0xFFFF;
	s2 =	simm.s32 @!p0 $0x1C01  }
0x64: {  	[timem:s3], [sflag:s2] =	dma.local @!p0 [hbm:s0], s1  }
0x65: {  	s0 =	simm.s32 @!p0 $0x1  }
0x66: {  	_ =	swait.ge @!p0 [sflag:s0], s1  }
0x67: {  	s1 =	ssub.s32 @!p0 $0x0, s1;
	[sflag:s0] =	ssyncset.done @!p0 $0x0  }
0x68: {  	[sflag:s0] =	ssyncadd.s32 @!p0 s1  }
0x69: {  	[bflag:$0x3] =	sbarrier.arrive $0xFFFF  }
0x6a: {  	_ =	shalt  }

// kernel: kernel.23.cloned.1.call-start
scs
__scs_entry_jumppad:
0x0: {  	(pc) =	sbr.rel $0x88, $3  }
0x1: {  	(tag) =	ssettag $0x0;
	lr =	simm.s32 $0x1  }
0x2: {  	[smem:$0x3F92] =	sst lr;
	_ =	strace $0xD0000000  }
0x3: {  	_ = 	snop  }
0x4: {  	_ = 	snop  }
0x5: {  	_ = 	snop  }
0x6: {  	_ = 	snop  }
0x7: {  	_ = 	snop  }
__scs_overlays_trampoline_lowered:
0x8: {  	[smem:$0x3FA1] =	sst s0  }
0x9: {  	[smem:$0x3FA2] =	sst s1  }
0xa: {  	[smem:$0x3FA3] =	sst s2  }
0xb: {  	[smem:$0x3FA4] =	sst s3  }
0xc: {  	[smem:$0x3FA5] =	sst s4  }
0xd: {  	[smem:$0x3FA6] =	sst s5  }
0xe: {  	[smem:$0x3FA7] =	sst s6  }
0xf: {  	[smem:$0x3FA8] =	sst s7  }
0x10: {  	[smem:$0x3FA9] =	sst s8  }
0x11: {  	[smem:$0x3FAA] =	sst s9;
	s0 =	simm.s32 @!p0 $0x0  }
0x12: {  	s1 =	sld [smem:$0x3F90];
	s0 =	simm.s32 @p0 $0x1  }
0x13: {  	[smem:$0x3FAB] =	sst s0;
	s0 =	simm.s32 @!p1 $0x0  }
0x14: {  	s2 =	sld [smem:$0x3F8F];
	s0 =	simm.s32 @p1 $0x1  }
0x15: {  	[smem:$0x3FAC] =	sst s0;
	s0 =	simm.s32 @!p2 $0x0  }
0x16: {  	s3 =	sld [smem:$0x3FDB];
	s0 =	simm.s32 @p2 $0x1  }
0x17: {  	s4 =	simm.s32 $0x1BF5;
	[smem:$0x3FAE] =	sst s0  }
0x18: {  	s0 =	sld [smem:$0x3F91];
	_ =	swait.ge [sflag:s4], $0x0  }
0x19: {  	s7 =	sld [smem:$0x3F92]  }
0x1a: {  	s8 =	sadd.s32 $0xFFFFE003, lr  }
0x1b: {  	s9 =	sadd.s32 $0xFFFFFEF7, lr;
	s5 =	simm.s32 $0xFFFFFFFF;
	p2 =	slt.u32 s8, $0xFFFFF086  }
0x1c: {  	p1 =	slt.u32 s9, $0xF7A;
	s5 =	simm.s32 @!p2 $0x0  }
0x1d: {  	s5 =	simm.s32 @p1 $0x1;
	p0 =	seq.s32 s7, s2  }
0x1e: {  	s7 =	smul.u32 @!p0 $0xF7A, s2;
	p2 =	seq.s32 @!p0 s5, $0x0  }
0x1f: {  	s9 =	smul.u32 $0xF7A, s1;
	s8 =	simm.s32 @!p0 $0x1BF5;
	p2 =	por !p2, p0  }
0x20: {  	[sflag:s8] =	ssyncset.s32 @!p0 $0xFFFFF086;
	s6 =	sadd.s32 @!p0 s3, s7;
	s7 =	simm.s32 @!p0 $0x108  }
0x21: {  	s3 =	sadd.s32 s3, s9;
	s6 =	sadd.s32 @!p0 $0x88, s6;
	s7 =	simm.s32 @p2 $0x1082  }
0x22: {  	[simem:s7], [sflag:s8] =	dma.local @!p0 [hbm:s6], $0xF7A  }
0x23: {  	s9 =	sor.u32 $0xD0000000, s2;
	s6 =	simm.s32 $0x108;
	_ =	swait.ge @!p0 [sflag:s8], $0x0  }
0x24: {  	s3 =	sadd.s32 $0x88, s3;
	s6 =	simm.s32 @!p1 $0x1082;
	[sflag:s4] =	ssyncset.s32 $0xFFFFF086  }
0x25: {  	[simem:s6], [sflag:s4] =	dma.local [hbm:s3], $0xF7A  }
0x26: {  	[smem:$0x3F92] =	sst s1;
	(tag) =	ssettag s2;
	_ =	strace s9  }
0x27: {  	s1 =	sld [smem:$0x3FA2]  }
0x28: {  	s2 =	sld [smem:$0x3FA3]  }
0x29: {  	s4 =	sld [smem:$0x3FA5]  }
0x2a: {  	p0 =	seq.s32 s5, $0x0;
	s5 =	sld [smem:$0x3FA6]  }
0x2b: {  	s6 =	sld [smem:$0x3FA7]  }
0x2c: {  	s7 =	sld [smem:$0x3FA8]  }
0x2d: {  	s3 =	simm.s32 $0x108;
	s8 =	sld [smem:$0x3FA9]  }
0x2e: {  	s3 =	simm.s32 @!p0 $0x1082;
	s9 =	sld [smem:$0x3FAA]  }
0x2f: {  	lr =	sadd.s32 s0, s3;
	s0 =	sld [smem:$0x3FA1]  }
0x30: {  	s3 =	sld [smem:$0x3FA4]  }
0x31: {  	[smem:$0x3FAD] =	sst s10  }
0x32: {  	s10 =	sld [smem:$0x3FAB];
	_ =	sdelay $0x3  }
0x33: {  	p0 =	seq.s32 s10, $0x1;
	s10 =	sld [smem:$0x3FAD];
	_ =	sdelay $0x3  }
0x34: {  	[smem:$0x3FAD] =	sst s10  }
0x35: {  	s10 =	sld [smem:$0x3FAC];
	_ =	sdelay $0x3  }
0x36: {  	p1 =	seq.s32 s10, $0x1;
	s10 =	sld [smem:$0x3FAD];
	_ =	sdelay $0x3  }
0x37: {  	[smem:$0x3FAD] =	sst s10  }
0x38: {  	s10 =	sld [smem:$0x3FAE]  }
0x39: {  	_ = 	snop;
	(pc) =	sbr.ind lr, $3  }
0x3a: {  	_ = 	snop  }
0x3b: {  	_ = 	snop  }
0x3c: {  	p2 =	seq.s32 s10, $0x1;
	s10 =	sld [smem:$0x3FAD]  }
0x3d: {  	_ =	shalt  }
0x3e: {  	_ =	shalt  }
0x3f: {  	_ =	shalt  }
0x40: {  	_ =	shalt  }
0x41: {  	_ =	shalt  }
0x42: {  	_ =	shalt  }
0x43: {  	_ =	shalt  }
0x44: {  	_ =	shalt  }
0x45: {  	_ =	shalt  }
0x46: {  	_ =	shalt  }
0x47: {  	_ =	shalt  }
0x48: {  	_ =	shalt  }
0x49: {  	_ =	shalt  }
0x4a: {  	_ =	shalt  }
0x4b: {  	_ =	shalt  }
0x4c: {  	_ =	shalt  }
0x4d: {  	_ =	shalt  }
0x4e: {  	_ =	shalt  }
0x4f: {  	_ =	shalt  }
0x50: {  	_ =	shalt  }
0x51: {  	_ =	shalt  }
0x52: {  	_ =	shalt  }
0x53: {  	_ =	shalt  }
0x54: {  	_ =	shalt  }
0x55: {  	_ =	shalt  }
0x56: {  	_ =	shalt  }
0x57: {  	_ =	shalt  }
0x58: {  	_ =	shalt  }
0x59: {  	_ =	shalt  }
0x5a: {  	_ =	shalt  }
0x5b: {  	_ =	shalt  }
0x5c: {  	_ =	shalt  }
0x5d: {  	_ =	shalt  }
0x5e: {  	_ =	shalt  }
0x5f: {  	_ =	shalt  }
0x60: {  	_ =	shalt  }
0x61: {  	_ =	shalt  }
0x62: {  	_ =	shalt  }
0x63: {  	_ =	shalt  }
0x64: {  	_ =	shalt  }
0x65: {  	_ =	shalt  }
0x66: {  	_ =	shalt  }
0x67: {  	_ =	shalt  }
0x68: {  	_ =	shalt  }
0x69: {  	_ =	shalt  }
0x6a: {  	_ =	shalt  }
0x6b: {  	_ =	shalt  }
0x6c: {  	_ =	shalt  }
0x6d: {  	_ =	shalt  }
0x6e: {  	_ =	shalt  }
0x6f: {  	_ =	shalt  }
0x70: {  	_ =	shalt  }
0x71: {  	_ =	shalt  }
0x72: {  	_ =	shalt  }
0x73: {  	_ =	shalt  }
0x74: {  	_ =	shalt  }
0x75: {  	_ =	shalt  }
0x76: {  	_ =	shalt  }
0x77: {  	_ =	shalt  }
0x78: {  	_ =	shalt  }
0x79: {  	_ =	shalt  }
0x7a: {  	_ =	shalt  }
0x7b: {  	_ =	shalt  }
0x7c: {  	_ =	shalt  }
0x7d: {  	_ =	shalt  }
0x7e: {  	_ =	shalt  }
0x7f: {  	_ =	shalt  }
0x80: {  	_ =	shalt  }
0x81: {  	_ =	shalt  }
0x82: {  	_ =	shalt  }
0x83: {  	_ =	shalt  }
0x84: {  	_ =	shalt  }
0x85: {  	_ =	shalt  }
0x86: {  	_ =	shalt  }
0x87: {  	_ =	shalt  }
.Lfunc_end0:
.L_simem_size_0:
called_computation.3_lowered:
.L_overlay_start_0:
0x88: {  	s2 =	sld [smem:$0x3FD9]  }
0x89: {  	s3 =	sld [smem:$0x3FFE];
	_ =	sdelay $0x1  }
0x8a: {  	s1 =	srdreg.scid  }
0x8b: {  	s0 =	sand.u32 $0x1, s1  }
0x8c: {  	s16 =	sshll.u32 s0, $0xA;
	s2 =	sadd.s32 s3, s2  }
0x8d: {  	s2 =	sadd.s32 s2, s16  }
0x8e: {  	[smem:$0x3FB9] =	sst s2  }
0x8f: {  	_ = 	snop  }
0x90: {  	(tm) =	ssettm $0x1  }
0x91: {  	s17 =	sld [smem:$0x3FFB];
	_ =	sdelay $0x3  }
0x92: {  	_ =	strace s17  }
0x93: {  	s2 =	sld [smem:$0x3FFC];
	_ =	sdelay $0x3  }
0x94: {  	_ =	strace s2  }
0x95: {  	s2 =	sld [smem:$0x3FFD];
	_ =	sdelay $0x3  }
0x96: {  	_ =	strace s2  }
0x97: {  	_ =	strace $0x8FFFFFFF  }
0x98: {  	s18 =	sld [smem:$0x3FDB];
	_ =	sdelay $0x1  }
0x99: {  	s19 =	simm.s32 $_scs_section_size  }
0x9a: {  	s4 =	simm.s32 $_size__tile_overlayer_lowered;
	s5 =	simm.s32 $_tile_overlayer_lowered  }
0x9b: {  	s22 =	simm.s32 $0x1BFF;
	s21 =	sshll.u32 s5, $0x1;
	s2 =	sadd.s32 s19, s18  }
0x9c: {  	s6 =	simm.s32 $0x0;
	s20 =	sshll.u32 s4, $0x1;
	s4 =	sadd.s32 s21, s2  }
0x9d: {  	[timem:s6], [sflag:s22] =	dma.local [hbm:s4], s20  }
0x9e: {  	_ =	swait.ge [sflag:s22], s20  }
0x9f: {  	s3 =	ssub.s32 $0x0, s20;
	[sflag:s22] =	ssyncset.done $0x0  }
0xa0: {  	[sflag:s22] =	ssyncadd.s32 s3;
	_ =	sdelay $0x1  }
0xa1: {  	s23 =	simm.s32 $0x1B8B  }
0xa2: {  	_ =	swait.ge [sflag:s23], $0x1  }
0xa3: {  	[sflag:s23] =	ssyncset.done $0x0  }
0xa4: {  	s25 =	simm.s32 $0x1B8E;
	s24 =	sld [smem:$0x3FFE];
	[sflag:s23] =	ssyncadd.s32 $0xFFFFFFFF  }
0xa5: {  	s26 =	simm.s32 $execute0_lowered;
	[smem:$0x3FD2] =	sst s25  }
0xa6: {  	s4 =	sshll.u32 s26, $0x1;
	_ =	strace $0x8000004F;
	[dreg:$0x1] =	wrdreg $0xFFFFFFFF  }
0xa7: {  	s28 =	simm.s32 $_size_execute0_lowered;
	s2 =	sadd.s32 s2, s4;
	[dreg:$0x0] =	wrdreg $0x0  }
0xa8: {  	s4 =	sshll.u32 s28, $0x1;
	[dreg:$0x2] =	wrdreg s2  }
0xa9: {  	[dreg:$0x3] =	wrdreg s4  }
0xaa: {  	[dreg:$0x4] =	wrdreg $0xC0  }
0xab: {  	_ =	task [dreg:s6], $0x5FFFF  }
0xac: {  	[dreg:$0x1] =	wrdreg $0xFFFFFFFF  }
0xad: {  	[dreg:$0x0] =	wrdreg $0x60  }
0xae: {  	[dreg:$0x2] =	wrdreg s24  }
0xaf: {  	[dreg:$0x3] =	wrdreg $0x90000  }
0xb0: {  	[dreg:$0x4] =	wrdreg $0x9  }
0xb1: {  	_ =	task.clear_ibuf [dreg:s6], $0x5FFFF;
	_ =	strace $0x9000004F  }
0xb2: {  	s29 =	simm.s32 $0x9;
	_ =	strace $0x80000051  }
0xb3: {  	_ =	swait.ge [sflag:s29], $0x1  }
0xb4: {  	[sflag:s29] =	ssyncadd.s32 $0xFFFFFFFF  }
0xb5: {  	_ =	strace $0x90000051  }
0xb6: {  	_ =	sfence  }
0xb7: {  	s30 =	sld [smem:$0x0];
	_ =	sdelay $0x2  }
0xb8: {  	s31 =	sshll.u32 s1, $0xD;
	s1 =	sshrl.u32 s1, $0x2  }
0xb9: {  	s3 =	sand.u32 $0x4000, s31;
	s1 =	sadd.s32 s1, s30  }
0xba: {  	s0 =	sor.u32 s3, s0;
	s1 =	sshll.u32 s1, $0x11  }
0xbb: {  	s0 =	sor.u32 s1, s0  }
0xbc: {  	s0 =	sadd.s32 $0x8F2B, s0  }
0xbd: {  	[sflag:s0] =	ssyncadd.remote.s32 $0x1  }
0xbe: {  	_ =	sfence.sel $0xFFFF  }
0xbf: {  	[dreg:$0x0] =	wrdreg $0xFFFFFFFF;
	(pc) =	sbr.abs _section_cstart, $3  }
0xc0: {  	[dreg:$0x1] =	wrdreg $0xFFFFFFFF  }
0xc1: {  	_ =	task.clear_ibuf [dreg:s6], $0x2FFFF;
	_ =	strace $0x9FFFFFFF  }
0xc2: {  	(tm) =	ssettm $0x7FFFFFFF  }
0xc3: {  	_ =	shalt  }
tec
execute0_lowered:
.L_overlay_start_1:
0x0: {  	(tag) =	ssettag $0x1  }
0x1: {  	s6 =	rddreg [dreg:$0x0]  }
0x2: {  	s0 =	srdreg.scid;
	s2 =	rddreg [dreg:$0x1];
	s3 =	simm.s32 $0x0  }
0x3: {  	s14 =	simm.s32 $0x5000;
	s15 =	simm.s32 $0x1;
	s5 =	sand.u32 $0x1, s0  }
0x4: {  	s16 =	simm.s32 $0x2800;
	s0 =	stileid.u32;
	s8 =	smul.u32 $0x140000, s5  }
0x5: {  	s17 =	simm.s32 $0x80;
	[smem:$0x7FF] =	sst s3;
	s9 =	smul.u32 $0x14000, s0  }
0x6: {  	s4 =	sadd.s32 $0xE800, s6;
	s1 =	sshll.u32 s5, $0x4;
	s10 =	smul.u32 $0x50000, s0  }
0x7: {  	s5 =	ssub.s32 $0x2, s5;
	s18 =	sshll.u32 s0, $0x6;
	s1 =	sor.u32 s0, s1  }
0x8: {  	s31 =	sshrl.u32 s5, $0x1;
	s18 =	sor.u32 $0x1C01, s18;
	s7 =	smul.u32 $0x500, s1  }
0x9: {  	s1 =	rddreg [dreg:$0x2];
	_ =	strace $0x80000050;
	s8 =	sadd.s32 s9, s8  }
0xa: {  	s10 =	sshrl.u32 s10, $0x2;
	s9 =	ssub.s32 s5, s31;
	s8 =	sshrl.u32 s8, $0x3  }
0xb: {  	s5 =	sadd.s32 s10, s2;
	s9 =	smax.u32 s9, $0x1;
	s7 =	sadd.s32 s7, s6  }
0xc: {  	s8 =	sadd.s32 s8, s6;
	s10 =	sadd.s32 $0x4000, s5;
	s11 =	sadd.s32 $0x8000, s5  }
0xd: {  	s12 =	sadd.s32 $0xC000, s5;
	s13 =	sadd.s32 $0x10000, s5;
	s19 =	sshrl.u32 s5, $0x3  }
0xe: {  	v0 =	vimm.f32 $0.0e+00;
	s6 =	sadd.s32 $0x5E800, s7;
	s7 =	sadd.s32 $0x4800, s7;
	s8 =	sadd.s32 $0x68800, s8  }
.LBB2_1:
0xf: {  	s20 =	simm.s32 $0x0;
	s21 =	simm.s32 $0x200  }
.LBB2_2:
0x10: {  	p0 =	sne.s32 s21, $0xFE00;
	[tilespmem:s20+$0x5070] =	vst v0  }
0x11: {  	[tilespmem:s20+$0x5000] =	vst v0  }
0x12: {  	[tilespmem:s20+$0x5010] =	vst v0  }
.Ltmp0:
0x13: {  	[tilespmem:s20+$0x5020] =	vst v0;
	(pc) =	sbr.rel @p0 .LBB2_2-.Ltmp0, $4  }
0x14: {  	[tilespmem:s20+$0x5030] =	vst v0  }
0x15: {  	[tilespmem:s20+$0x5040] =	vst v0  }
0x16: {  	[tilespmem:s20+$0x5050] =	vst v0  }
0x17: {  	[tilespmem:s20+$0x5060] =	vst v0;
	s20 =	sshra.s32 s21, $0x2;
	s21 =	sadd.s32 $0x200, s21  }
0x18: {  	[tilespmem:s20+$0x5070] =	vst v0  }
0x19: {  	[tilespmem:s20+$0x5000] =	vst v0  }
0x1a: {  	[tilespmem:s20+$0x5010] =	vst v0  }
0x1b: {  	[tilespmem:s20+$0x5020] =	vst v0  }
0x1c: {  	[tilespmem:s20+$0x5030] =	vst v0  }
0x1d: {  	[tilespmem:s20+$0x5040] =	vst v0  }
0x1e: {  	[tilespmem:s20+$0x5050] =	vst v0  }
0x1f: {  	[tilespmem:s20+$0x5060] =	vst v0  }
0x20: {  	[spmem:s5] =	stream.linear.scatter [tilespmem:s14], [sflag:$0x1], $0x4000, $0x38;
	[tilespmem:$0x1D000] =	vst v63  }
0x21: {  	_ =	swait.ge [sflag:s15], $0x4000  }
0x22: {  	[sflag:s15] =	ssyncset.done $0x0  }
0x23: {  	[sflag:s15] =	ssyncadd.s32 $0xFFFFC000  }
0x24: {  	[spmem:s10] =	stream.linear.scatter [tilespmem:s14], [sflag:$0x1], $0x4000, $0x38;
	[tilespmem:$0x1D000] =	vst v63  }
0x25: {  	_ =	swait.ge [sflag:s15], $0x4000  }
0x26: {  	[sflag:s15] =	ssyncset.done $0x0  }
0x27: {  	[sflag:s15] =	ssyncadd.s32 $0xFFFFC000  }
0x28: {  	[spmem:s11] =	stream.linear.scatter [tilespmem:s14], [sflag:$0x1], $0x4000, $0x38;
	[tilespmem:$0x1D000] =	vst v63  }
0x29: {  	_ =	swait.ge [sflag:s15], $0x4000  }
0x2a: {  	[sflag:s15] =	ssyncset.done $0x0  }
0x2b: {  	[sflag:s15] =	ssyncadd.s32 $0xFFFFC000  }
0x2c: {  	[spmem:s12] =	stream.linear.scatter [tilespmem:s14], [sflag:$0x1], $0x4000, $0x38;
	[tilespmem:$0x1D000] =	vst v63  }
0x2d: {  	_ =	swait.ge [sflag:s15], $0x4000  }
0x2e: {  	[sflag:s15] =	ssyncset.done $0x0  }
0x2f: {  	[sflag:s15] =	ssyncadd.s32 $0xFFFFC000  }
0x30: {  	[spmem:s13] =	stream.linear.scatter [tilespmem:s14], [sflag:$0x1], $0x4000, $0x38;
	[tilespmem:$0x1D000] =	vst v63  }
0x31: {  	_ =	swait.ge [sflag:s15], $0x4000  }
0x32: {  	[sflag:s15] =	ssyncset.done $0x0  }
0x33: {  	[sflag:s15] =	ssyncadd.s32 $0xFFFFC000  }
0x34: {  	s29 =	simm.s32 $0x0;
	[bflag:$0x0] =	sbarrier.arrive $0xFFFF  }
0x35: {  	[tilespmem:s29], [sflag:$0x1] =	stream.linear.gather [hbm4b:s6+s29], $0x2800, $0x38;
	[tilespmem:$0x1D000] =	vst v63  }
0x36: {  	_ =	swait.ge [sflag:s15], $0x2800  }
0x37: {  	[sflag:s15] =	ssyncset.done $0x0  }
0x38: {  	[sflag:s15] =	ssyncadd.s32 $0xFFFFD800  }
0x39: {  	[tilespmem:s16], [sflag:$0x1] =	stream.linear.gather [hbm4b:s7+s29], $0x2800, $0x38;
	[tilespmem:$0x1D000] =	vst v63  }
0x3a: {  	_ =	swait.ge [sflag:s15], $0x2800  }
0x3b: {  	[sflag:s15] =	ssyncset.done $0x0  }
0x3c: {  	s30 =	simm.s32 $0x0;
	[sflag:s15] =	ssyncadd.s32 $0xFFFFD800  }
0x3d: {  	[tilespmem:s14], [sflag:$0x1] =	stream.indirect.gather [hbm4b:s4+s17], $0x80, s30, s17, $0xb8;
	[tilespmem:$0x1D000] =	vst v63  }
0x3e: {  	_ =	swait.ge [sflag:s15], $0x4000  }
0x3f: {  	[sflag:s15] =	ssyncset.done $0x0  }
0x40: {  	s31 =	simm.s32 $0x2800;
	[sflag:s15] =	ssyncadd.s32 $0xFFFFC000  }
0x41: {  	[spmem:s2] =	stream.indirect.scatter.add.f32 [tilespmem:s14], [sflag:$0x1], $0x80, s31, s17, $0xb8;
	[tilespmem:$0x1D000] =	vst v63  }
0x42: {  	_ =	swait.ge [sflag:s15], $0x4000  }
0x43: {  	s20 =	simm.s32 $0x200;
	s21 =	simm.s32 $0x400;
	[sflag:s15] =	ssyncset.done $0x0  }
.LBB2_4:
0x44: {  	s22 =	sshra.s32 s20, $0x2  }
0x45: {  	[sflag:s15] =	ssyncadd.s32 $0xFFFFC000;
	s20 =	smov.u32 s21;
	s23 =	sadd.s32 $0x200, s21  }
0x46: {  	[tilespmem:s14], [sflag:$0x1] =	stream.indirect.gather [hbm4b:s4+s17], $0x80, s22, s17, $0xb8;
	[tilespmem:$0x1D000] =	vst v63  }
0x47: {  	p0 =	sne.s32 s21, $0x9E00;
	_ =	swait.ge [sflag:s15], $0x4000  }
.Ltmp1:
0x48: {  	[sflag:s15] =	ssyncset.done $0x0;
	(pc) =	sbr.rel @p0 .LBB2_4-.Ltmp1, $4  }
0x49: {  	s21 =	sadd.s32 $0x2800, s22;
	[sflag:s15] =	ssyncadd.s32 $0xFFFFC000  }
0x4a: {  	[spmem:s2] =	stream.indirect.scatter.add.f32 [tilespmem:s14], [sflag:$0x1], $0x80, s21, s17, $0xb8;
	[tilespmem:$0x1D000] =	vst v63  }
0x4b: {  	_ =	swait.ge [sflag:s15], $0x4000  }
0x4c: {  	s21 =	smov.u32 s23;
	[sflag:s15] =	ssyncset.done $0x0  }
0x4d: {  	s20 =	sshra.s32 s20, $0x2;
	[sflag:s15] =	ssyncadd.s32 $0xFFFFC000  }
0x4e: {  	[tilespmem:s14], [sflag:$0x1] =	stream.indirect.gather [hbm4b:s4+s17], $0x80, s20, s17, $0xb8;
	[tilespmem:$0x1D000] =	vst v63  }
0x4f: {  	_ =	swait.ge [sflag:s15], $0x4000  }
0x50: {  	[sflag:s15] =	ssyncset.done $0x0  }
0x51: {  	s20 =	sadd.s32 $0x2800, s20;
	[sflag:s15] =	ssyncadd.s32 $0xFFFFC000  }
0x52: {  	[spmem:s2] =	stream.indirect.scatter.add.f32 [tilespmem:s14], [sflag:$0x1], $0x80, s20, s17, $0xb8;
	[tilespmem:$0x1D000] =	vst v63  }
0x53: {  	_ =	swait.ge [sflag:s15], $0x4000  }
0x54: {  	s3 =	sadd.s32 $0x1, s3;
	[sflag:s15] =	ssyncset.done $0x0  }
0x55: {  	p0 =	sne.s32 s3, s9;
	[sflag:s15] =	ssyncadd.s32 $0xFFFFC000  }
.Ltmp2:
0x56: {  	[bflag:$0x0] =	sbarrier.arrive $0xFFFF;
	(pc) =	sbr.rel @p0 .LBB2_1-.Ltmp2, $4  }
0x57: {  	[hbm:s8], [sflag:s18] =	dma.local [spmem:s19], $0x2800  }
0x58: {  	_ =	swait.ge [sflag:s15], $0x2800  }
0x59: {  	[sflag:s15] =	ssyncset.done $0x0  }
0x5a: {  	[sflag:s15] =	ssyncadd.s32 $0xFFFFD800  }
0x5b: {  	_ =	sfence.sel $0x180000  }
0x5c: {  	[bflag:$0x0] =	sbarrier.arrive $0xFFFF  }
0x5d: {  	p0 =	sne.s32 s0, $0x0;
	_ =	strace $0x90000050  }
0x5e: {  	s0 =	sadd.s32 @!p0 $0x100000, s1;
	[bflag:$0x2] =	sbarrier.arrive $0xFFFF  }
0x5f: {  	[sflag:s0] =	ssyncadd.tile.s32 @!p0 $0x1;
	_ =	shalt  }
.Lfunc_end2:
_tile_overlayer_lowered:
.L_overlay_start_2:
0x60: {  	(tag) =	ssettag $0x2  }
0x61: {  	s0 =	rddreg [dreg:$0x0];
	s2 =	stileid.u32  }
0x62: {  	s1 =	rddreg [dreg:$0x1];
	p0 =	sne.s32 s2, $0x0  }
0x63: {  	s3 =	rddreg [dreg:$0x2];
	[bflag:$0x3] =	sbarrier.arrive $0xFFFF;
	s2 =	simm.s32 @!p0 $0x1C01  }
0x64: {  	[timem:s3], [sflag:s2] =	dma.local @!p0 [hbm:s0], s1  }
0x65: {  	s0 =	simm.s32 @!p0 $0x1  }
0x66: {  	_ =	swait.ge @!p0 [sflag:s0], s1  }
0x67: {  	s1 =	ssub.s32 @!p0 $0x0, s1;
	[sflag:s0] =	ssyncset.done @!p0 $0x0  }
0x68: {  	[sflag:s0] =	ssyncadd.s32 @!p0 s1  }
0x69: {  	[bflag:$0x3] =	sbarrier.arrive $0xFFFF  }
0x6a: {  	_ =	shalt  }

// kernel: kernel.26.cloned.1.call-start
scs
__scs_entry_jumppad:
0x0: {  	(pc) =	sbr.rel $0x88, $3  }
0x1: {  	(tag) =	ssettag $0x0;
	lr =	simm.s32 $0x1  }
0x2: {  	[smem:$0x3F92] =	sst lr;
	_ =	strace $0xD0000000  }
0x3: {  	_ = 	snop  }
0x4: {  	_ = 	snop  }
0x5: {  	_ = 	snop  }
0x6: {  	_ = 	snop  }
0x7: {  	_ = 	snop  }
__scs_overlays_trampoline_lowered:
0x8: {  	[smem:$0x3FA1] =	sst s0  }
0x9: {  	[smem:$0x3FA2] =	sst s1  }
0xa: {  	[smem:$0x3FA3] =	sst s2  }
0xb: {  	[smem:$0x3FA4] =	sst s3  }
0xc: {  	[smem:$0x3FA5] =	sst s4  }
0xd: {  	[smem:$0x3FA6] =	sst s5  }
0xe: {  	[smem:$0x3FA7] =	sst s6  }
0xf: {  	[smem:$0x3FA8] =	sst s7  }
0x10: {  	[smem:$0x3FA9] =	sst s8  }
0x11: {  	[smem:$0x3FAA] =	sst s9;
	s0 =	simm.s32 @!p0 $0x0  }
0x12: {  	s1 =	sld [smem:$0x3F90];
	s0 =	simm.s32 @p0 $0x1  }
0x13: {  	[smem:$0x3FAB] =	sst s0;
	s0 =	simm.s32 @!p1 $0x0  }
0x14: {  	s2 =	sld [smem:$0x3F8F];
	s0 =	simm.s32 @p1 $0x1  }
0x15: {  	[smem:$0x3FAC] =	sst s0;
	s0 =	simm.s32 @!p2 $0x0  }
0x16: {  	s3 =	sld [smem:$0x3FDB];
	s0 =	simm.s32 @p2 $0x1  }
0x17: {  	s4 =	simm.s32 $0x1BF5;
	[smem:$0x3FAE] =	sst s0  }
0x18: {  	s0 =	sld [smem:$0x3F91];
	_ =	swait.ge [sflag:s4], $0x0  }
0x19: {  	s7 =	sld [smem:$0x3F92]  }
0x1a: {  	s8 =	sadd.s32 $0xFFFFE003, lr  }
0x1b: {  	s9 =	sadd.s32 $0xFFFFFEF7, lr;
	s5 =	simm.s32 $0xFFFFFFFF;
	p2 =	slt.u32 s8, $0xFFFFF086  }
0x1c: {  	p1 =	slt.u32 s9, $0xF7A;
	s5 =	simm.s32 @!p2 $0x0  }
0x1d: {  	s5 =	simm.s32 @p1 $0x1;
	p0 =	seq.s32 s7, s2  }
0x1e: {  	s7 =	smul.u32 @!p0 $0xF7A, s2;
	p2 =	seq.s32 @!p0 s5, $0x0  }
0x1f: {  	s9 =	smul.u32 $0xF7A, s1;
	s8 =	simm.s32 @!p0 $0x1BF5;
	p2 =	por !p2, p0  }
0x20: {  	[sflag:s8] =	ssyncset.s32 @!p0 $0xFFFFF086;
	s6 =	sadd.s32 @!p0 s3, s7;
	s7 =	simm.s32 @!p0 $0x108  }
0x21: {  	s3 =	sadd.s32 s3, s9;
	s6 =	sadd.s32 @!p0 $0x88, s6;
	s7 =	simm.s32 @p2 $0x1082  }
0x22: {  	[simem:s7], [sflag:s8] =	dma.local @!p0 [hbm:s6], $0xF7A  }
0x23: {  	s9 =	sor.u32 $0xD0000000, s2;
	s6 =	simm.s32 $0x108;
	_ =	swait.ge @!p0 [sflag:s8], $0x0  }
0x24: {  	s3 =	sadd.s32 $0x88, s3;
	s6 =	simm.s32 @!p1 $0x1082;
	[sflag:s4] =	ssyncset.s32 $0xFFFFF086  }
0x25: {  	[simem:s6], [sflag:s4] =	dma.local [hbm:s3], $0xF7A  }
0x26: {  	[smem:$0x3F92] =	sst s1;
	(tag) =	ssettag s2;
	_ =	strace s9  }
0x27: {  	s1 =	sld [smem:$0x3FA2]  }
0x28: {  	s2 =	sld [smem:$0x3FA3]  }
0x29: {  	s4 =	sld [smem:$0x3FA5]  }
0x2a: {  	p0 =	seq.s32 s5, $0x0;
	s5 =	sld [smem:$0x3FA6]  }
0x2b: {  	s6 =	sld [smem:$0x3FA7]  }
0x2c: {  	s7 =	sld [smem:$0x3FA8]  }
0x2d: {  	s3 =	simm.s32 $0x108;
	s8 =	sld [smem:$0x3FA9]  }
0x2e: {  	s3 =	simm.s32 @!p0 $0x1082;
	s9 =	sld [smem:$0x3FAA]  }
0x2f: {  	lr =	sadd.s32 s0, s3;
	s0 =	sld [smem:$0x3FA1]  }
0x30: {  	s3 =	sld [smem:$0x3FA4]  }
0x31: {  	[smem:$0x3FAD] =	sst s10  }
0x32: {  	s10 =	sld [smem:$0x3FAB];
	_ =	sdelay $0x3  }
0x33: {  	p0 =	seq.s32 s10, $0x1;
	s10 =	sld [smem:$0x3FAD];
	_ =	sdelay $0x3  }
0x34: {  	[smem:$0x3FAD] =	sst s10  }
0x35: {  	s10 =	sld [smem:$0x3FAC];
	_ =	sdelay $0x3  }
0x36: {  	p1 =	seq.s32 s10, $0x1;
	s10 =	sld [smem:$0x3FAD];
	_ =	sdelay $0x3  }
0x37: {  	[smem:$0x3FAD] =	sst s10  }
0x38: {  	s10 =	sld [smem:$0x3FAE]  }
0x39: {  	_ = 	snop;
	(pc) =	sbr.ind lr, $3  }
0x3a: {  	_ = 	snop  }
0x3b: {  	_ = 	snop  }
0x3c: {  	p2 =	seq.s32 s10, $0x1;
	s10 =	sld [smem:$0x3FAD]  }
0x3d: {  	_ =	shalt  }
0x3e: {  	_ =	shalt  }
0x3f: {  	_ =	shalt  }
0x40: {  	_ =	shalt  }
0x41: {  	_ =	shalt  }
0x42: {  	_ =	shalt  }
0x43: {  	_ =	shalt  }
0x44: {  	_ =	shalt  }
0x45: {  	_ =	shalt  }
0x46: {  	_ =	shalt  }
0x47: {  	_ =	shalt  }
0x48: {  	_ =	shalt  }
0x49: {  	_ =	shalt  }
0x4a: {  	_ =	shalt  }
0x4b: {  	_ =	shalt  }
0x4c: {  	_ =	shalt  }
0x4d: {  	_ =	shalt  }
0x4e: {  	_ =	shalt  }
0x4f: {  	_ =	shalt  }
0x50: {  	_ =	shalt  }
0x51: {  	_ =	shalt  }
0x52: {  	_ =	shalt  }
0x53: {  	_ =	shalt  }
0x54: {  	_ =	shalt  }
0x55: {  	_ =	shalt  }
0x56: {  	_ =	shalt  }
0x57: {  	_ =	shalt  }
0x58: {  	_ =	shalt  }
0x59: {  	_ =	shalt  }
0x5a: {  	_ =	shalt  }
0x5b: {  	_ =	shalt  }
0x5c: {  	_ =	shalt  }
0x5d: {  	_ =	shalt  }
0x5e: {  	_ =	shalt  }
0x5f: {  	_ =	shalt  }
0x60: {  	_ =	shalt  }
0x61: {  	_ =	shalt  }
0x62: {  	_ =	shalt  }
0x63: {  	_ =	shalt  }
0x64: {  	_ =	shalt  }
0x65: {  	_ =	shalt  }
0x66: {  	_ =	shalt  }
0x67: {  	_ =	shalt  }
0x68: {  	_ =	shalt  }
0x69: {  	_ =	shalt  }
0x6a: {  	_ =	shalt  }
0x6b: {  	_ =	shalt  }
0x6c: {  	_ =	shalt  }
0x6d: {  	_ =	shalt  }
0x6e: {  	_ =	shalt  }
0x6f: {  	_ =	shalt  }
0x70: {  	_ =	shalt  }
0x71: {  	_ =	shalt  }
0x72: {  	_ =	shalt  }
0x73: {  	_ =	shalt  }
0x74: {  	_ =	shalt  }
0x75: {  	_ =	shalt  }
0x76: {  	_ =	shalt  }
0x77: {  	_ =	shalt  }
0x78: {  	_ =	shalt  }
0x79: {  	_ =	shalt  }
0x7a: {  	_ =	shalt  }
0x7b: {  	_ =	shalt  }
0x7c: {  	_ =	shalt  }
0x7d: {  	_ =	shalt  }
0x7e: {  	_ =	shalt  }
0x7f: {  	_ =	shalt  }
0x80: {  	_ =	shalt  }
0x81: {  	_ =	shalt  }
0x82: {  	_ =	shalt  }
0x83: {  	_ =	shalt  }
0x84: {  	_ =	shalt  }
0x85: {  	_ =	shalt  }
0x86: {  	_ =	shalt  }
0x87: {  	_ =	shalt  }
.Lfunc_end0:
.L_simem_size_0:
called_computation.4_lowered:
.L_overlay_start_0:
0x88: {  	s2 =	sld [smem:$0x3FD9]  }
0x89: {  	s3 =	sld [smem:$0x3FFE];
	_ =	sdelay $0x1  }
0x8a: {  	s1 =	srdreg.scid  }
0x8b: {  	s0 =	sand.u32 $0x1, s1  }
0x8c: {  	s16 =	sshll.u32 s0, $0xA;
	s2 =	sadd.s32 s3, s2  }
0x8d: {  	s2 =	sadd.s32 s2, s16  }
0x8e: {  	[smem:$0x3FB9] =	sst s2  }
0x8f: {  	_ = 	snop  }
0x90: {  	(tm) =	ssettm $0x1  }
0x91: {  	s17 =	sld [smem:$0x3FFB];
	_ =	sdelay $0x3  }
0x92: {  	_ =	strace s17  }
0x93: {  	s2 =	sld [smem:$0x3FFC];
	_ =	sdelay $0x3  }
0x94: {  	_ =	strace s2  }
0x95: {  	s2 =	sld [smem:$0x3FFD];
	_ =	sdelay $0x3  }
0x96: {  	_ =	strace s2  }
0x97: {  	_ =	strace $0x8FFFFFFF  }
0x98: {  	s18 =	sld [smem:$0x3FDB];
	_ =	sdelay $0x1  }
0x99: {  	s19 =	simm.s32 $_scs_section_size  }
0x9a: {  	s4 =	simm.s32 $_size__tile_overlayer_lowered;
	s5 =	simm.s32 $_tile_overlayer_lowered  }
0x9b: {  	s22 =	simm.s32 $0x1BFF;
	s21 =	sshll.u32 s5, $0x1;
	s2 =	sadd.s32 s19, s18  }
0x9c: {  	s6 =	simm.s32 $0x0;
	s20 =	sshll.u32 s4, $0x1;
	s4 =	sadd.s32 s21, s2  }
0x9d: {  	[timem:s6], [sflag:s22] =	dma.local [hbm:s4], s20  }
0x9e: {  	_ =	swait.ge [sflag:s22], s20  }
0x9f: {  	s3 =	ssub.s32 $0x0, s20;
	[sflag:s22] =	ssyncset.done $0x0  }
0xa0: {  	[sflag:s22] =	ssyncadd.s32 s3;
	_ =	sdelay $0x1  }
0xa1: {  	s23 =	simm.s32 $0x1B8B  }
0xa2: {  	_ =	swait.ge [sflag:s23], $0x1  }
0xa3: {  	[sflag:s23] =	ssyncset.done $0x0  }
0xa4: {  	s25 =	simm.s32 $0x1B8E;
	s24 =	sld [smem:$0x3FFE];
	[sflag:s23] =	ssyncadd.s32 $0xFFFFFFFF  }
0xa5: {  	s26 =	simm.s32 $execute0_lowered;
	[smem:$0x3FD2] =	sst s25  }
0xa6: {  	s4 =	sshll.u32 s26, $0x1;
	_ =	strace $0x80000052;
	[dreg:$0x1] =	wrdreg $0xFFFFFFFF  }
0xa7: {  	s28 =	simm.s32 $_size_execute0_lowered;
	s2 =	sadd.s32 s2, s4;
	[dreg:$0x0] =	wrdreg $0x0  }
0xa8: {  	s4 =	sshll.u32 s28, $0x1;
	[dreg:$0x2] =	wrdreg s2  }
0xa9: {  	[dreg:$0x3] =	wrdreg s4  }
0xaa: {  	[dreg:$0x4] =	wrdreg $0xC0  }
0xab: {  	_ =	task [dreg:s6], $0x5FFFF  }
0xac: {  	[dreg:$0x1] =	wrdreg $0xFFFFFFFF  }
0xad: {  	[dreg:$0x0] =	wrdreg $0x60  }
0xae: {  	[dreg:$0x2] =	wrdreg s24  }
0xaf: {  	[dreg:$0x3] =	wrdreg $0x90000  }
0xb0: {  	[dreg:$0x4] =	wrdreg $0x9  }
0xb1: {  	_ =	task.clear_ibuf [dreg:s6], $0x5FFFF;
	_ =	strace $0x90000052  }
0xb2: {  	s29 =	simm.s32 $0x9;
	_ =	strace $0x80000054  }
0xb3: {  	_ =	swait.ge [sflag:s29], $0x1  }
0xb4: {  	[sflag:s29] =	ssyncadd.s32 $0xFFFFFFFF  }
0xb5: {  	_ =	strace $0x90000054  }
0xb6: {  	_ =	sfence  }
0xb7: {  	s30 =	sld [smem:$0x0];
	_ =	sdelay $0x2  }
0xb8: {  	s31 =	sshll.u32 s1, $0xD;
	s1 =	sshrl.u32 s1, $0x2  }
0xb9: {  	s3 =	sand.u32 $0x4000, s31;
	s1 =	sadd.s32 s1, s30  }
0xba: {  	s0 =	sor.u32 s3, s0;
	s1 =	sshll.u32 s1, $0x11  }
0xbb: {  	s0 =	sor.u32 s1, s0  }
0xbc: {  	s0 =	sadd.s32 $0x8F2B, s0  }
0xbd: {  	[sflag:s0] =	ssyncadd.remote.s32 $0x1  }
0xbe: {  	_ =	sfence.sel $0xFFFF  }
0xbf: {  	[dreg:$0x0] =	wrdreg $0xFFFFFFFF;
	(pc) =	sbr.abs _section_cstart, $3  }
0xc0: {  	[dreg:$0x1] =	wrdreg $0xFFFFFFFF  }
0xc1: {  	_ =	task.clear_ibuf [dreg:s6], $0x2FFFF;
	_ =	strace $0x9FFFFFFF  }
0xc2: {  	(tm) =	ssettm $0x7FFFFFFF  }
0xc3: {  	_ =	shalt  }
tec
execute0_lowered:
.L_overlay_start_1:
0x0: {  	(tag) =	ssettag $0x1  }
0x1: {  	s6 =	rddreg [dreg:$0x0]  }
0x2: {  	s0 =	srdreg.scid;
	s2 =	rddreg [dreg:$0x1];
	s3 =	simm.s32 $0x0  }
0x3: {  	s14 =	simm.s32 $0x5000;
	s15 =	simm.s32 $0x1;
	s5 =	sand.u32 $0x1, s0  }
0x4: {  	s16 =	simm.s32 $0x2800;
	s0 =	stileid.u32;
	s8 =	smul.u32 $0x140000, s5  }
0x5: {  	s17 =	simm.s32 $0x80;
	[smem:$0x7FF] =	sst s3;
	s9 =	smul.u32 $0x14000, s0  }
0x6: {  	s4 =	sadd.s32 $0xE800, s6;
	s1 =	sshll.u32 s5, $0x4;
	s10 =	smul.u32 $0x50000, s0  }
0x7: {  	s5 =	ssub.s32 $0x2, s5;
	s18 =	sshll.u32 s0, $0x6;
	s1 =	sor.u32 s0, s1  }
0x8: {  	s31 =	sshrl.u32 s5, $0x1;
	s18 =	sor.u32 $0x1C01, s18;
	s7 =	smul.u32 $0x500, s1  }
0x9: {  	s1 =	rddreg [dreg:$0x2];
	_ =	strace $0x80000053;
	s8 =	sadd.s32 s9, s8  }
0xa: {  	s10 =	sshrl.u32 s10, $0x2;
	s9 =	ssub.s32 s5, s31;
	s8 =	sshrl.u32 s8, $0x3  }
0xb: {  	s5 =	sadd.s32 s10, s2;
	s9 =	smax.u32 s9, $0x1;
	s7 =	sadd.s32 s7, s6  }
0xc: {  	s8 =	sadd.s32 s8, s6;
	s10 =	sadd.s32 $0x4000, s5;
	s11 =	sadd.s32 $0x8000, s5  }
0xd: {  	s12 =	sadd.s32 $0xC000, s5;
	s13 =	sadd.s32 $0x10000, s5;
	s19 =	sshrl.u32 s5, $0x3  }
0xe: {  	v0 =	vimm.f32 $0.0e+00;
	s6 =	sadd.s32 $0x5E800, s7;
	s7 =	sadd.s32 $0x4800, s7;
	s8 =	sadd.s32 $0x68800, s8  }
.LBB2_1:
0xf: {  	s20 =	simm.s32 $0x0;
	s21 =	simm.s32 $0x200  }
.LBB2_2:
0x10: {  	p0 =	sne.s32 s21, $0xFE00;
	[tilespmem:s20+$0x5070] =	vst v0  }
0x11: {  	[tilespmem:s20+$0x5000] =	vst v0  }
0x12: {  	[tilespmem:s20+$0x5010] =	vst v0  }
.Ltmp0:
0x13: {  	[tilespmem:s20+$0x5020] =	vst v0;
	(pc) =	sbr.rel @p0 .LBB2_2-.Ltmp0, $4  }
0x14: {  	[tilespmem:s20+$0x5030] =	vst v0  }
0x15: {  	[tilespmem:s20+$0x5040] =	vst v0  }
0x16: {  	[tilespmem:s20+$0x5050] =	vst v0  }
0x17: {  	[tilespmem:s20+$0x5060] =	vst v0;
	s20 =	sshra.s32 s21, $0x2;
	s21 =	sadd.s32 $0x200, s21  }
0x18: {  	[tilespmem:s20+$0x5070] =	vst v0  }
0x19: {  	[tilespmem:s20+$0x5000] =	vst v0  }
0x1a: {  	[tilespmem:s20+$0x5010] =	vst v0  }
0x1b: {  	[tilespmem:s20+$0x5020] =	vst v0  }
0x1c: {  	[tilespmem:s20+$0x5030] =	vst v0  }
0x1d: {  	[tilespmem:s20+$0x5040] =	vst v0  }
0x1e: {  	[tilespmem:s20+$0x5050] =	vst v0  }
0x1f: {  	[tilespmem:s20+$0x5060] =	vst v0  }
0x20: {  	[spmem:s5] =	stream.linear.scatter [tilespmem:s14], [sflag:$0x1], $0x4000, $0x38;
	[tilespmem:$0x1D000] =	vst v63  }
0x21: {  	_ =	swait.ge [sflag:s15], $0x4000  }
0x22: {  	[sflag:s15] =	ssyncset.done $0x0  }
0x23: {  	[sflag:s15] =	ssyncadd.s32 $0xFFFFC000  }
0x24: {  	[spmem:s10] =	stream.linear.scatter [tilespmem:s14], [sflag:$0x1], $0x4000, $0x38;
	[tilespmem:$0x1D000] =	vst v63  }
0x25: {  	_ =	swait.ge [sflag:s15], $0x4000  }
0x26: {  	[sflag:s15] =	ssyncset.done $0x0  }
0x27: {  	[sflag:s15] =	ssyncadd.s32 $0xFFFFC000  }
0x28: {  	[spmem:s11] =	stream.linear.scatter [tilespmem:s14], [sflag:$0x1], $0x4000, $0x38;
	[tilespmem:$0x1D000] =	vst v63  }
0x29: {  	_ =	swait.ge [sflag:s15], $0x4000  }
0x2a: {  	[sflag:s15] =	ssyncset.done $0x0  }
0x2b: {  	[sflag:s15] =	ssyncadd.s32 $0xFFFFC000  }
0x2c: {  	[spmem:s12] =	stream.linear.scatter [tilespmem:s14], [sflag:$0x1], $0x4000, $0x38;
	[tilespmem:$0x1D000] =	vst v63  }
0x2d: {  	_ =	swait.ge [sflag:s15], $0x4000  }
0x2e: {  	[sflag:s15] =	ssyncset.done $0x0  }
0x2f: {  	[sflag:s15] =	ssyncadd.s32 $0xFFFFC000  }
0x30: {  	[spmem:s13] =	stream.linear.scatter [tilespmem:s14], [sflag:$0x1], $0x4000, $0x38;
	[tilespmem:$0x1D000] =	vst v63  }
0x31: {  	_ =	swait.ge [sflag:s15], $0x4000  }
0x32: {  	[sflag:s15] =	ssyncset.done $0x0  }
0x33: {  	[sflag:s15] =	ssyncadd.s32 $0xFFFFC000  }
0x34: {  	s29 =	simm.s32 $0x0;
	[bflag:$0x0] =	sbarrier.arrive $0xFFFF  }
0x35: {  	[tilespmem:s29], [sflag:$0x1] =	stream.linear.gather [hbm4b:s6+s29], $0x2800, $0x38;
	[tilespmem:$0x1D000] =	vst v63  }
0x36: {  	_ =	swait.ge [sflag:s15], $0x2800  }
0x37: {  	[sflag:s15] =	ssyncset.done $0x0  }
0x38: {  	[sflag:s15] =	ssyncadd.s32 $0xFFFFD800  }
0x39: {  	[tilespmem:s16], [sflag:$0x1] =	stream.linear.gather [hbm4b:s7+s29], $0x2800, $0x38;
	[tilespmem:$0x1D000] =	vst v63  }
0x3a: {  	_ =	swait.ge [sflag:s15], $0x2800  }
0x3b: {  	[sflag:s15] =	ssyncset.done $0x0  }
0x3c: {  	s30 =	simm.s32 $0x0;
	[sflag:s15] =	ssyncadd.s32 $0xFFFFD800  }
0x3d: {  	[tilespmem:s14], [sflag:$0x1] =	stream.indirect.gather [hbm4b:s4+s17], $0x80, s30, s17, $0xb8;
	[tilespmem:$0x1D000] =	vst v63  }
0x3e: {  	_ =	swait.ge [sflag:s15], $0x4000  }
0x3f: {  	[sflag:s15] =	ssyncset.done $0x0  }
0x40: {  	s31 =	simm.s32 $0x2800;
	[sflag:s15] =	ssyncadd.s32 $0xFFFFC000  }
0x41: {  	[spmem:s2] =	stream.indirect.scatter.add.f32 [tilespmem:s14], [sflag:$0x1], $0x80, s31, s17, $0xb8;
	[tilespmem:$0x1D000] =	vst v63  }
0x42: {  	_ =	swait.ge [sflag:s15], $0x4000  }
0x43: {  	s20 =	simm.s32 $0x200;
	s21 =	simm.s32 $0x400;
	[sflag:s15] =	ssyncset.done $0x0  }
.LBB2_4:
0x44: {  	s22 =	sshra.s32 s20, $0x2  }
0x45: {  	[sflag:s15] =	ssyncadd.s32 $0xFFFFC000;
	s20 =	smov.u32 s21;
	s23 =	sadd.s32 $0x200, s21  }
0x46: {  	[tilespmem:s14], [sflag:$0x1] =	stream.indirect.gather [hbm4b:s4+s17], $0x80, s22, s17, $0xb8;
	[tilespmem:$0x1D000] =	vst v63  }
0x47: {  	p0 =	sne.s32 s21, $0x9E00;
	_ =	swait.ge [sflag:s15], $0x4000  }
.Ltmp1:
0x48: {  	[sflag:s15] =	ssyncset.done $0x0;
	(pc) =	sbr.rel @p0 .LBB2_4-.Ltmp1, $4  }
0x49: {  	s21 =	sadd.s32 $0x2800, s22;
	[sflag:s15] =	ssyncadd.s32 $0xFFFFC000  }
0x4a: {  	[spmem:s2] =	stream.indirect.scatter.add.f32 [tilespmem:s14], [sflag:$0x1], $0x80, s21, s17, $0xb8;
	[tilespmem:$0x1D000] =	vst v63  }
0x4b: {  	_ =	swait.ge [sflag:s15], $0x4000  }
0x4c: {  	s21 =	smov.u32 s23;
	[sflag:s15] =	ssyncset.done $0x0  }
0x4d: {  	s20 =	sshra.s32 s20, $0x2;
	[sflag:s15] =	ssyncadd.s32 $0xFFFFC000  }
0x4e: {  	[tilespmem:s14], [sflag:$0x1] =	stream.indirect.gather [hbm4b:s4+s17], $0x80, s20, s17, $0xb8;
	[tilespmem:$0x1D000] =	vst v63  }
0x4f: {  	_ =	swait.ge [sflag:s15], $0x4000  }
0x50: {  	[sflag:s15] =	ssyncset.done $0x0  }
0x51: {  	s20 =	sadd.s32 $0x2800, s20;
	[sflag:s15] =	ssyncadd.s32 $0xFFFFC000  }
0x52: {  	[spmem:s2] =	stream.indirect.scatter.add.f32 [tilespmem:s14], [sflag:$0x1], $0x80, s20, s17, $0xb8;
	[tilespmem:$0x1D000] =	vst v63  }
0x53: {  	_ =	swait.ge [sflag:s15], $0x4000  }
0x54: {  	s3 =	sadd.s32 $0x1, s3;
	[sflag:s15] =	ssyncset.done $0x0  }
0x55: {  	p0 =	sne.s32 s3, s9;
	[sflag:s15] =	ssyncadd.s32 $0xFFFFC000  }
.Ltmp2:
0x56: {  	[bflag:$0x0] =	sbarrier.arrive $0xFFFF;
	(pc) =	sbr.rel @p0 .LBB2_1-.Ltmp2, $4  }
0x57: {  	[hbm:s8], [sflag:s18] =	dma.local [spmem:s19], $0x2800  }
0x58: {  	_ =	swait.ge [sflag:s15], $0x2800  }
0x59: {  	[sflag:s15] =	ssyncset.done $0x0  }
0x5a: {  	[sflag:s15] =	ssyncadd.s32 $0xFFFFD800  }
0x5b: {  	_ =	sfence.sel $0x180000  }
0x5c: {  	[bflag:$0x0] =	sbarrier.arrive $0xFFFF  }
0x5d: {  	p0 =	sne.s32 s0, $0x0;
	_ =	strace $0x90000053  }
0x5e: {  	s0 =	sadd.s32 @!p0 $0x100000, s1;
	[bflag:$0x2] =	sbarrier.arrive $0xFFFF  }
0x5f: {  	[sflag:s0] =	ssyncadd.tile.s32 @!p0 $0x1;
	_ =	shalt  }
.Lfunc_end2:
_tile_overlayer_lowered:
.L_overlay_start_2:
0x60: {  	(tag) =	ssettag $0x2  }
0x61: {  	s0 =	rddreg [dreg:$0x0];
	s2 =	stileid.u32  }
0x62: {  	s1 =	rddreg [dreg:$0x1];
	p0 =	sne.s32 s2, $0x0  }
0x63: {  	s3 =	rddreg [dreg:$0x2];
	[bflag:$0x3] =	sbarrier.arrive $0xFFFF;
	s2 =	simm.s32 @!p0 $0x1C01  }
0x64: {  	[timem:s3], [sflag:s2] =	dma.local @!p0 [hbm:s0], s1  }
0x65: {  	s0 =	simm.s32 @!p0 $0x1  }
0x66: {  	_ =	swait.ge @!p0 [sflag:s0], s1  }
0x67: {  	s1 =	ssub.s32 @!p0 $0x0, s1;
	[sflag:s0] =	ssyncset.done @!p0 $0x0  }
0x68: {  	[sflag:s0] =	ssyncadd.s32 @!p0 s1  }
0x69: {  	[bflag:$0x3] =	sbarrier.arrive $0xFFFF  }
0x6a: {  	_ =	shalt  }

// kernel: kernel.29.cloned.1.call-start
scs
__scs_entry_jumppad:
0x0: {  	(pc) =	sbr.rel $0x88, $3  }
0x1: {  	(tag) =	ssettag $0x0;
	lr =	simm.s32 $0x1  }
0x2: {  	[smem:$0x3F92] =	sst lr;
	_ =	strace $0xD0000000  }
0x3: {  	_ = 	snop  }
0x4: {  	_ = 	snop  }
0x5: {  	_ = 	snop  }
0x6: {  	_ = 	snop  }
0x7: {  	_ = 	snop  }
__scs_overlays_trampoline_lowered:
0x8: {  	[smem:$0x3FA1] =	sst s0  }
0x9: {  	[smem:$0x3FA2] =	sst s1  }
0xa: {  	[smem:$0x3FA3] =	sst s2  }
0xb: {  	[smem:$0x3FA4] =	sst s3  }
0xc: {  	[smem:$0x3FA5] =	sst s4  }
0xd: {  	[smem:$0x3FA6] =	sst s5  }
0xe: {  	[smem:$0x3FA7] =	sst s6  }
0xf: {  	[smem:$0x3FA8] =	sst s7  }
0x10: {  	[smem:$0x3FA9] =	sst s8  }
0x11: {  	[smem:$0x3FAA] =	sst s9;
	s0 =	simm.s32 @!p0 $0x0  }
0x12: {  	s1 =	sld [smem:$0x3F90];
	s0 =	simm.s32 @p0 $0x1  }
0x13: {  	[smem:$0x3FAB] =	sst s0;
	s0 =	simm.s32 @!p1 $0x0  }
0x14: {  	s2 =	sld [smem:$0x3F8F];
	s0 =	simm.s32 @p1 $0x1  }
0x15: {  	[smem:$0x3FAC] =	sst s0;
	s0 =	simm.s32 @!p2 $0x0  }
0x16: {  	s3 =	sld [smem:$0x3FDB];
	s0 =	simm.s32 @p2 $0x1  }
0x17: {  	s4 =	simm.s32 $0x1BF5;
	[smem:$0x3FAE] =	sst s0  }
0x18: {  	s0 =	sld [smem:$0x3F91];
	_ =	swait.ge [sflag:s4], $0x0  }
0x19: {  	s7 =	sld [smem:$0x3F92]  }
0x1a: {  	s8 =	sadd.s32 $0xFFFFE003, lr  }
0x1b: {  	s9 =	sadd.s32 $0xFFFFFEF7, lr;
	s5 =	simm.s32 $0xFFFFFFFF;
	p2 =	slt.u32 s8, $0xFFFFF086  }
0x1c: {  	p1 =	slt.u32 s9, $0xF7A;
	s5 =	simm.s32 @!p2 $0x0  }
0x1d: {  	s5 =	simm.s32 @p1 $0x1;
	p0 =	seq.s32 s7, s2  }
0x1e: {  	s7 =	smul.u32 @!p0 $0xF7A, s2;
	p2 =	seq.s32 @!p0 s5, $0x0  }
0x1f: {  	s9 =	smul.u32 $0xF7A, s1;
	s8 =	simm.s32 @!p0 $0x1BF5;
	p2 =	por !p2, p0  }
0x20: {  	[sflag:s8] =	ssyncset.s32 @!p0 $0xFFFFF086;
	s6 =	sadd.s32 @!p0 s3, s7;
	s7 =	simm.s32 @!p0 $0x108  }
0x21: {  	s3 =	sadd.s32 s3, s9;
	s6 =	sadd.s32 @!p0 $0x88, s6;
	s7 =	simm.s32 @p2 $0x1082  }
0x22: {  	[simem:s7], [sflag:s8] =	dma.local @!p0 [hbm:s6], $0xF7A  }
0x23: {  	s9 =	sor.u32 $0xD0000000, s2;
	s6 =	simm.s32 $0x108;
	_ =	swait.ge @!p0 [sflag:s8], $0x0  }
0x24: {  	s3 =	sadd.s32 $0x88, s3;
	s6 =	simm.s32 @!p1 $0x1082;
	[sflag:s4] =	ssyncset.s32 $0xFFFFF086  }
0x25: {  	[simem:s6], [sflag:s4] =	dma.local [hbm:s3], $0xF7A  }
0x26: {  	[smem:$0x3F92] =	sst s1;
	(tag) =	ssettag s2;
	_ =	strace s9  }
0x27: {  	s1 =	sld [smem:$0x3FA2]  }
0x28: {  	s2 =	sld [smem:$0x3FA3]  }
0x29: {  	s4 =	sld [smem:$0x3FA5]  }
0x2a: {  	p0 =	seq.s32 s5, $0x0;
	s5 =	sld [smem:$0x3FA6]  }
0x2b: {  	s6 =	sld [smem:$0x3FA7]  }
0x2c: {  	s7 =	sld [smem:$0x3FA8]  }
0x2d: {  	s3 =	simm.s32 $0x108;
	s8 =	sld [smem:$0x3FA9]  }
0x2e: {  	s3 =	simm.s32 @!p0 $0x1082;
	s9 =	sld [smem:$0x3FAA]  }
0x2f: {  	lr =	sadd.s32 s0, s3;
	s0 =	sld [smem:$0x3FA1]  }
0x30: {  	s3 =	sld [smem:$0x3FA4]  }
0x31: {  	[smem:$0x3FAD] =	sst s10  }
0x32: {  	s10 =	sld [smem:$0x3FAB];
	_ =	sdelay $0x3  }
0x33: {  	p0 =	seq.s32 s10, $0x1;
	s10 =	sld [smem:$0x3FAD];
	_ =	sdelay $0x3  }
0x34: {  	[smem:$0x3FAD] =	sst s10  }
0x35: {  	s10 =	sld [smem:$0x3FAC];
	_ =	sdelay $0x3  }
0x36: {  	p1 =	seq.s32 s10, $0x1;
	s10 =	sld [smem:$0x3FAD];
	_ =	sdelay $0x3  }
0x37: {  	[smem:$0x3FAD] =	sst s10  }
0x38: {  	s10 =	sld [smem:$0x3FAE]  }
0x39: {  	_ = 	snop;
	(pc) =	sbr.ind lr, $3  }
0x3a: {  	_ = 	snop  }
0x3b: {  	_ = 	snop  }
0x3c: {  	p2 =	seq.s32 s10, $0x1;
	s10 =	sld [smem:$0x3FAD]  }
0x3d: {  	_ =	shalt  }
0x3e: {  	_ =	shalt  }
0x3f: {  	_ =	shalt  }
0x40: {  	_ =	shalt  }
0x41: {  	_ =	shalt  }
0x42: {  	_ =	shalt  }
0x43: {  	_ =	shalt  }
0x44: {  	_ =	shalt  }
0x45: {  	_ =	shalt  }
0x46: {  	_ =	shalt  }
0x47: {  	_ =	shalt  }
0x48: {  	_ =	shalt  }
0x49: {  	_ =	shalt  }
0x4a: {  	_ =	shalt  }
0x4b: {  	_ =	shalt  }
0x4c: {  	_ =	shalt  }
0x4d: {  	_ =	shalt  }
0x4e: {  	_ =	shalt  }
0x4f: {  	_ =	shalt  }
0x50: {  	_ =	shalt  }
0x51: {  	_ =	shalt  }
0x52: {  	_ =	shalt  }
0x53: {  	_ =	shalt  }
0x54: {  	_ =	shalt  }
0x55: {  	_ =	shalt  }
0x56: {  	_ =	shalt  }
0x57: {  	_ =	shalt  }
0x58: {  	_ =	shalt  }
0x59: {  	_ =	shalt  }
0x5a: {  	_ =	shalt  }
0x5b: {  	_ =	shalt  }
0x5c: {  	_ =	shalt  }
0x5d: {  	_ =	shalt  }
0x5e: {  	_ =	shalt  }
0x5f: {  	_ =	shalt  }
0x60: {  	_ =	shalt  }
0x61: {  	_ =	shalt  }
0x62: {  	_ =	shalt  }
0x63: {  	_ =	shalt  }
0x64: {  	_ =	shalt  }
0x65: {  	_ =	shalt  }
0x66: {  	_ =	shalt  }
0x67: {  	_ =	shalt  }
0x68: {  	_ =	shalt  }
0x69: {  	_ =	shalt  }
0x6a: {  	_ =	shalt  }
0x6b: {  	_ =	shalt  }
0x6c: {  	_ =	shalt  }
0x6d: {  	_ =	shalt  }
0x6e: {  	_ =	shalt  }
0x6f: {  	_ =	shalt  }
0x70: {  	_ =	shalt  }
0x71: {  	_ =	shalt  }
0x72: {  	_ =	shalt  }
0x73: {  	_ =	shalt  }
0x74: {  	_ =	shalt  }
0x75: {  	_ =	shalt  }
0x76: {  	_ =	shalt  }
0x77: {  	_ =	shalt  }
0x78: {  	_ =	shalt  }
0x79: {  	_ =	shalt  }
0x7a: {  	_ =	shalt  }
0x7b: {  	_ =	shalt  }
0x7c: {  	_ =	shalt  }
0x7d: {  	_ =	shalt  }
0x7e: {  	_ =	shalt  }
0x7f: {  	_ =	shalt  }
0x80: {  	_ =	shalt  }
0x81: {  	_ =	shalt  }
0x82: {  	_ =	shalt  }
0x83: {  	_ =	shalt  }
0x84: {  	_ =	shalt  }
0x85: {  	_ =	shalt  }
0x86: {  	_ =	shalt  }
0x87: {  	_ =	shalt  }
.Lfunc_end0:
.L_simem_size_0:
called_computation.5_lowered:
.L_overlay_start_0:
0x88: {  	s2 =	sld [smem:$0x3FD9]  }
0x89: {  	s3 =	sld [smem:$0x3FFE];
	_ =	sdelay $0x1  }
0x8a: {  	s1 =	srdreg.scid  }
0x8b: {  	s0 =	sand.u32 $0x1, s1  }
0x8c: {  	s16 =	sshll.u32 s0, $0xA;
	s2 =	sadd.s32 s3, s2  }
0x8d: {  	s2 =	sadd.s32 s2, s16  }
0x8e: {  	[smem:$0x3FB9] =	sst s2  }
0x8f: {  	_ = 	snop  }
0x90: {  	(tm) =	ssettm $0x1  }
0x91: {  	s17 =	sld [smem:$0x3FFB];
	_ =	sdelay $0x3  }
0x92: {  	_ =	strace s17  }
0x93: {  	s2 =	sld [smem:$0x3FFC];
	_ =	sdelay $0x3  }
0x94: {  	_ =	strace s2  }
0x95: {  	s2 =	sld [smem:$0x3FFD];
	_ =	sdelay $0x3  }
0x96: {  	_ =	strace s2  }
0x97: {  	_ =	strace $0x8FFFFFFF  }
0x98: {  	s18 =	sld [smem:$0x3FDB];
	_ =	sdelay $0x1  }
0x99: {  	s19 =	simm.s32 $_scs_section_size  }
0x9a: {  	s4 =	simm.s32 $_size__tile_overlayer_lowered;
	s5 =	simm.s32 $_tile_overlayer_lowered  }
0x9b: {  	s22 =	simm.s32 $0x1BFF;
	s21 =	sshll.u32 s5, $0x1;
	s2 =	sadd.s32 s19, s18  }
0x9c: {  	s6 =	simm.s32 $0x0;
	s20 =	sshll.u32 s4, $0x1;
	s4 =	sadd.s32 s21, s2  }
0x9d: {  	[timem:s6], [sflag:s22] =	dma.local [hbm:s4], s20  }
0x9e: {  	_ =	swait.ge [sflag:s22], s20  }
0x9f: {  	s3 =	ssub.s32 $0x0, s20;
	[sflag:s22] =	ssyncset.done $0x0  }
0xa0: {  	[sflag:s22] =	ssyncadd.s32 s3;
	_ =	sdelay $0x1  }
0xa1: {  	s23 =	simm.s32 $0x1B8B  }
0xa2: {  	_ =	swait.ge [sflag:s23], $0x1  }
0xa3: {  	[sflag:s23] =	ssyncset.done $0x0  }
0xa4: {  	s25 =	simm.s32 $0x1B8E;
	s24 =	sld [smem:$0x3FFE];
	[sflag:s23] =	ssyncadd.s32 $0xFFFFFFFF  }
0xa5: {  	s26 =	simm.s32 $execute0_lowered;
	[smem:$0x3FD2] =	sst s25  }
0xa6: {  	s4 =	sshll.u32 s26, $0x1;
	_ =	strace $0x80000055;
	[dreg:$0x1] =	wrdreg $0xFFFFFFFF  }
0xa7: {  	s28 =	simm.s32 $_size_execute0_lowered;
	s2 =	sadd.s32 s2, s4;
	[dreg:$0x0] =	wrdreg $0x0  }
0xa8: {  	s4 =	sshll.u32 s28, $0x1;
	[dreg:$0x2] =	wrdreg s2  }
0xa9: {  	[dreg:$0x3] =	wrdreg s4  }
0xaa: {  	[dreg:$0x4] =	wrdreg $0xC0  }
0xab: {  	_ =	task [dreg:s6], $0x5FFFF  }
0xac: {  	[dreg:$0x1] =	wrdreg $0xFFFFFFFF  }
0xad: {  	[dreg:$0x0] =	wrdreg $0x60  }
0xae: {  	[dreg:$0x2] =	wrdreg s24  }
0xaf: {  	[dreg:$0x3] =	wrdreg $0x90000  }
0xb0: {  	[dreg:$0x4] =	wrdreg $0x9  }
0xb1: {  	_ =	task.clear_ibuf [dreg:s6], $0x5FFFF;
	_ =	strace $0x90000055  }
0xb2: {  	s29 =	simm.s32 $0x9;
	_ =	strace $0x80000057  }
0xb3: {  	_ =	swait.ge [sflag:s29], $0x1  }
0xb4: {  	[sflag:s29] =	ssyncadd.s32 $0xFFFFFFFF  }
0xb5: {  	_ =	strace $0x90000057  }
0xb6: {  	_ =	sfence  }
0xb7: {  	s30 =	sld [smem:$0x0];
	_ =	sdelay $0x2  }
0xb8: {  	s31 =	sshll.u32 s1, $0xD;
	s1 =	sshrl.u32 s1, $0x2  }
0xb9: {  	s3 =	sand.u32 $0x4000, s31;
	s1 =	sadd.s32 s1, s30  }
0xba: {  	s0 =	sor.u32 s3, s0;
	s1 =	sshll.u32 s1, $0x11  }
0xbb: {  	s0 =	sor.u32 s1, s0  }
0xbc: {  	s0 =	sadd.s32 $0x8F2B, s0  }
0xbd: {  	[sflag:s0] =	ssyncadd.remote.s32 $0x1  }
0xbe: {  	_ =	sfence.sel $0xFFFF  }
0xbf: {  	[dreg:$0x0] =	wrdreg $0xFFFFFFFF;
	(pc) =	sbr.abs _section_cstart, $3  }
0xc0: {  	[dreg:$0x1] =	wrdreg $0xFFFFFFFF  }
0xc1: {  	_ =	task.clear_ibuf [dreg:s6], $0x2FFFF;
	_ =	strace $0x9FFFFFFF  }
0xc2: {  	(tm) =	ssettm $0x7FFFFFFF  }
0xc3: {  	_ =	shalt  }
tec
execute0_lowered:
.L_overlay_start_1:
0x0: {  	(tag) =	ssettag $0x1  }
0x1: {  	s6 =	rddreg [dreg:$0x0]  }
0x2: {  	s0 =	srdreg.scid;
	s2 =	rddreg [dreg:$0x1];
	s3 =	simm.s32 $0x0  }
0x3: {  	s14 =	simm.s32 $0x5000;
	s15 =	simm.s32 $0x1;
	s5 =	sand.u32 $0x1, s0  }
0x4: {  	s16 =	simm.s32 $0x2800;
	s0 =	stileid.u32;
	s8 =	smul.u32 $0x140000, s5  }
0x5: {  	s17 =	simm.s32 $0x80;
	[smem:$0x7FF] =	sst s3;
	s9 =	smul.u32 $0x14000, s0  }
0x6: {  	s4 =	sadd.s32 $0xE800, s6;
	s1 =	sshll.u32 s5, $0x4;
	s10 =	smul.u32 $0x50000, s0  }
0x7: {  	s5 =	ssub.s32 $0x2, s5;
	s18 =	sshll.u32 s0, $0x6;
	s1 =	sor.u32 s0, s1  }
0x8: {  	s31 =	sshrl.u32 s5, $0x1;
	s18 =	sor.u32 $0x1C01, s18;
	s7 =	smul.u32 $0x500, s1  }
0x9: {  	s1 =	rddreg [dreg:$0x2];
	_ =	strace $0x80000056;
	s8 =	sadd.s32 s9, s8  }
0xa: {  	s10 =	sshrl.u32 s10, $0x2;
	s9 =	ssub.s32 s5, s31;
	s8 =	sshrl.u32 s8, $0x3  }
0xb: {  	s5 =	sadd.s32 s10, s2;
	s9 =	smax.u32 s9, $0x1;
	s7 =	sadd.s32 s7, s6  }
0xc: {  	s8 =	sadd.s32 s8, s6;
	s10 =	sadd.s32 $0x4000, s5;
	s11 =	sadd.s32 $0x8000, s5  }
0xd: {  	s12 =	sadd.s32 $0xC000, s5;
	s13 =	sadd.s32 $0x10000, s5;
	s19 =	sshrl.u32 s5, $0x3  }
0xe: {  	v0 =	vimm.f32 $0.0e+00;
	s6 =	sadd.s32 $0x5E800, s7;
	s7 =	sadd.s32 $0x4800, s7;
	s8 =	sadd.s32 $0x68800, s8  }
.LBB2_1:
0xf: {  	s20 =	simm.s32 $0x0;
	s21 =	simm.s32 $0x200  }
.LBB2_2:
0x10: {  	p0 =	sne.s32 s21, $0xFE00;
	[tilespmem:s20+$0x5070] =	vst v0  }
0x11: {  	[tilespmem:s20+$0x5000] =	vst v0  }
0x12: {  	[tilespmem:s20+$0x5010] =	vst v0  }
.Ltmp0:
0x13: {  	[tilespmem:s20+$0x5020] =	vst v0;
	(pc) =	sbr.rel @p0 .LBB2_2-.Ltmp0, $4  }
0x14: {  	[tilespmem:s20+$0x5030] =	vst v0  }
0x15: {  	[tilespmem:s20+$0x5040] =	vst v0  }
0x16: {  	[tilespmem:s20+$0x5050] =	vst v0  }
0x17: {  	[tilespmem:s20+$0x5060] =	vst v0;
	s20 =	sshra.s32 s21, $0x2;
	s21 =	sadd.s32 $0x200, s21  }
0x18: {  	[tilespmem:s20+$0x5070] =	vst v0  }
0x19: {  	[tilespmem:s20+$0x5000] =	vst v0  }
0x1a: {  	[tilespmem:s20+$0x5010] =	vst v0  }
0x1b: {  	[tilespmem:s20+$0x5020] =	vst v0  }
0x1c: {  	[tilespmem:s20+$0x5030] =	vst v0  }
0x1d: {  	[tilespmem:s20+$0x5040] =	vst v0  }
0x1e: {  	[tilespmem:s20+$0x5050] =	vst v0  }
0x1f: {  	[tilespmem:s20+$0x5060] =	vst v0  }
0x20: {  	[spmem:s5] =	stream.linear.scatter [tilespmem:s14], [sflag:$0x1], $0x4000, $0x38;
	[tilespmem:$0x1D000] =	vst v63  }
0x21: {  	_ =	swait.ge [sflag:s15], $0x4000  }
0x22: {  	[sflag:s15] =	ssyncset.done $0x0  }
0x23: {  	[sflag:s15] =	ssyncadd.s32 $0xFFFFC000  }
0x24: {  	[spmem:s10] =	stream.linear.scatter [tilespmem:s14], [sflag:$0x1], $0x4000, $0x38;
	[tilespmem:$0x1D000] =	vst v63  }
0x25: {  	_ =	swait.ge [sflag:s15], $0x4000  }
0x26: {  	[sflag:s15] =	ssyncset.done $0x0  }
0x27: {  	[sflag:s15] =	ssyncadd.s32 $0xFFFFC000  }
0x28: {  	[spmem:s11] =	stream.linear.scatter [tilespmem:s14], [sflag:$0x1], $0x4000, $0x38;
	[tilespmem:$0x1D000] =	vst v63  }
0x29: {  	_ =	swait.ge [sflag:s15], $0x4000  }
0x2a: {  	[sflag:s15] =	ssyncset.done $0x0  }
0x2b: {  	[sflag:s15] =	ssyncadd.s32 $0xFFFFC000  }
0x2c: {  	[spmem:s12] =	stream.linear.scatter [tilespmem:s14], [sflag:$0x1], $0x4000, $0x38;
	[tilespmem:$0x1D000] =	vst v63  }
0x2d: {  	_ =	swait.ge [sflag:s15], $0x4000  }
0x2e: {  	[sflag:s15] =	ssyncset.done $0x0  }
0x2f: {  	[sflag:s15] =	ssyncadd.s32 $0xFFFFC000  }
0x30: {  	[spmem:s13] =	stream.linear.scatter [tilespmem:s14], [sflag:$0x1], $0x4000, $0x38;
	[tilespmem:$0x1D000] =	vst v63  }
0x31: {  	_ =	swait.ge [sflag:s15], $0x4000  }
0x32: {  	[sflag:s15] =	ssyncset.done $0x0  }
0x33: {  	[sflag:s15] =	ssyncadd.s32 $0xFFFFC000  }
0x34: {  	s29 =	simm.s32 $0x0;
	[bflag:$0x0] =	sbarrier.arrive $0xFFFF  }
0x35: {  	[tilespmem:s29], [sflag:$0x1] =	stream.linear.gather [hbm4b:s6+s29], $0x2800, $0x38;
	[tilespmem:$0x1D000] =	vst v63  }
0x36: {  	_ =	swait.ge [sflag:s15], $0x2800  }
0x37: {  	[sflag:s15] =	ssyncset.done $0x0  }
0x38: {  	[sflag:s15] =	ssyncadd.s32 $0xFFFFD800  }
0x39: {  	[tilespmem:s16], [sflag:$0x1] =	stream.linear.gather [hbm4b:s7+s29], $0x2800, $0x38;
	[tilespmem:$0x1D000] =	vst v63  }
0x3a: {  	_ =	swait.ge [sflag:s15], $0x2800  }
0x3b: {  	[sflag:s15] =	ssyncset.done $0x0  }
0x3c: {  	s30 =	simm.s32 $0x0;
	[sflag:s15] =	ssyncadd.s32 $0xFFFFD800  }
0x3d: {  	[tilespmem:s14], [sflag:$0x1] =	stream.indirect.gather [hbm4b:s4+s17], $0x80, s30, s17, $0xb8;
	[tilespmem:$0x1D000] =	vst v63  }
0x3e: {  	_ =	swait.ge [sflag:s15], $0x4000  }
0x3f: {  	[sflag:s15] =	ssyncset.done $0x0  }
0x40: {  	s31 =	simm.s32 $0x2800;
	[sflag:s15] =	ssyncadd.s32 $0xFFFFC000  }
0x41: {  	[spmem:s2] =	stream.indirect.scatter.add.f32 [tilespmem:s14], [sflag:$0x1], $0x80, s31, s17, $0xb8;
	[tilespmem:$0x1D000] =	vst v63  }
0x42: {  	_ =	swait.ge [sflag:s15], $0x4000  }
0x43: {  	s20 =	simm.s32 $0x200;
	s21 =	simm.s32 $0x400;
	[sflag:s15] =	ssyncset.done $0x0  }
.LBB2_4:
0x44: {  	s22 =	sshra.s32 s20, $0x2  }
0x45: {  	[sflag:s15] =	ssyncadd.s32 $0xFFFFC000;
	s20 =	smov.u32 s21;
	s23 =	sadd.s32 $0x200, s21  }
0x46: {  	[tilespmem:s14], [sflag:$0x1] =	stream.indirect.gather [hbm4b:s4+s17], $0x80, s22, s17, $0xb8;
	[tilespmem:$0x1D000] =	vst v63  }
0x47: {  	p0 =	sne.s32 s21, $0x9E00;
	_ =	swait.ge [sflag:s15], $0x4000  }
.Ltmp1:
0x48: {  	[sflag:s15] =	ssyncset.done $0x0;
	(pc) =	sbr.rel @p0 .LBB2_4-.Ltmp1, $4  }
0x49: {  	s21 =	sadd.s32 $0x2800, s22;
	[sflag:s15] =	ssyncadd.s32 $0xFFFFC000  }
0x4a: {  	[spmem:s2] =	stream.indirect.scatter.add.f32 [tilespmem:s14], [sflag:$0x1], $0x80, s21, s17, $0xb8;
	[tilespmem:$0x1D000] =	vst v63  }
0x4b: {  	_ =	swait.ge [sflag:s15], $0x4000  }
0x4c: {  	s21 =	smov.u32 s23;
	[sflag:s15] =	ssyncset.done $0x0  }
0x4d: {  	s20 =	sshra.s32 s20, $0x2;
	[sflag:s15] =	ssyncadd.s32 $0xFFFFC000  }
0x4e: {  	[tilespmem:s14], [sflag:$0x1] =	stream.indirect.gather [hbm4b:s4+s17], $0x80, s20, s17, $0xb8;
	[tilespmem:$0x1D000] =	vst v63  }
0x4f: {  	_ =	swait.ge [sflag:s15], $0x4000  }
0x50: {  	[sflag:s15] =	ssyncset.done $0x0  }
0x51: {  	s20 =	sadd.s32 $0x2800, s20;
	[sflag:s15] =	ssyncadd.s32 $0xFFFFC000  }
0x52: {  	[spmem:s2] =	stream.indirect.scatter.add.f32 [tilespmem:s14], [sflag:$0x1], $0x80, s20, s17, $0xb8;
	[tilespmem:$0x1D000] =	vst v63  }
0x53: {  	_ =	swait.ge [sflag:s15], $0x4000  }
0x54: {  	s3 =	sadd.s32 $0x1, s3;
	[sflag:s15] =	ssyncset.done $0x0  }
0x55: {  	p0 =	sne.s32 s3, s9;
	[sflag:s15] =	ssyncadd.s32 $0xFFFFC000  }
.Ltmp2:
0x56: {  	[bflag:$0x0] =	sbarrier.arrive $0xFFFF;
	(pc) =	sbr.rel @p0 .LBB2_1-.Ltmp2, $4  }
0x57: {  	[hbm:s8], [sflag:s18] =	dma.local [spmem:s19], $0x2800  }
0x58: {  	_ =	swait.ge [sflag:s15], $0x2800  }
0x59: {  	[sflag:s15] =	ssyncset.done $0x0  }
0x5a: {  	[sflag:s15] =	ssyncadd.s32 $0xFFFFD800  }
0x5b: {  	_ =	sfence.sel $0x180000  }
0x5c: {  	[bflag:$0x0] =	sbarrier.arrive $0xFFFF  }
0x5d: {  	p0 =	sne.s32 s0, $0x0;
	_ =	strace $0x90000056  }
0x5e: {  	s0 =	sadd.s32 @!p0 $0x100000, s1;
	[bflag:$0x2] =	sbarrier.arrive $0xFFFF  }
0x5f: {  	[sflag:s0] =	ssyncadd.tile.s32 @!p0 $0x1;
	_ =	shalt  }
.Lfunc_end2:
_tile_overlayer_lowered:
.L_overlay_start_2:
0x60: {  	(tag) =	ssettag $0x2  }
0x61: {  	s0 =	rddreg [dreg:$0x0];
	s2 =	stileid.u32  }
0x62: {  	s1 =	rddreg [dreg:$0x1];
	p0 =	sne.s32 s2, $0x0  }
0x63: {  	s3 =	rddreg [dreg:$0x2];
	[bflag:$0x3] =	sbarrier.arrive $0xFFFF;
	s2 =	simm.s32 @!p0 $0x1C01  }
0x64: {  	[timem:s3], [sflag:s2] =	dma.local @!p0 [hbm:s0], s1  }
0x65: {  	s0 =	simm.s32 @!p0 $0x1  }
0x66: {  	_ =	swait.ge @!p0 [sflag:s0], s1  }
0x67: {  	s1 =	ssub.s32 @!p0 $0x0, s1;
	[sflag:s0] =	ssyncset.done @!p0 $0x0  }
0x68: {  	[sflag:s0] =	ssyncadd.s32 @!p0 s1  }
0x69: {  	[bflag:$0x3] =	sbarrier.arrive $0xFFFF  }
0x6a: {  	_ =	shalt  }

</sc_bundles>
